<compile_context>
chip_gen: v7x
topology: tpu7x:2x2x1
jax: 0.10.2.dev20260603
libtpu: 0.0.44.dev20260713+nightly
codegen_flags: <defaults>
</compile_context>

<pallas_src>
import functools

import jax
import jax.numpy as jnp
from jax import lax
from jax.experimental import pallas as pl
from jax.experimental.pallas import tpu as pltpu
from jax.experimental.pallas import tpu_sc as plsc

N = 10000
E = 320000
IN = 128
HID = 256
OUT = 128

BLK = 128
R = 10112
NW = 32
CHUNK = 128
GSZ = 8
NGRP = 10
NCHUNK = GSZ * NGRP
EW = NCHUNK * CHUNK
EPAD = NW * EW
RPT = R // 16
BROWS = 80
TAIL = 72
DW = 16


def _make_sc_agg():
    mesh = plsc.VectorSubcoreMesh(core_axis_name="c", subcore_axis_name="s")

    @functools.partial(
        pl.kernel,
        mesh=mesh,
        out_type=jax.ShapeDtypeStruct((2, R, IN), jnp.float32),
        scratch_types=[
            pltpu.VMEM((GSZ, CHUNK), jnp.int32),
            pltpu.VMEM((GSZ, CHUNK), jnp.int32),
            pltpu.VMEM((CHUNK, IN), jnp.float32),
            pltpu.VMEM((CHUNK, IN), jnp.float32),
            pltpu.VMEM_SHARED((R, IN), jnp.float32),
            pltpu.SemaphoreType.DMA,
            pltpu.SemaphoreType.DMA,
            pltpu.SemaphoreType.DMA,
            pltpu.SemaphoreType.DMA,
        ],
    )
    def body(rows_hbm, srcg_hbm, dstg_hbm, zeros_hbm, out_hbm,
             src_blk, dst_blk, rows0, rows1, acc,
             semg0, semg1, sems0, sems1):
        c = lax.axis_index("c")
        s = lax.axis_index("s")
        wid = c * 16 + s
        gbase = wid * NGRP
        bounce = rows0.at[pl.ds(0, BROWS)]
        pltpu.sync_copy(zeros_hbm, bounce)

        def zbody(k, carry):
            pltpu.sync_copy(bounce, acc.at[pl.ds(s * RPT + k * BROWS, BROWS)])
            return carry

        lax.fori_loop(0, 7, zbody, 0)
        pltpu.sync_copy(bounce.at[pl.ds(0, TAIL)],
                        acc.at[pl.ds(s * RPT + 7 * BROWS, TAIL)])
        plsc.subcore_barrier()

        def drain(rv, sem):
            pltpu.make_async_copy(rows_hbm.at[pl.ds(0, CHUNK)], rv, sem).wait()

        def gbody(g, carry):
            @pl.when(g > 0)
            def _():
                drain(rows0, sems0)
                drain(rows1, sems1)

            pltpu.sync_copy(srcg_hbm.at[gbase + g], src_blk)
            pltpu.sync_copy(dstg_hbm.at[gbase + g], dst_blk)

            def pbody(t, carry2):
                @pl.when(t > 0)
                def _():
                    drain(rows0, sems0)
                pltpu.async_copy(
                    rows_hbm.at[src_blk.at[2 * t]], rows0, semg0).wait()
                pltpu.async_copy(rows0, acc.at[dst_blk.at[2 * t]], sems0,
                                 add=True)

                @pl.when(t > 0)
                def _():
                    drain(rows1, sems1)
                pltpu.async_copy(
                    rows_hbm.at[src_blk.at[2 * t + 1]], rows1, semg1).wait()
                pltpu.async_copy(rows1, acc.at[dst_blk.at[2 * t + 1]], sems1,
                                 add=True)
                return carry2

            lax.fori_loop(0, GSZ // 2, pbody, 0)
            return carry

        lax.fori_loop(0, NGRP, gbody, 0)
        drain(rows0, sems0)
        drain(rows1, sems1)
        plsc.subcore_barrier()

        def obody(k, carry):
            r0 = s * RPT + k * BROWS
            pltpu.sync_copy(acc.at[pl.ds(r0, BROWS)], bounce)
            pltpu.sync_copy(bounce, out_hbm.at[c, pl.ds(r0, BROWS)])
            return carry

        lax.fori_loop(0, 7, obody, 0)
        r7 = s * RPT + 7 * BROWS
        pltpu.sync_copy(acc.at[pl.ds(r7, TAIL)], bounce.at[pl.ds(0, TAIL)])
        pltpu.sync_copy(bounce.at[pl.ds(0, TAIL)],
                        out_hbm.at[c, pl.ds(r7, TAIL)])

    return body


def _make_sc_deg():
    mesh = plsc.VectorSubcoreMesh(core_axis_name="c", subcore_axis_name="s")

    @functools.partial(
        pl.kernel,
        mesh=mesh,
        out_type=jax.ShapeDtypeStruct((2, R, DW), jnp.float32),
        scratch_types=[
            pltpu.VMEM((GSZ, CHUNK), jnp.int32),
            pltpu.VMEM((CHUNK, DW), jnp.float32),
            pltpu.VMEM_SHARED((R, DW), jnp.float32),
        ],
    )
    def body(dstg_hbm, ones16_hbm, deg_hbm, dst_blk, ones_v, acc_deg):
        c = lax.axis_index("c")
        s = lax.axis_index("s")
        wid = c * 16 + s
        gbase = wid * NGRP
        bounce = ones_v.at[pl.ds(0, BROWS)]
        pltpu.sync_copy(ones16_hbm.at[pl.ds(CHUNK, BROWS)], bounce)

        def zbody(k, carry):
            pltpu.sync_copy(bounce,
                            acc_deg.at[pl.ds(s * RPT + k * BROWS, BROWS)])
            return carry

        lax.fori_loop(0, 7, zbody, 0)
        pltpu.sync_copy(bounce.at[pl.ds(0, TAIL)],
                        acc_deg.at[pl.ds(s * RPT + 7 * BROWS, TAIL)])
        pltpu.sync_copy(ones16_hbm.at[pl.ds(0, CHUNK)], ones_v)
        plsc.subcore_barrier()

        def gbody(g, carry):
            pltpu.sync_copy(dstg_hbm.at[gbase + g], dst_blk)

            def sbody(k, carry2):
                pltpu.sync_copy(ones_v, acc_deg.at[dst_blk.at[k]], add=True)
                return carry2

            lax.fori_loop(0, GSZ, sbody, 0)
            return carry

        lax.fori_loop(0, NGRP, gbody, 0)
        plsc.subcore_barrier()

        def obody(k, carry):
            r0 = s * RPT + k * BROWS
            pltpu.sync_copy(acc_deg.at[pl.ds(r0, BROWS)], bounce)
            pltpu.sync_copy(bounce, deg_hbm.at[c, pl.ds(r0, BROWS)])
            return carry

        lax.fori_loop(0, 7, obody, 0)
        r7 = s * RPT + 7 * BROWS
        pltpu.sync_copy(acc_deg.at[pl.ds(r7, TAIL)], bounce.at[pl.ds(0, TAIL)])
        pltpu.sync_copy(bounce.at[pl.ds(0, TAIL)],
                        deg_hbm.at[c, pl.ds(r7, TAIL)])

    return body


_sc_agg = _make_sc_agg()
_sc_deg = _make_sc_deg()


def _dot_t(a, b):
    return lax.dot_general(a, b, (((1,), (1,)), ((), ())),
                           preferred_element_type=jnp.float32)


def _tc1_body(p0, p1, pd0, pd1, xb, w1l, b1l, w1r, w2l, b2l, w2r,
              p2_out, op_out):
    agg = p0[...] + p1[...]
    deg = pd0[:, :1] + pd1[:, :1]
    dinv = 1.0 / jnp.maximum(deg, 1.0)
    mean = agg * dinv
    h = _dot_t(mean, w1l[...]) + b1l[...] + _dot_t(xb[...], w1r[...])
    h = jnp.maximum(h, 0.0)
    p2_out[...] = _dot_t(h, w2l[...])
    op_out[...] = b2l[...] + _dot_t(h, w2r[...])


_tc1 = pl.pallas_call(
    _tc1_body,
    grid=(R // BLK,),
    in_specs=[
        pl.BlockSpec((BLK, IN), lambda i: (i, 0)),
        pl.BlockSpec((BLK, IN), lambda i: (i, 0)),
        pl.BlockSpec((BLK, DW), lambda i: (i, 0)),
        pl.BlockSpec((BLK, DW), lambda i: (i, 0)),
        pl.BlockSpec((BLK, IN), lambda i: (i, 0)),
        pl.BlockSpec((HID, IN), lambda i: (0, 0)),
        pl.BlockSpec((1, HID), lambda i: (0, 0)),
        pl.BlockSpec((HID, IN), lambda i: (0, 0)),
        pl.BlockSpec((OUT, HID), lambda i: (0, 0)),
        pl.BlockSpec((1, OUT), lambda i: (0, 0)),
        pl.BlockSpec((OUT, HID), lambda i: (0, 0)),
    ],
    out_specs=[
        pl.BlockSpec((BLK, OUT), lambda i: (i, 0)),
        pl.BlockSpec((BLK, OUT), lambda i: (i, 0)),
    ],
    out_shape=[
        jax.ShapeDtypeStruct((R, OUT), jnp.float32),
        jax.ShapeDtypeStruct((R, OUT), jnp.float32),
    ],
)


def _tc2_body(q0, q1, pd0, pd1, op, o_out):
    deg = pd0[:, :1] + pd1[:, :1]
    dinv = 1.0 / jnp.maximum(deg, 1.0)
    o_out[...] = (q0[...] + q1[...]) * dinv + op[...]


_tc2 = pl.pallas_call(
    _tc2_body,
    grid=(R // BLK,),
    in_specs=[
        pl.BlockSpec((BLK, OUT), lambda i: (i, 0)),
        pl.BlockSpec((BLK, OUT), lambda i: (i, 0)),
        pl.BlockSpec((BLK, DW), lambda i: (i, 0)),
        pl.BlockSpec((BLK, DW), lambda i: (i, 0)),
        pl.BlockSpec((BLK, OUT), lambda i: (i, 0)),
    ],
    out_specs=pl.BlockSpec((BLK, OUT), lambda i: (i, 0)),
    out_shape=jax.ShapeDtypeStruct((R, OUT), jnp.float32),
)


def kernel(x, edge, W1l, b1l, W1r, W2l, b2l, W2r):
    src = edge[0].astype(jnp.int32)
    dst = edge[1].astype(jnp.int32)
    srcg = jnp.concatenate(
        [src, jnp.zeros((EPAD - E,), jnp.int32)]).reshape(NW * NGRP, GSZ, CHUNK)
    pad_dst = N + jnp.arange(EPAD - E, dtype=jnp.int32) % (R - N)
    dstg = jnp.concatenate([dst, pad_dst]).reshape(NW * NGRP, GSZ, CHUNK)

    xp = jnp.pad(x, ((0, R - N), (0, 0)))
    zeros = jnp.zeros((BROWS, IN), jnp.float32)
    ones16 = jnp.concatenate([jnp.ones((CHUNK, DW), jnp.float32),
                              jnp.zeros((BROWS, DW), jnp.float32)])

    P = _sc_agg(xp, srcg, dstg, zeros)
    PD = _sc_deg(dstg, ones16)
    p2, opart = _tc1(P[0], P[1], PD[0], PD[1], xp,
                     W1l, b1l.reshape(1, HID), W1r, W2l,
                     b2l.reshape(1, OUT), W2r)
    Q = _sc_agg(p2, srcg, dstg, zeros)
    out = _tc2(Q[0], Q[1], PD[0], PD[1], opart)
    return out[:N]

# --- scband reference (transcript-rebuilt; emitter-appended) ---
"""Pipeline reference for scband-graph-sage-3083786518793 (READ-ONLY COPY).

The authoritative reference and input builder live on the scoring server;
editing this copy changes nothing except your own understanding.
"""

import jax, jax.numpy as jnp
import numpy as np

N_NODES = 10000
N_EDGES = 320000
IN_DIM = 128
HIDDEN = 256
OUT_DIM = 128


def setup_inputs(seed: int = 0) -> dict:
    key = jax.random.key(seed)
    ks = jax.random.split(key, 8)
    x = jax.random.normal(ks[0], (N_NODES, IN_DIM), dtype=jnp.float32)
    edge = jax.random.randint(ks[1], (2, N_EDGES), 0, N_NODES, dtype=jnp.int64)
    # SAGEConv layer 1 params (PyG-style: lin_l on aggregated neighbors w/ bias, lin_r on root w/o bias)
    s1 = 1.0 / np.sqrt(IN_DIM)
    W1l = jax.random.uniform(ks[2], (HIDDEN, IN_DIM), minval=-s1, maxval=s1, dtype=jnp.float32)
    b1l = jnp.zeros((HIDDEN,), dtype=jnp.float32)
    W1r = jax.random.uniform(ks[3], (HIDDEN, IN_DIM), minval=-s1, maxval=s1, dtype=jnp.float32)
    s2 = 1.0 / np.sqrt(HIDDEN)
    W2l = jax.random.uniform(ks[4], (OUT_DIM, HIDDEN), minval=-s2, maxval=s2, dtype=jnp.float32)
    b2l = jnp.zeros((OUT_DIM,), dtype=jnp.float32)
    W2r = jax.random.uniform(ks[5], (OUT_DIM, HIDDEN), minval=-s2, maxval=s2, dtype=jnp.float32)
    return {"x": x, "edge": edge, "W1l": W1l, "b1l": b1l, "W1r": W1r,
            "W2l": W2l, "b2l": b2l, "W2r": W2r}


def _sage_conv(x, edge, Wl, bl, Wr):
    src = edge[0]
    dst = edge[1]
    msgs = jnp.take(x, src, axis=0)
    agg = jax.ops.segment_sum(msgs, dst, num_segments=N_NODES)
    deg = jax.ops.segment_sum(jnp.ones((edge.shape[1],), dtype=x.dtype), dst,
                              num_segments=N_NODES)
    mean = agg / jnp.clip(deg, 1.0, None)[:, None]
    return mean @ Wl.T + bl + x @ Wr.T


def reference(x, edge, W1l, b1l, W1r, W2l, b2l, W2r):
    h = jax.nn.relu(_sage_conv(x, edge, W1l, b1l, W1r))
    # dropout p=0.0 (eval mode) -> identity
    out = _sage_conv(h, edge, W2l, b2l, W2r)
    return out

if __name__ == "__main__":
    import jax
    _d = setup_inputs()
    print(jax.jit(kernel)(*tuple(_d.values())))

</pallas_src>

<mosaic_0001>
#map = affine_map<(d0, d1) -> (0, 0, 0)>
#map1 = affine_map<(d0, d1) -> (0, 0)>
module attributes {stable_mosaic.version = 14 : i64} {
  func.func @body(%arg0: i32, %arg1: i32, %arg2: memref<320x8x128xi32, #tpu.memory_space<hbm>>, %arg3: memref<208x16xf32, #tpu.memory_space<hbm>>, %arg4: memref<2x10112x16xf32, #tpu.memory_space<hbm>>, %arg5: memref<8x128xi32, #tpu.memory_space<vmem>>, %arg6: memref<128x16xf32, #tpu.memory_space<vmem>>, %arg7: memref<10112x16xf32, #tpu.memory_space<vmem_shared>>) attributes {dimension_semantics = [#tpu.dimension_semantics<core_parallel>, #tpu.dimension_semantics<subcore_parallel>], iteration_bounds = array<i64: 2, 16>, scalar_prefetch = 0 : i64, scratch_operands = 3 : i64, tpu.core_type = #tpu.core_type<sc_vector_subcore>, window_params = [{transform_indices = #map}, {transform_indices = #map1}, {transform_indices = #map}]} {
    %mul3A = arith.constant 16 : i32
    %mul3A_0 = arith.muli %arg0, %mul3A : i32
    %add3A = arith.addi %mul3A_0, %arg1 : i32
    %mul3A_1 = arith.constant 10 : i32
    %mul3A_2 = arith.muli %add3A, %mul3A_1 : i32
    "tpu.region"() ({
      %run_scoped3A = tpu.sem_alloc : memref<!tpu.dma_semaphore, #tpu.memory_space<semaphore_mem>>
      %dma_start3A = arith.constant 0 : i32
      %dma_start3A_29 = arith.constant 0 : i32
      %dma_start3A_30 = tpu.memref_slice %arg6[%dma_start3A, %dma_start3A_29] : memref<128x16xf32, #tpu.memory_space<vmem>> -> memref<80x16xf32, #tpu.memory_space<vmem>>
      %dma_start3A_31 = arith.constant 128 : i32
      %dma_start3A_32 = arith.constant 0 : i32
      %dma_start3A_33 = tpu.memref_slice %arg3[%dma_start3A_31, %dma_start3A_32] : memref<208x16xf32, #tpu.memory_space<hbm>> -> memref<80x16xf32, #tpu.memory_space<hbm>>
      %dma_start3A_34 = arith.constant 0 : i32
      %dma_start3A_35 = arith.constant 0 : i32
      %dma_start3A_36 = tpu.memref_slice %arg6[%dma_start3A_34, %dma_start3A_35] : memref<128x16xf32, #tpu.memory_space<vmem>> -> memref<80x16xf32, #tpu.memory_space<vmem>>
      %dma_start3A_37 = arith.constant 128 : i32
      %dma_start3A_38 = arith.constant 0 : i32
      %dma_start3A_39 = tpu.memref_slice %arg3[%dma_start3A_37, %dma_start3A_38] : memref<208x16xf32, #tpu.memory_space<hbm>> -> memref<80x16xf32, #tpu.memory_space<hbm>>
      tpu.enqueue_dma source(%dma_start3A_39 : memref<80x16xf32, #tpu.memory_space<hbm>>) target(%dma_start3A_36 : memref<80x16xf32, #tpu.memory_space<vmem>>) target_semaphore(%run_scoped3A : memref<!tpu.dma_semaphore, #tpu.memory_space<semaphore_mem>>)
      %dma_wait3A = arith.constant 0 : i32
      %dma_wait3A_40 = arith.constant 0 : i32
      %dma_wait3A_41 = tpu.memref_slice %arg6[%dma_wait3A, %dma_wait3A_40] : memref<128x16xf32, #tpu.memory_space<vmem>> -> memref<80x16xf32, #tpu.memory_space<vmem>>
      %dma_wait3A_42 = arith.constant 128 : i32
      %dma_wait3A_43 = arith.constant 0 : i32
      %dma_wait3A_44 = tpu.memref_slice %arg3[%dma_wait3A_42, %dma_wait3A_43] : memref<208x16xf32, #tpu.memory_space<hbm>> -> memref<80x16xf32, #tpu.memory_space<hbm>>
      %dma_wait3A_45 = arith.constant 0 : i32
      %dma_wait3A_46 = arith.constant 0 : i32
      %dma_wait3A_47 = tpu.memref_slice %arg6[%dma_wait3A_45, %dma_wait3A_46] : memref<128x16xf32, #tpu.memory_space<vmem>> -> memref<80x16xf32, #tpu.memory_space<vmem>>
      %dma_wait3A_48 = arith.constant 128 : i32
      %dma_wait3A_49 = arith.constant 0 : i32
      %dma_wait3A_50 = tpu.memref_slice %arg3[%dma_wait3A_48, %dma_wait3A_49] : memref<208x16xf32, #tpu.memory_space<hbm>> -> memref<80x16xf32, #tpu.memory_space<hbm>>
      tpu.wait_dma2 semaphore(%run_scoped3A : memref<!tpu.dma_semaphore, #tpu.memory_space<semaphore_mem>>) src(%dma_wait3A_50 : memref<80x16xf32, #tpu.memory_space<hbm>>) dst(%dma_wait3A_47 : memref<80x16xf32, #tpu.memory_space<vmem>>)
      tpu.yield
    }) : () -> ()
    %scan3A = arith.constant 0 : i32
    %scan3A_3 = arith.constant 0 : i32
    %scan3A_4 = arith.constant 7 : i32
    %scan3A_5 = arith.addi %scan3A_3, %scan3A_4 : i32
    %scan3A_6 = arith.constant 1 : i32
    scf.for %scan3A_29 = %scan3A_3 to %scan3A_5 step %scan3A_6  : i32 {
      %mul3A_30 = arith.constant 632 : i32
      %mul3A_31 = arith.muli %arg1, %mul3A_30 : i32
      %mul3A_32 = arith.constant 80 : i32
      %mul3A_33 = arith.muli %scan3A_29, %mul3A_32 : i32
      %add3A_34 = arith.addi %mul3A_31, %mul3A_33 : i32
      "tpu.region"() ({
        %run_scoped3A = tpu.sem_alloc : memref<!tpu.dma_semaphore, #tpu.memory_space<semaphore_mem>>
        %dma_start3A = arith.constant 0 : i32
        %dma_start3A_35 = arith.constant 0 : i32
        %dma_start3A_36 = tpu.memref_slice %arg6[%dma_start3A, %dma_start3A_35] : memref<128x16xf32, #tpu.memory_space<vmem>> -> memref<80x16xf32, #tpu.memory_space<vmem>>
        %dma_start3A_37 = arith.constant 0 : i32
        %dma_start3A_38 = tpu.memref_slice %arg7[%add3A_34, %dma_start3A_37] : memref<10112x16xf32, #tpu.memory_space<vmem_shared>> -> memref<80x16xf32, #tpu.memory_space<vmem_shared>>
        %dma_start3A_39 = arith.constant 0 : i32
        %dma_start3A_40 = tpu.memref_slice %arg7[%add3A_34, %dma_start3A_39] : memref<10112x16xf32, #tpu.memory_space<vmem_shared>> -> memref<80x16xf32, #tpu.memory_space<vmem_shared>>
        %dma_start3A_41 = arith.constant 0 : i32
        %dma_start3A_42 = arith.constant 0 : i32
        %dma_start3A_43 = tpu.memref_slice %arg6[%dma_start3A_41, %dma_start3A_42] : memref<128x16xf32, #tpu.memory_space<vmem>> -> memref<80x16xf32, #tpu.memory_space<vmem>>
        tpu.enqueue_dma source(%dma_start3A_43 : memref<80x16xf32, #tpu.memory_space<vmem>>) target(%dma_start3A_40 : memref<80x16xf32, #tpu.memory_space<vmem_shared>>) target_semaphore(%run_scoped3A : memref<!tpu.dma_semaphore, #tpu.memory_space<semaphore_mem>>)
        %dma_wait3A = arith.constant 0 : i32
        %dma_wait3A_44 = arith.constant 0 : i32
        %dma_wait3A_45 = tpu.memref_slice %arg6[%dma_wait3A, %dma_wait3A_44] : memref<128x16xf32, #tpu.memory_space<vmem>> -> memref<80x16xf32, #tpu.memory_space<vmem>>
        %dma_wait3A_46 = arith.constant 0 : i32
        %dma_wait3A_47 = tpu.memref_slice %arg7[%add3A_34, %dma_wait3A_46] : memref<10112x16xf32, #tpu.memory_space<vmem_shared>> -> memref<80x16xf32, #tpu.memory_space<vmem_shared>>
        %dma_wait3A_48 = arith.constant 0 : i32
        %dma_wait3A_49 = tpu.memref_slice %arg7[%add3A_34, %dma_wait3A_48] : memref<10112x16xf32, #tpu.memory_space<vmem_shared>> -> memref<80x16xf32, #tpu.memory_space<vmem_shared>>
        %dma_wait3A_50 = arith.constant 0 : i32
        %dma_wait3A_51 = arith.constant 0 : i32
        %dma_wait3A_52 = tpu.memref_slice %arg6[%dma_wait3A_50, %dma_wait3A_51] : memref<128x16xf32, #tpu.memory_space<vmem>> -> memref<80x16xf32, #tpu.memory_space<vmem>>
        tpu.wait_dma2 semaphore(%run_scoped3A : memref<!tpu.dma_semaphore, #tpu.memory_space<semaphore_mem>>) src(%dma_wait3A_52 : memref<80x16xf32, #tpu.memory_space<vmem>>) dst(%dma_wait3A_49 : memref<80x16xf32, #tpu.memory_space<vmem_shared>>)
        tpu.yield
      }) : () -> ()
    }
    %scan3A_7 = arith.constant 7 : i32
    %mul3A_8 = arith.constant 632 : i32
    %mul3A_9 = arith.muli %arg1, %mul3A_8 : i32
    %add3A_10 = arith.constant 560 : i32
    %add3A_11 = arith.addi %mul3A_9, %add3A_10 : i32
    "tpu.region"() ({
      %run_scoped3A = tpu.sem_alloc : memref<!tpu.dma_semaphore, #tpu.memory_space<semaphore_mem>>
      %dma_start3A = arith.constant 0 : i32
      %dma_start3A_29 = arith.constant 0 : i32
      %dma_start3A_30 = tpu.memref_slice %arg6[%dma_start3A, %dma_start3A_29] : memref<128x16xf32, #tpu.memory_space<vmem>> -> memref<80x16xf32, #tpu.memory_space<vmem>>
      %dma_start3A_31 = arith.constant 0 : i32
      %dma_start3A_32 = arith.constant 0 : i32
      %dma_start3A_33 = tpu.memref_slice %dma_start3A_30[%dma_start3A_31, %dma_start3A_32] : memref<80x16xf32, #tpu.memory_space<vmem>> -> memref<72x16xf32, #tpu.memory_space<vmem>>
      %dma_start3A_34 = arith.constant 0 : i32
      %dma_start3A_35 = tpu.memref_slice %arg7[%add3A_11, %dma_start3A_34] : memref<10112x16xf32, #tpu.memory_space<vmem_shared>> -> memref<72x16xf32, #tpu.memory_space<vmem_shared>>
      %dma_start3A_36 = arith.constant 0 : i32
      %dma_start3A_37 = tpu.memref_slice %arg7[%add3A_11, %dma_start3A_36] : memref<10112x16xf32, #tpu.memory_space<vmem_shared>> -> memref<72x16xf32, #tpu.memory_space<vmem_shared>>
      %dma_start3A_38 = arith.constant 0 : i32
      %dma_start3A_39 = arith.constant 0 : i32
      %dma_start3A_40 = tpu.memref_slice %arg6[%dma_start3A_38, %dma_start3A_39] : memref<128x16xf32, #tpu.memory_space<vmem>> -> memref<80x16xf32, #tpu.memory_space<vmem>>
      %dma_start3A_41 = arith.constant 0 : i32
      %dma_start3A_42 = arith.constant 0 : i32
      %dma_start3A_43 = tpu.memref_slice %dma_start3A_40[%dma_start3A_41, %dma_start3A_42] : memref<80x16xf32, #tpu.memory_space<vmem>> -> memref<72x16xf32, #tpu.memory_space<vmem>>
      tpu.enqueue_dma source(%dma_start3A_43 : memref<72x16xf32, #tpu.memory_space<vmem>>) target(%dma_start3A_37 : memref<72x16xf32, #tpu.memory_space<vmem_shared>>) target_semaphore(%run_scoped3A : memref<!tpu.dma_semaphore, #tpu.memory_space<semaphore_mem>>)
      %dma_wait3A = arith.constant 0 : i32
      %dma_wait3A_44 = arith.constant 0 : i32
      %dma_wait3A_45 = tpu.memref_slice %arg6[%dma_wait3A, %dma_wait3A_44] : memref<128x16xf32, #tpu.memory_space<vmem>> -> memref<80x16xf32, #tpu.memory_space<vmem>>
      %dma_wait3A_46 = arith.constant 0 : i32
      %dma_wait3A_47 = arith.constant 0 : i32
      %dma_wait3A_48 = tpu.memref_slice %dma_wait3A_45[%dma_wait3A_46, %dma_wait3A_47] : memref<80x16xf32, #tpu.memory_space<vmem>> -> memref<72x16xf32, #tpu.memory_space<vmem>>
      %dma_wait3A_49 = arith.constant 0 : i32
      %dma_wait3A_50 = tpu.memref_slice %arg7[%add3A_11, %dma_wait3A_49] : memref<10112x16xf32, #tpu.memory_space<vmem_shared>> -> memref<72x16xf32, #tpu.memory_space<vmem_shared>>
      %dma_wait3A_51 = arith.constant 0 : i32
      %dma_wait3A_52 = tpu.memref_slice %arg7[%add3A_11, %dma_wait3A_51] : memref<10112x16xf32, #tpu.memory_space<vmem_shared>> -> memref<72x16xf32, #tpu.memory_space<vmem_shared>>
      %dma_wait3A_53 = arith.constant 0 : i32
      %dma_wait3A_54 = arith.constant 0 : i32
      %dma_wait3A_55 = tpu.memref_slice %arg6[%dma_wait3A_53, %dma_wait3A_54] : memref<128x16xf32, #tpu.memory_space<vmem>> -> memref<80x16xf32, #tpu.memory_space<vmem>>
      %dma_wait3A_56 = arith.constant 0 : i32
      %dma_wait3A_57 = arith.constant 0 : i32
      %dma_wait3A_58 = tpu.memref_slice %dma_wait3A_55[%dma_wait3A_56, %dma_wait3A_57] : memref<80x16xf32, #tpu.memory_space<vmem>> -> memref<72x16xf32, #tpu.memory_space<vmem>>
      tpu.wait_dma2 semaphore(%run_scoped3A : memref<!tpu.dma_semaphore, #tpu.memory_space<semaphore_mem>>) src(%dma_wait3A_58 : memref<72x16xf32, #tpu.memory_space<vmem>>) dst(%dma_wait3A_52 : memref<72x16xf32, #tpu.memory_space<vmem_shared>>)
      tpu.yield
    }) : () -> ()
    "tpu.region"() ({
      %run_scoped3A = tpu.sem_alloc : memref<!tpu.dma_semaphore, #tpu.memory_space<semaphore_mem>>
      %dma_start3A = arith.constant 0 : i32
      %dma_start3A_29 = arith.constant 0 : i32
      %dma_start3A_30 = tpu.memref_slice %arg3[%dma_start3A, %dma_start3A_29] : memref<208x16xf32, #tpu.memory_space<hbm>> -> memref<128x16xf32, #tpu.memory_space<hbm>>
      %dma_start3A_31 = arith.constant 0 : i32
      %dma_start3A_32 = arith.constant 0 : i32
      %dma_start3A_33 = tpu.memref_slice %arg3[%dma_start3A_31, %dma_start3A_32] : memref<208x16xf32, #tpu.memory_space<hbm>> -> memref<128x16xf32, #tpu.memory_space<hbm>>
      tpu.enqueue_dma source(%dma_start3A_33 : memref<128x16xf32, #tpu.memory_space<hbm>>) target(%arg6 : memref<128x16xf32, #tpu.memory_space<vmem>>) target_semaphore(%run_scoped3A : memref<!tpu.dma_semaphore, #tpu.memory_space<semaphore_mem>>)
      %dma_wait3A = arith.constant 0 : i32
      %dma_wait3A_34 = arith.constant 0 : i32
      %dma_wait3A_35 = tpu.memref_slice %arg3[%dma_wait3A, %dma_wait3A_34] : memref<208x16xf32, #tpu.memory_space<hbm>> -> memref<128x16xf32, #tpu.memory_space<hbm>>
      %dma_wait3A_36 = arith.constant 0 : i32
      %dma_wait3A_37 = arith.constant 0 : i32
      %dma_wait3A_38 = tpu.memref_slice %arg3[%dma_wait3A_36, %dma_wait3A_37] : memref<208x16xf32, #tpu.memory_space<hbm>> -> memref<128x16xf32, #tpu.memory_space<hbm>>
      tpu.wait_dma2 semaphore(%run_scoped3A : memref<!tpu.dma_semaphore, #tpu.memory_space<semaphore_mem>>) src(%dma_wait3A_38 : memref<128x16xf32, #tpu.memory_space<hbm>>) dst(%arg6 : memref<128x16xf32, #tpu.memory_space<vmem>>)
      tpu.yield
    }) : () -> ()
    %barrier3A = arith.constant 0 : index
    tpu.barrier barrier_id(%barrier3A)
    %scan3A_12 = arith.constant 0 : i32
    %scan3A_13 = arith.constant 0 : i32
    %scan3A_14 = arith.constant 10 : i32
    %scan3A_15 = arith.addi %scan3A_13, %scan3A_14 : i32
    %scan3A_16 = arith.constant 1 : i32
    scf.for %scan3A_29 = %scan3A_13 to %scan3A_15 step %scan3A_16  : i32 {
      %add3A_30 = arith.addi %mul3A_2, %scan3A_29 : i32
      "tpu.region"() ({
        %run_scoped3A = tpu.sem_alloc : memref<!tpu.dma_semaphore, #tpu.memory_space<semaphore_mem>>
        %dma_start3A = arith.constant 0 : i32
        %dma_start3A_37 = arith.constant 0 : i32
        %dma_start3A_38 = tpu.memref_slice %arg2[%add3A_30, %dma_start3A, %dma_start3A_37] : memref<320x8x128xi32, #tpu.memory_space<hbm>> -> memref<1x8x128xi32, #tpu.memory_space<hbm>>
        %dma_start3A_39 = tpu.memref_squeeze %dma_start3A_38 : memref<1x8x128xi32, #tpu.memory_space<hbm>> -> memref<8x128xi32, #tpu.memory_space<hbm>>
        %dma_start3A_40 = arith.constant 0 : i32
        %dma_start3A_41 = arith.constant 0 : i32
        %dma_start3A_42 = tpu.memref_slice %arg2[%add3A_30, %dma_start3A_40, %dma_start3A_41] : memref<320x8x128xi32, #tpu.memory_space<hbm>> -> memref<1x8x128xi32, #tpu.memory_space<hbm>>
        %dma_start3A_43 = tpu.memref_squeeze %dma_start3A_42 : memref<1x8x128xi32, #tpu.memory_space<hbm>> -> memref<8x128xi32, #tpu.memory_space<hbm>>
        tpu.enqueue_dma source(%dma_start3A_43 : memref<8x128xi32, #tpu.memory_space<hbm>>) target(%arg5 : memref<8x128xi32, #tpu.memory_space<vmem>>) target_semaphore(%run_scoped3A : memref<!tpu.dma_semaphore, #tpu.memory_space<semaphore_mem>>)
        %dma_wait3A = arith.constant 0 : i32
        %dma_wait3A_44 = arith.constant 0 : i32
        %dma_wait3A_45 = tpu.memref_slice %arg2[%add3A_30, %dma_wait3A, %dma_wait3A_44] : memref<320x8x128xi32, #tpu.memory_space<hbm>> -> memref<1x8x128xi32, #tpu.memory_space<hbm>>
        %dma_wait3A_46 = tpu.memref_squeeze %dma_wait3A_45 : memref<1x8x128xi32, #tpu.memory_space<hbm>> -> memref<8x128xi32, #tpu.memory_space<hbm>>
        %dma_wait3A_47 = arith.constant 0 : i32
        %dma_wait3A_48 = arith.constant 0 : i32
        %dma_wait3A_49 = tpu.memref_slice %arg2[%add3A_30, %dma_wait3A_47, %dma_wait3A_48] : memref<320x8x128xi32, #tpu.memory_space<hbm>> -> memref<1x8x128xi32, #tpu.memory_space<hbm>>
        %dma_wait3A_50 = tpu.memref_squeeze %dma_wait3A_49 : memref<1x8x128xi32, #tpu.memory_space<hbm>> -> memref<8x128xi32, #tpu.memory_space<hbm>>
        tpu.wait_dma2 semaphore(%run_scoped3A : memref<!tpu.dma_semaphore, #tpu.memory_space<semaphore_mem>>) src(%dma_wait3A_50 : memref<8x128xi32, #tpu.memory_space<hbm>>) dst(%arg5 : memref<8x128xi32, #tpu.memory_space<vmem>>)
        tpu.yield
      }) : () -> ()
      %scan3A_31 = arith.constant 0 : i32
      %scan3A_32 = arith.constant 0 : i32
      %scan3A_33 = arith.constant 8 : i32
      %scan3A_34 = arith.addi %scan3A_32, %scan3A_33 : i32
      %scan3A_35 = arith.constant 1 : i32
      scf.for %scan3A_37 = %scan3A_32 to %scan3A_34 step %scan3A_35  : i32 {
        "tpu.region"() ({
          %run_scoped3A = tpu.sem_alloc : memref<!tpu.dma_semaphore, #tpu.memory_space<semaphore_mem>>
          %dma_start3A = arith.constant 0 : i32
          %dma_start3A_38 = tpu.memref_slice %arg5[%scan3A_37, %dma_start3A] : memref<8x128xi32, #tpu.memory_space<vmem>> -> memref<1x128xi32, #tpu.memory_space<vmem>>
          %dma_start3A_39 = tpu.memref_squeeze %dma_start3A_38 : memref<1x128xi32, #tpu.memory_space<vmem>> -> memref<128xi32, #tpu.memory_space<vmem>>
          %dma_start3A_40 = arith.constant 0 : i32
          %dma_start3A_41 = arith.constant 0 : i32
          %dma_start3A_42 = tpu.memref_slice %arg7[%dma_start3A_40, %dma_start3A_41] : memref<10112x16xf32, #tpu.memory_space<vmem_shared>> -> memref<10112x16xf32, #tpu.memory_space<vmem_shared>>
          tpu.enqueue_indirect_dma source(%arg6 : memref<128x16xf32, #tpu.memory_space<vmem>>) target(%dma_start3A_42 : memref<10112x16xf32, #tpu.memory_space<vmem_shared>>) offsets(%dma_start3A_39 : memref<128xi32, #tpu.memory_space<vmem>>) semaphore(%run_scoped3A : memref<!tpu.dma_semaphore, #tpu.memory_space<semaphore_mem>>) {add = true}
          %dma_wait3A = arith.constant 0 : i32
          %dma_wait3A_43 = tpu.memref_slice %arg5[%scan3A_37, %dma_wait3A] : memref<8x128xi32, #tpu.memory_space<vmem>> -> memref<1x128xi32, #tpu.memory_space<vmem>>
          %dma_wait3A_44 = tpu.memref_squeeze %dma_wait3A_43 : memref<1x128xi32, #tpu.memory_space<vmem>> -> memref<128xi32, #tpu.memory_space<vmem>>
          %dma_wait3A_45 = arith.constant 0 : i32
          %dma_wait3A_46 = arith.constant 0 : i32
          %dma_wait3A_47 = tpu.memref_slice %arg7[%dma_wait3A_45, %dma_wait3A_46] : memref<10112x16xf32, #tpu.memory_space<vmem_shared>> -> memref<10112x16xf32, #tpu.memory_space<vmem_shared>>
          tpu.wait_indirect_dma semaphore(%run_scoped3A : memref<!tpu.dma_semaphore, #tpu.memory_space<semaphore_mem>>) src(%arg6 : memref<128x16xf32, #tpu.memory_space<vmem>>) dst(%dma_wait3A_47 : memref<10112x16xf32, #tpu.memory_space<vmem_shared>>)
          tpu.yield
        }) : () -> ()
      }
      %scan3A_36 = arith.constant 8 : i32
    }
    %scan3A_17 = arith.constant 10 : i32
    %barrier3A_18 = arith.constant 0 : index
    tpu.barrier barrier_id(%barrier3A_18)
    %scan3A_19 = arith.constant 0 : i32
    %scan3A_20 = arith.constant 0 : i32
    %scan3A_21 = arith.constant 7 : i32
    %scan3A_22 = arith.addi %scan3A_20, %scan3A_21 : i32
    %scan3A_23 = arith.constant 1 : i32
    scf.for %scan3A_29 = %scan3A_20 to %scan3A_22 step %scan3A_23  : i32 {
      %mul3A_30 = arith.constant 632 : i32
      %mul3A_31 = arith.muli %arg1, %mul3A_30 : i32
      %mul3A_32 = arith.constant 80 : i32
      %mul3A_33 = arith.muli %scan3A_29, %mul3A_32 : i32
      %add3A_34 = arith.addi %mul3A_31, %mul3A_33 : i32
      "tpu.region"() ({
        %run_scoped3A = tpu.sem_alloc : memref<!tpu.dma_semaphore, #tpu.memory_space<semaphore_mem>>
        %dma_start3A = arith.constant 0 : i32
        %dma_start3A_35 = arith.constant 0 : i32
        %dma_start3A_36 = tpu.memref_slice %arg6[%dma_start3A, %dma_start3A_35] : memref<128x16xf32, #tpu.memory_space<vmem>> -> memref<80x16xf32, #tpu.memory_space<vmem>>
        %dma_start3A_37 = arith.constant 0 : i32
        %dma_start3A_38 = tpu.memref_slice %arg7[%add3A_34, %dma_start3A_37] : memref<10112x16xf32, #tpu.memory_space<vmem_shared>> -> memref<80x16xf32, #tpu.memory_space<vmem_shared>>
        %dma_start3A_39 = arith.constant 0 : i32
        %dma_start3A_40 = arith.constant 0 : i32
        %dma_start3A_41 = tpu.memref_slice %arg6[%dma_start3A_39, %dma_start3A_40] : memref<128x16xf32, #tpu.memory_space<vmem>> -> memref<80x16xf32, #tpu.memory_space<vmem>>
        %dma_start3A_42 = arith.constant 0 : i32
        %dma_start3A_43 = tpu.memref_slice %arg7[%add3A_34, %dma_start3A_42] : memref<10112x16xf32, #tpu.memory_space<vmem_shared>> -> memref<80x16xf32, #tpu.memory_space<vmem_shared>>
        tpu.enqueue_dma source(%dma_start3A_43 : memref<80x16xf32, #tpu.memory_space<vmem_shared>>) target(%dma_start3A_41 : memref<80x16xf32, #tpu.memory_space<vmem>>) target_semaphore(%run_scoped3A : memref<!tpu.dma_semaphore, #tpu.memory_space<semaphore_mem>>)
        %dma_wait3A = arith.constant 0 : i32
        %dma_wait3A_44 = arith.constant 0 : i32
        %dma_wait3A_45 = tpu.memref_slice %arg6[%dma_wait3A, %dma_wait3A_44] : memref<128x16xf32, #tpu.memory_space<vmem>> -> memref<80x16xf32, #tpu.memory_space<vmem>>
        %dma_wait3A_46 = arith.constant 0 : i32
        %dma_wait3A_47 = tpu.memref_slice %arg7[%add3A_34, %dma_wait3A_46] : memref<10112x16xf32, #tpu.memory_space<vmem_shared>> -> memref<80x16xf32, #tpu.memory_space<vmem_shared>>
        %dma_wait3A_48 = arith.constant 0 : i32
        %dma_wait3A_49 = arith.constant 0 : i32
        %dma_wait3A_50 = tpu.memref_slice %arg6[%dma_wait3A_48, %dma_wait3A_49] : memref<128x16xf32, #tpu.memory_space<vmem>> -> memref<80x16xf32, #tpu.memory_space<vmem>>
        %dma_wait3A_51 = arith.constant 0 : i32
        %dma_wait3A_52 = tpu.memref_slice %arg7[%add3A_34, %dma_wait3A_51] : memref<10112x16xf32, #tpu.memory_space<vmem_shared>> -> memref<80x16xf32, #tpu.memory_space<vmem_shared>>
        tpu.wait_dma2 semaphore(%run_scoped3A : memref<!tpu.dma_semaphore, #tpu.memory_space<semaphore_mem>>) src(%dma_wait3A_52 : memref<80x16xf32, #tpu.memory_space<vmem_shared>>) dst(%dma_wait3A_50 : memref<80x16xf32, #tpu.memory_space<vmem>>)
        tpu.yield
      }) : () -> ()
      "tpu.region"() ({
        %run_scoped3A = tpu.sem_alloc : memref<!tpu.dma_semaphore, #tpu.memory_space<semaphore_mem>>
        %dma_start3A = arith.constant 0 : i32
        %dma_start3A_35 = arith.constant 0 : i32
        %dma_start3A_36 = tpu.memref_slice %arg6[%dma_start3A, %dma_start3A_35] : memref<128x16xf32, #tpu.memory_space<vmem>> -> memref<80x16xf32, #tpu.memory_space<vmem>>
        %dma_start3A_37 = arith.constant 0 : i32
        %dma_start3A_38 = tpu.memref_slice %arg4[%arg0, %add3A_34, %dma_start3A_37] : memref<2x10112x16xf32, #tpu.memory_space<hbm>> -> memref<1x80x16xf32, #tpu.memory_space<hbm>>
        %dma_start3A_39 = tpu.memref_squeeze %dma_start3A_38 : memref<1x80x16xf32, #tpu.memory_space<hbm>> -> memref<80x16xf32, #tpu.memory_space<hbm>>
        %dma_start3A_40 = arith.constant 0 : i32
        %dma_start3A_41 = tpu.memref_slice %arg4[%arg0, %add3A_34, %dma_start3A_40] : memref<2x10112x16xf32, #tpu.memory_space<hbm>> -> memref<1x80x16xf32, #tpu.memory_space<hbm>>
        %dma_start3A_42 = tpu.memref_squeeze %dma_start3A_41 : memref<1x80x16xf32, #tpu.memory_space<hbm>> -> memref<80x16xf32, #tpu.memory_space<hbm>>
        %dma_start3A_43 = arith.constant 0 : i32
        %dma_start3A_44 = arith.constant 0 : i32
        %dma_start3A_45 = tpu.memref_slice %arg6[%dma_start3A_43, %dma_start3A_44] : memref<128x16xf32, #tpu.memory_space<vmem>> -> memref<80x16xf32, #tpu.memory_space<vmem>>
        tpu.enqueue_dma source(%dma_start3A_45 : memref<80x16xf32, #tpu.memory_space<vmem>>) target(%dma_start3A_42 : memref<80x16xf32, #tpu.memory_space<hbm>>) target_semaphore(%run_scoped3A : memref<!tpu.dma_semaphore, #tpu.memory_space<semaphore_mem>>)
        %dma_wait3A = arith.constant 0 : i32
        %dma_wait3A_46 = arith.constant 0 : i32
        %dma_wait3A_47 = tpu.memref_slice %arg6[%dma_wait3A, %dma_wait3A_46] : memref<128x16xf32, #tpu.memory_space<vmem>> -> memref<80x16xf32, #tpu.memory_space<vmem>>
        %dma_wait3A_48 = arith.constant 0 : i32
        %dma_wait3A_49 = tpu.memref_slice %arg4[%arg0, %add3A_34, %dma_wait3A_48] : memref<2x10112x16xf32, #tpu.memory_space<hbm>> -> memref<1x80x16xf32, #tpu.memory_space<hbm>>
        %dma_wait3A_50 = tpu.memref_squeeze %dma_wait3A_49 : memref<1x80x16xf32, #tpu.memory_space<hbm>> -> memref<80x16xf32, #tpu.memory_space<hbm>>
        %dma_wait3A_51 = arith.constant 0 : i32
        %dma_wait3A_52 = tpu.memref_slice %arg4[%arg0, %add3A_34, %dma_wait3A_51] : memref<2x10112x16xf32, #tpu.memory_space<hbm>> -> memref<1x80x16xf32, #tpu.memory_space<hbm>>
        %dma_wait3A_53 = tpu.memref_squeeze %dma_wait3A_52 : memref<1x80x16xf32, #tpu.memory_space<hbm>> -> memref<80x16xf32, #tpu.memory_space<hbm>>
        %dma_wait3A_54 = arith.constant 0 : i32
        %dma_wait3A_55 = arith.constant 0 : i32
        %dma_wait3A_56 = tpu.memref_slice %arg6[%dma_wait3A_54, %dma_wait3A_55] : memref<128x16xf32, #tpu.memory_space<vmem>> -> memref<80x16xf32, #tpu.memory_space<vmem>>
        tpu.wait_dma2 semaphore(%run_scoped3A : memref<!tpu.dma_semaphore, #tpu.memory_space<semaphore_mem>>) src(%dma_wait3A_56 : memref<80x16xf32, #tpu.memory_space<vmem>>) dst(%dma_wait3A_53 : memref<80x16xf32, #tpu.memory_space<hbm>>)
        tpu.yield
      }) : () -> ()
    }
    %scan3A_24 = arith.constant 7 : i32
    %mul3A_25 = arith.constant 632 : i32
    %mul3A_26 = arith.muli %arg1, %mul3A_25 : i32
    %add3A_27 = arith.constant 560 : i32
    %add3A_28 = arith.addi %mul3A_26, %add3A_27 : i32
    "tpu.region"() ({
      %run_scoped3A = tpu.sem_alloc : memref<!tpu.dma_semaphore, #tpu.memory_space<semaphore_mem>>
      %dma_start3A = arith.constant 0 : i32
      %dma_start3A_29 = arith.constant 0 : i32
      %dma_start3A_30 = tpu.memref_slice %arg6[%dma_start3A, %dma_start3A_29] : memref<128x16xf32, #tpu.memory_space<vmem>> -> memref<80x16xf32, #tpu.memory_space<vmem>>
      %dma_start3A_31 = arith.constant 0 : i32
      %dma_start3A_32 = arith.constant 0 : i32
      %dma_start3A_33 = tpu.memref_slice %dma_start3A_30[%dma_start3A_31, %dma_start3A_32] : memref<80x16xf32, #tpu.memory_space<vmem>> -> memref<72x16xf32, #tpu.memory_space<vmem>>
      %dma_start3A_34 = arith.constant 0 : i32
      %dma_start3A_35 = tpu.memref_slice %arg7[%add3A_28, %dma_start3A_34] : memref<10112x16xf32, #tpu.memory_space<vmem_shared>> -> memref<72x16xf32, #tpu.memory_space<vmem_shared>>
      %dma_start3A_36 = arith.constant 0 : i32
      %dma_start3A_37 = arith.constant 0 : i32
      %dma_start3A_38 = tpu.memref_slice %arg6[%dma_start3A_36, %dma_start3A_37] : memref<128x16xf32, #tpu.memory_space<vmem>> -> memref<80x16xf32, #tpu.memory_space<vmem>>
      %dma_start3A_39 = arith.constant 0 : i32
      %dma_start3A_40 = arith.constant 0 : i32
      %dma_start3A_41 = tpu.memref_slice %dma_start3A_38[%dma_start3A_39, %dma_start3A_40] : memref<80x16xf32, #tpu.memory_space<vmem>> -> memref<72x16xf32, #tpu.memory_space<vmem>>
      %dma_start3A_42 = arith.constant 0 : i32
      %dma_start3A_43 = tpu.memref_slice %arg7[%add3A_28, %dma_start3A_42] : memref<10112x16xf32, #tpu.memory_space<vmem_shared>> -> memref<72x16xf32, #tpu.memory_space<vmem_shared>>
      tpu.enqueue_dma source(%dma_start3A_43 : memref<72x16xf32, #tpu.memory_space<vmem_shared>>) target(%dma_start3A_41 : memref<72x16xf32, #tpu.memory_space<vmem>>) target_semaphore(%run_scoped3A : memref<!tpu.dma_semaphore, #tpu.memory_space<semaphore_mem>>)
      %dma_wait3A = arith.constant 0 : i32
      %dma_wait3A_44 = arith.constant 0 : i32
      %dma_wait3A_45 = tpu.memref_slice %arg6[%dma_wait3A, %dma_wait3A_44] : memref<128x16xf32, #tpu.memory_space<vmem>> -> memref<80x16xf32, #tpu.memory_space<vmem>>
      %dma_wait3A_46 = arith.constant 0 : i32
      %dma_wait3A_47 = arith.constant 0 : i32
      %dma_wait3A_48 = tpu.memref_slice %dma_wait3A_45[%dma_wait3A_46, %dma_wait3A_47] : memref<80x16xf32, #tpu.memory_space<vmem>> -> memref<72x16xf32, #tpu.memory_space<vmem>>
      %dma_wait3A_49 = arith.constant 0 : i32
      %dma_wait3A_50 = tpu.memref_slice %arg7[%add3A_28, %dma_wait3A_49] : memref<10112x16xf32, #tpu.memory_space<vmem_shared>> -> memref<72x16xf32, #tpu.memory_space<vmem_shared>>
      %dma_wait3A_51 = arith.constant 0 : i32
      %dma_wait3A_52 = arith.constant 0 : i32
      %dma_wait3A_53 = tpu.memref_slice %arg6[%dma_wait3A_51, %dma_wait3A_52] : memref<128x16xf32, #tpu.memory_space<vmem>> -> memref<80x16xf32, #tpu.memory_space<vmem>>
      %dma_wait3A_54 = arith.constant 0 : i32
      %dma_wait3A_55 = arith.constant 0 : i32
      %dma_wait3A_56 = tpu.memref_slice %dma_wait3A_53[%dma_wait3A_54, %dma_wait3A_55] : memref<80x16xf32, #tpu.memory_space<vmem>> -> memref<72x16xf32, #tpu.memory_space<vmem>>
      %dma_wait3A_57 = arith.constant 0 : i32
      %dma_wait3A_58 = tpu.memref_slice %arg7[%add3A_28, %dma_wait3A_57] : memref<10112x16xf32, #tpu.memory_space<vmem_shared>> -> memref<72x16xf32, #tpu.memory_space<vmem_shared>>
      tpu.wait_dma2 semaphore(%run_scoped3A : memref<!tpu.dma_semaphore, #tpu.memory_space<semaphore_mem>>) src(%dma_wait3A_58 : memref<72x16xf32, #tpu.memory_space<vmem_shared>>) dst(%dma_wait3A_56 : memref<72x16xf32, #tpu.memory_space<vmem>>)
      tpu.yield
    }) : () -> ()
    "tpu.region"() ({
      %run_scoped3A = tpu.sem_alloc : memref<!tpu.dma_semaphore, #tpu.memory_space<semaphore_mem>>
      %dma_start3A = arith.constant 0 : i32
      %dma_start3A_29 = arith.constant 0 : i32
      %dma_start3A_30 = tpu.memref_slice %arg6[%dma_start3A, %dma_start3A_29] : memref<128x16xf32, #tpu.memory_space<vmem>> -> memref<80x16xf32, #tpu.memory_space<vmem>>
      %dma_start3A_31 = arith.constant 0 : i32
      %dma_start3A_32 = arith.constant 0 : i32
      %dma_start3A_33 = tpu.memref_slice %dma_start3A_30[%dma_start3A_31, %dma_start3A_32] : memref<80x16xf32, #tpu.memory_space<vmem>> -> memref<72x16xf32, #tpu.memory_space<vmem>>
      %dma_start3A_34 = arith.constant 0 : i32
      %dma_start3A_35 = tpu.memref_slice %arg4[%arg0, %add3A_28, %dma_start3A_34] : memref<2x10112x16xf32, #tpu.memory_space<hbm>> -> memref<1x72x16xf32, #tpu.memory_space<hbm>>
      %dma_start3A_36 = tpu.memref_squeeze %dma_start3A_35 : memref<1x72x16xf32, #tpu.memory_space<hbm>> -> memref<72x16xf32, #tpu.memory_space<hbm>>
      %dma_start3A_37 = arith.constant 0 : i32
      %dma_start3A_38 = tpu.memref_slice %arg4[%arg0, %add3A_28, %dma_start3A_37] : memref<2x10112x16xf32, #tpu.memory_space<hbm>> -> memref<1x72x16xf32, #tpu.memory_space<hbm>>
      %dma_start3A_39 = tpu.memref_squeeze %dma_start3A_38 : memref<1x72x16xf32, #tpu.memory_space<hbm>> -> memref<72x16xf32, #tpu.memory_space<hbm>>
      %dma_start3A_40 = arith.constant 0 : i32
      %dma_start3A_41 = arith.constant 0 : i32
      %dma_start3A_42 = tpu.memref_slice %arg6[%dma_start3A_40, %dma_start3A_41] : memref<128x16xf32, #tpu.memory_space<vmem>> -> memref<80x16xf32, #tpu.memory_space<vmem>>
      %dma_start3A_43 = arith.constant 0 : i32
      %dma_start3A_44 = arith.constant 0 : i32
      %dma_start3A_45 = tpu.memref_slice %dma_start3A_42[%dma_start3A_43, %dma_start3A_44] : memref<80x16xf32, #tpu.memory_space<vmem>> -> memref<72x16xf32, #tpu.memory_space<vmem>>
      tpu.enqueue_dma source(%dma_start3A_45 : memref<72x16xf32, #tpu.memory_space<vmem>>) target(%dma_start3A_39 : memref<72x16xf32, #tpu.memory_space<hbm>>) target_semaphore(%run_scoped3A : memref<!tpu.dma_semaphore, #tpu.memory_space<semaphore_mem>>)
      %dma_wait3A = arith.constant 0 : i32
      %dma_wait3A_46 = arith.constant 0 : i32
      %dma_wait3A_47 = tpu.memref_slice %arg6[%dma_wait3A, %dma_wait3A_46] : memref<128x16xf32, #tpu.memory_space<vmem>> -> memref<80x16xf32, #tpu.memory_space<vmem>>
      %dma_wait3A_48 = arith.constant 0 : i32
      %dma_wait3A_49 = arith.constant 0 : i32
      %dma_wait3A_50 = tpu.memref_slice %dma_wait3A_47[%dma_wait3A_48, %dma_wait3A_49] : memref<80x16xf32, #tpu.memory_space<vmem>> -> memref<72x16xf32, #tpu.memory_space<vmem>>
      %dma_wait3A_51 = arith.constant 0 : i32
      %dma_wait3A_52 = tpu.memref_slice %arg4[%arg0, %add3A_28, %dma_wait3A_51] : memref<2x10112x16xf32, #tpu.memory_space<hbm>> -> memref<1x72x16xf32, #tpu.memory_space<hbm>>
      %dma_wait3A_53 = tpu.memref_squeeze %dma_wait3A_52 : memref<1x72x16xf32, #tpu.memory_space<hbm>> -> memref<72x16xf32, #tpu.memory_space<hbm>>
      %dma_wait3A_54 = arith.constant 0 : i32
      %dma_wait3A_55 = tpu.memref_slice %arg4[%arg0, %add3A_28, %dma_wait3A_54] : memref<2x10112x16xf32, #tpu.memory_space<hbm>> -> memref<1x72x16xf32, #tpu.memory_space<hbm>>
      %dma_wait3A_56 = tpu.memref_squeeze %dma_wait3A_55 : memref<1x72x16xf32, #tpu.memory_space<hbm>> -> memref<72x16xf32, #tpu.memory_space<hbm>>
      %dma_wait3A_57 = arith.constant 0 : i32
      %dma_wait3A_58 = arith.constant 0 : i32
      %dma_wait3A_59 = tpu.memref_slice %arg6[%dma_wait3A_57, %dma_wait3A_58] : memref<128x16xf32, #tpu.memory_space<vmem>> -> memref<80x16xf32, #tpu.memory_space<vmem>>
      %dma_wait3A_60 = arith.constant 0 : i32
      %dma_wait3A_61 = arith.constant 0 : i32
      %dma_wait3A_62 = tpu.memref_slice %dma_wait3A_59[%dma_wait3A_60, %dma_wait3A_61] : memref<80x16xf32, #tpu.memory_space<vmem>> -> memref<72x16xf32, #tpu.memory_space<vmem>>
      tpu.wait_dma2 semaphore(%run_scoped3A : memref<!tpu.dma_semaphore, #tpu.memory_space<semaphore_mem>>) src(%dma_wait3A_62 : memref<72x16xf32, #tpu.memory_space<vmem>>) dst(%dma_wait3A_56 : memref<72x16xf32, #tpu.memory_space<hbm>>)
      tpu.yield
    }) : () -> ()
    return
  }
}

#map = affine_map<(d0, d1) -> (0, 0)>
#map1 = affine_map<(d0, d1) -> (0, 0, 0)>
module attributes {stable_mosaic.version = 14 : i64} {
  func.func @body(%arg0: i32, %arg1: i32, %arg2: memref<10112x128xf32, #tpu.memory_space<hbm>>, %arg3: memref<320x8x128xi32, #tpu.memory_space<hbm>>, %arg4: memref<320x8x128xi32, #tpu.memory_space<hbm>>, %arg5: memref<80x128xf32, #tpu.memory_space<hbm>>, %arg6: memref<2x10112x128xf32, #tpu.memory_space<hbm>>, %arg7: memref<8x128xi32, #tpu.memory_space<vmem>>, %arg8: memref<8x128xi32, #tpu.memory_space<vmem>>, %arg9: memref<128x128xf32, #tpu.memory_space<vmem>>, %arg10: memref<128x128xf32, #tpu.memory_space<vmem>>, %arg11: memref<10112x128xf32, #tpu.memory_space<vmem_shared>>, %arg12: memref<!tpu.dma_semaphore, #tpu.memory_space<semaphore_mem>>, %arg13: memref<!tpu.dma_semaphore, #tpu.memory_space<semaphore_mem>>, %arg14: memref<!tpu.dma_semaphore, #tpu.memory_space<semaphore_mem>>, %arg15: memref<!tpu.dma_semaphore, #tpu.memory_space<semaphore_mem>>) attributes {dimension_semantics = [#tpu.dimension_semantics<core_parallel>, #tpu.dimension_semantics<subcore_parallel>], iteration_bounds = array<i64: 2, 16>, scalar_prefetch = 0 : i64, scratch_operands = 9 : i64, tpu.core_type = #tpu.core_type<sc_vector_subcore>, window_params = [{transform_indices = #map}, {transform_indices = #map1}, {transform_indices = #map1}, {transform_indices = #map}, {transform_indices = #map1}]} {
    %mul3A = arith.constant 16 : i32
    %mul3A_0 = arith.muli %arg0, %mul3A : i32
    %add3A = arith.addi %mul3A_0, %arg1 : i32
    %mul3A_1 = arith.constant 10 : i32
    %mul3A_2 = arith.muli %add3A, %mul3A_1 : i32
    "tpu.region"() ({
      %run_scoped3A = tpu.sem_alloc : memref<!tpu.dma_semaphore, #tpu.memory_space<semaphore_mem>>
      %dma_start3A = arith.constant 0 : i32
      %dma_start3A_40 = arith.constant 0 : i32
      %dma_start3A_41 = tpu.memref_slice %arg9[%dma_start3A, %dma_start3A_40] : memref<128x128xf32, #tpu.memory_space<vmem>> -> memref<80x128xf32, #tpu.memory_space<vmem>>
      %dma_start3A_42 = arith.constant 0 : i32
      %dma_start3A_43 = arith.constant 0 : i32
      %dma_start3A_44 = tpu.memref_slice %arg9[%dma_start3A_42, %dma_start3A_43] : memref<128x128xf32, #tpu.memory_space<vmem>> -> memref<80x128xf32, #tpu.memory_space<vmem>>
      tpu.enqueue_dma source(%arg5 : memref<80x128xf32, #tpu.memory_space<hbm>>) target(%dma_start3A_44 : memref<80x128xf32, #tpu.memory_space<vmem>>) target_semaphore(%run_scoped3A : memref<!tpu.dma_semaphore, #tpu.memory_space<semaphore_mem>>)
      %dma_wait3A_45 = arith.constant 0 : i32
      %dma_wait3A_46 = arith.constant 0 : i32
      %dma_wait3A_47 = tpu.memref_slice %arg9[%dma_wait3A_45, %dma_wait3A_46] : memref<128x128xf32, #tpu.memory_space<vmem>> -> memref<80x128xf32, #tpu.memory_space<vmem>>
      %dma_wait3A_48 = arith.constant 0 : i32
      %dma_wait3A_49 = arith.constant 0 : i32
      %dma_wait3A_50 = tpu.memref_slice %arg9[%dma_wait3A_48, %dma_wait3A_49] : memref<128x128xf32, #tpu.memory_space<vmem>> -> memref<80x128xf32, #tpu.memory_space<vmem>>
      tpu.wait_dma2 semaphore(%run_scoped3A : memref<!tpu.dma_semaphore, #tpu.memory_space<semaphore_mem>>) src(%arg5 : memref<80x128xf32, #tpu.memory_space<hbm>>) dst(%dma_wait3A_50 : memref<80x128xf32, #tpu.memory_space<vmem>>)
      tpu.yield
    }) : () -> ()
    %scan3A = arith.constant 0 : i32
    %scan3A_3 = arith.constant 0 : i32
    %scan3A_4 = arith.constant 7 : i32
    %scan3A_5 = arith.addi %scan3A_3, %scan3A_4 : i32
    %scan3A_6 = arith.constant 1 : i32
    scf.for %scan3A_40 = %scan3A_3 to %scan3A_5 step %scan3A_6  : i32 {
      %mul3A_41 = arith.constant 632 : i32
      %mul3A_42 = arith.muli %arg1, %mul3A_41 : i32
      %mul3A_43 = arith.constant 80 : i32
      %mul3A_44 = arith.muli %scan3A_40, %mul3A_43 : i32
      %add3A_45 = arith.addi %mul3A_42, %mul3A_44 : i32
      "tpu.region"() ({
        %run_scoped3A = tpu.sem_alloc : memref<!tpu.dma_semaphore, #tpu.memory_space<semaphore_mem>>
        %dma_start3A = arith.constant 0 : i32
        %dma_start3A_46 = arith.constant 0 : i32
        %dma_start3A_47 = tpu.memref_slice %arg9[%dma_start3A, %dma_start3A_46] : memref<128x128xf32, #tpu.memory_space<vmem>> -> memref<80x128xf32, #tpu.memory_space<vmem>>
        %dma_start3A_48 = arith.constant 0 : i32
        %dma_start3A_49 = tpu.memref_slice %arg11[%add3A_45, %dma_start3A_48] : memref<10112x128xf32, #tpu.memory_space<vmem_shared>> -> memref<80x128xf32, #tpu.memory_space<vmem_shared>>
        %dma_start3A_50 = arith.constant 0 : i32
        %dma_start3A_51 = tpu.memref_slice %arg11[%add3A_45, %dma_start3A_50] : memref<10112x128xf32, #tpu.memory_space<vmem_shared>> -> memref<80x128xf32, #tpu.memory_space<vmem_shared>>
        %dma_start3A_52 = arith.constant 0 : i32
        %dma_start3A_53 = arith.constant 0 : i32
        %dma_start3A_54 = tpu.memref_slice %arg9[%dma_start3A_52, %dma_start3A_53] : memref<128x128xf32, #tpu.memory_space<vmem>> -> memref<80x128xf32, #tpu.memory_space<vmem>>
        tpu.enqueue_dma source(%dma_start3A_54 : memref<80x128xf32, #tpu.memory_space<vmem>>) target(%dma_start3A_51 : memref<80x128xf32, #tpu.memory_space<vmem_shared>>) target_semaphore(%run_scoped3A : memref<!tpu.dma_semaphore, #tpu.memory_space<semaphore_mem>>)
        %dma_wait3A_55 = arith.constant 0 : i32
        %dma_wait3A_56 = arith.constant 0 : i32
        %dma_wait3A_57 = tpu.memref_slice %arg9[%dma_wait3A_55, %dma_wait3A_56] : memref<128x128xf32, #tpu.memory_space<vmem>> -> memref<80x128xf32, #tpu.memory_space<vmem>>
        %dma_wait3A_58 = arith.constant 0 : i32
        %dma_wait3A_59 = tpu.memref_slice %arg11[%add3A_45, %dma_wait3A_58] : memref<10112x128xf32, #tpu.memory_space<vmem_shared>> -> memref<80x128xf32, #tpu.memory_space<vmem_shared>>
        %dma_wait3A_60 = arith.constant 0 : i32
        %dma_wait3A_61 = tpu.memref_slice %arg11[%add3A_45, %dma_wait3A_60] : memref<10112x128xf32, #tpu.memory_space<vmem_shared>> -> memref<80x128xf32, #tpu.memory_space<vmem_shared>>
        %dma_wait3A_62 = arith.constant 0 : i32
        %dma_wait3A_63 = arith.constant 0 : i32
        %dma_wait3A_64 = tpu.memref_slice %arg9[%dma_wait3A_62, %dma_wait3A_63] : memref<128x128xf32, #tpu.memory_space<vmem>> -> memref<80x128xf32, #tpu.memory_space<vmem>>
        tpu.wait_dma2 semaphore(%run_scoped3A : memref<!tpu.dma_semaphore, #tpu.memory_space<semaphore_mem>>) src(%dma_wait3A_64 : memref<80x128xf32, #tpu.memory_space<vmem>>) dst(%dma_wait3A_61 : memref<80x128xf32, #tpu.memory_space<vmem_shared>>)
        tpu.yield
      }) : () -> ()
    }
    %scan3A_7 = arith.constant 7 : i32
    %mul3A_8 = arith.constant 632 : i32
    %mul3A_9 = arith.muli %arg1, %mul3A_8 : i32
    %add3A_10 = arith.constant 560 : i32
    %add3A_11 = arith.addi %mul3A_9, %add3A_10 : i32
    "tpu.region"() ({
      %run_scoped3A = tpu.sem_alloc : memref<!tpu.dma_semaphore, #tpu.memory_space<semaphore_mem>>
      %dma_start3A = arith.constant 0 : i32
      %dma_start3A_40 = arith.constant 0 : i32
      %dma_start3A_41 = tpu.memref_slice %arg9[%dma_start3A, %dma_start3A_40] : memref<128x128xf32, #tpu.memory_space<vmem>> -> memref<80x128xf32, #tpu.memory_space<vmem>>
      %dma_start3A_42 = arith.constant 0 : i32
      %dma_start3A_43 = arith.constant 0 : i32
      %dma_start3A_44 = tpu.memref_slice %dma_start3A_41[%dma_start3A_42, %dma_start3A_43] : memref<80x128xf32, #tpu.memory_space<vmem>> -> memref<72x128xf32, #tpu.memory_space<vmem>>
      %dma_start3A_45 = arith.constant 0 : i32
      %dma_start3A_46 = tpu.memref_slice %arg11[%add3A_11, %dma_start3A_45] : memref<10112x128xf32, #tpu.memory_space<vmem_shared>> -> memref<72x128xf32, #tpu.memory_space<vmem_shared>>
      %dma_start3A_47 = arith.constant 0 : i32
      %dma_start3A_48 = tpu.memref_slice %arg11[%add3A_11, %dma_start3A_47] : memref<10112x128xf32, #tpu.memory_space<vmem_shared>> -> memref<72x128xf32, #tpu.memory_space<vmem_shared>>
      %dma_start3A_49 = arith.constant 0 : i32
      %dma_start3A_50 = arith.constant 0 : i32
      %dma_start3A_51 = tpu.memref_slice %arg9[%dma_start3A_49, %dma_start3A_50] : memref<128x128xf32, #tpu.memory_space<vmem>> -> memref<80x128xf32, #tpu.memory_space<vmem>>
      %dma_start3A_52 = arith.constant 0 : i32
      %dma_start3A_53 = arith.constant 0 : i32
      %dma_start3A_54 = tpu.memref_slice %dma_start3A_51[%dma_start3A_52, %dma_start3A_53] : memref<80x128xf32, #tpu.memory_space<vmem>> -> memref<72x128xf32, #tpu.memory_space<vmem>>
      tpu.enqueue_dma source(%dma_start3A_54 : memref<72x128xf32, #tpu.memory_space<vmem>>) target(%dma_start3A_48 : memref<72x128xf32, #tpu.memory_space<vmem_shared>>) target_semaphore(%run_scoped3A : memref<!tpu.dma_semaphore, #tpu.memory_space<semaphore_mem>>)
      %dma_wait3A_55 = arith.constant 0 : i32
      %dma_wait3A_56 = arith.constant 0 : i32
      %dma_wait3A_57 = tpu.memref_slice %arg9[%dma_wait3A_55, %dma_wait3A_56] : memref<128x128xf32, #tpu.memory_space<vmem>> -> memref<80x128xf32, #tpu.memory_space<vmem>>
      %dma_wait3A_58 = arith.constant 0 : i32
      %dma_wait3A_59 = arith.constant 0 : i32
      %dma_wait3A_60 = tpu.memref_slice %dma_wait3A_57[%dma_wait3A_58, %dma_wait3A_59] : memref<80x128xf32, #tpu.memory_space<vmem>> -> memref<72x128xf32, #tpu.memory_space<vmem>>
      %dma_wait3A_61 = arith.constant 0 : i32
      %dma_wait3A_62 = tpu.memref_slice %arg11[%add3A_11, %dma_wait3A_61] : memref<10112x128xf32, #tpu.memory_space<vmem_shared>> -> memref<72x128xf32, #tpu.memory_space<vmem_shared>>
      %dma_wait3A_63 = arith.constant 0 : i32
      %dma_wait3A_64 = tpu.memref_slice %arg11[%add3A_11, %dma_wait3A_63] : memref<10112x128xf32, #tpu.memory_space<vmem_shared>> -> memref<72x128xf32, #tpu.memory_space<vmem_shared>>
      %dma_wait3A_65 = arith.constant 0 : i32
      %dma_wait3A_66 = arith.constant 0 : i32
      %dma_wait3A_67 = tpu.memref_slice %arg9[%dma_wait3A_65, %dma_wait3A_66] : memref<128x128xf32, #tpu.memory_space<vmem>> -> memref<80x128xf32, #tpu.memory_space<vmem>>
      %dma_wait3A_68 = arith.constant 0 : i32
      %dma_wait3A_69 = arith.constant 0 : i32
      %dma_wait3A_70 = tpu.memref_slice %dma_wait3A_67[%dma_wait3A_68, %dma_wait3A_69] : memref<80x128xf32, #tpu.memory_space<vmem>> -> memref<72x128xf32, #tpu.memory_space<vmem>>
      tpu.wait_dma2 semaphore(%run_scoped3A : memref<!tpu.dma_semaphore, #tpu.memory_space<semaphore_mem>>) src(%dma_wait3A_70 : memref<72x128xf32, #tpu.memory_space<vmem>>) dst(%dma_wait3A_64 : memref<72x128xf32, #tpu.memory_space<vmem_shared>>)
      tpu.yield
    }) : () -> ()
    %barrier3A = arith.constant 0 : index
    tpu.barrier barrier_id(%barrier3A)
    %scan3A_12 = arith.constant 0 : i32
    %scan3A_13 = arith.constant 0 : i32
    %scan3A_14 = arith.constant 10 : i32
    %scan3A_15 = arith.addi %scan3A_13, %scan3A_14 : i32
    %scan3A_16 = arith.constant 1 : i32
    scf.for %scan3A_40 = %scan3A_13 to %scan3A_15 step %scan3A_16  : i32 {
      %gt3A = arith.constant 0 : i32
      %gt3A_41 = arith.cmpi sgt, %scan3A_40, %gt3A : i32
      %convert_element_type3A = arith.extui %gt3A_41 : i1 to i32
      %cond3A = arith.constant 0 : i32
      %cond3A_42 = arith.cmpi ne, %convert_element_type3A, %cond3A : i32
      scf.if %cond3A_42 {
        %dma_wait3A_51 = arith.constant 0 : i32
        %dma_wait3A_52 = arith.constant 0 : i32
        %dma_wait3A_53 = tpu.memref_slice %arg2[%dma_wait3A_51, %dma_wait3A_52] : memref<10112x128xf32, #tpu.memory_space<hbm>> -> memref<128x128xf32, #tpu.memory_space<hbm>>
        %dma_wait3A_54 = arith.constant 0 : i32
        %dma_wait3A_55 = arith.constant 0 : i32
        %dma_wait3A_56 = tpu.memref_slice %arg2[%dma_wait3A_54, %dma_wait3A_55] : memref<10112x128xf32, #tpu.memory_space<hbm>> -> memref<128x128xf32, #tpu.memory_space<hbm>>
        tpu.wait_dma2 semaphore(%arg14 : memref<!tpu.dma_semaphore, #tpu.memory_space<semaphore_mem>>) src(%dma_wait3A_56 : memref<128x128xf32, #tpu.memory_space<hbm>>) dst(%arg9 : memref<128x128xf32, #tpu.memory_space<vmem>>)
        %dma_wait3A_57 = arith.constant 0 : i32
        %dma_wait3A_58 = arith.constant 0 : i32
        %dma_wait3A_59 = tpu.memref_slice %arg2[%dma_wait3A_57, %dma_wait3A_58] : memref<10112x128xf32, #tpu.memory_space<hbm>> -> memref<128x128xf32, #tpu.memory_space<hbm>>
        %dma_wait3A_60 = arith.constant 0 : i32
        %dma_wait3A_61 = arith.constant 0 : i32
        %dma_wait3A_62 = tpu.memref_slice %arg2[%dma_wait3A_60, %dma_wait3A_61] : memref<10112x128xf32, #tpu.memory_space<hbm>> -> memref<128x128xf32, #tpu.memory_space<hbm>>
        tpu.wait_dma2 semaphore(%arg15 : memref<!tpu.dma_semaphore, #tpu.memory_space<semaphore_mem>>) src(%dma_wait3A_62 : memref<128x128xf32, #tpu.memory_space<hbm>>) dst(%arg10 : memref<128x128xf32, #tpu.memory_space<vmem>>)
      } else {
      }
      %add3A_43 = arith.addi %mul3A_2, %scan3A_40 : i32
      "tpu.region"() ({
        %run_scoped3A = tpu.sem_alloc : memref<!tpu.dma_semaphore, #tpu.memory_space<semaphore_mem>>
        %dma_start3A = arith.constant 0 : i32
        %dma_start3A_51 = arith.constant 0 : i32
        %dma_start3A_52 = tpu.memref_slice %arg3[%add3A_43, %dma_start3A, %dma_start3A_51] : memref<320x8x128xi32, #tpu.memory_space<hbm>> -> memref<1x8x128xi32, #tpu.memory_space<hbm>>
        %dma_start3A_53 = tpu.memref_squeeze %dma_start3A_52 : memref<1x8x128xi32, #tpu.memory_space<hbm>> -> memref<8x128xi32, #tpu.memory_space<hbm>>
        %dma_start3A_54 = arith.constant 0 : i32
        %dma_start3A_55 = arith.constant 0 : i32
        %dma_start3A_56 = tpu.memref_slice %arg3[%add3A_43, %dma_start3A_54, %dma_start3A_55] : memref<320x8x128xi32, #tpu.memory_space<hbm>> -> memref<1x8x128xi32, #tpu.memory_space<hbm>>
        %dma_start3A_57 = tpu.memref_squeeze %dma_start3A_56 : memref<1x8x128xi32, #tpu.memory_space<hbm>> -> memref<8x128xi32, #tpu.memory_space<hbm>>
        tpu.enqueue_dma source(%dma_start3A_57 : memref<8x128xi32, #tpu.memory_space<hbm>>) target(%arg7 : memref<8x128xi32, #tpu.memory_space<vmem>>) target_semaphore(%run_scoped3A : memref<!tpu.dma_semaphore, #tpu.memory_space<semaphore_mem>>)
        %dma_wait3A_58 = arith.constant 0 : i32
        %dma_wait3A_59 = arith.constant 0 : i32
        %dma_wait3A_60 = tpu.memref_slice %arg3[%add3A_43, %dma_wait3A_58, %dma_wait3A_59] : memref<320x8x128xi32, #tpu.memory_space<hbm>> -> memref<1x8x128xi32, #tpu.memory_space<hbm>>
        %dma_wait3A_61 = tpu.memref_squeeze %dma_wait3A_60 : memref<1x8x128xi32, #tpu.memory_space<hbm>> -> memref<8x128xi32, #tpu.memory_space<hbm>>
        %dma_wait3A_62 = arith.constant 0 : i32
        %dma_wait3A_63 = arith.constant 0 : i32
        %dma_wait3A_64 = tpu.memref_slice %arg3[%add3A_43, %dma_wait3A_62, %dma_wait3A_63] : memref<320x8x128xi32, #tpu.memory_space<hbm>> -> memref<1x8x128xi32, #tpu.memory_space<hbm>>
        %dma_wait3A_65 = tpu.memref_squeeze %dma_wait3A_64 : memref<1x8x128xi32, #tpu.memory_space<hbm>> -> memref<8x128xi32, #tpu.memory_space<hbm>>
        tpu.wait_dma2 semaphore(%run_scoped3A : memref<!tpu.dma_semaphore, #tpu.memory_space<semaphore_mem>>) src(%dma_wait3A_65 : memref<8x128xi32, #tpu.memory_space<hbm>>) dst(%arg7 : memref<8x128xi32, #tpu.memory_space<vmem>>)
        tpu.yield
      }) : () -> ()
      %add3A_44 = arith.addi %mul3A_2, %scan3A_40 : i32
      "tpu.region"() ({
        %run_scoped3A = tpu.sem_alloc : memref<!tpu.dma_semaphore, #tpu.memory_space<semaphore_mem>>
        %dma_start3A = arith.constant 0 : i32
        %dma_start3A_51 = arith.constant 0 : i32
        %dma_start3A_52 = tpu.memref_slice %arg4[%add3A_44, %dma_start3A, %dma_start3A_51] : memref<320x8x128xi32, #tpu.memory_space<hbm>> -> memref<1x8x128xi32, #tpu.memory_space<hbm>>
        %dma_start3A_53 = tpu.memref_squeeze %dma_start3A_52 : memref<1x8x128xi32, #tpu.memory_space<hbm>> -> memref<8x128xi32, #tpu.memory_space<hbm>>
        %dma_start3A_54 = arith.constant 0 : i32
        %dma_start3A_55 = arith.constant 0 : i32
        %dma_start3A_56 = tpu.memref_slice %arg4[%add3A_44, %dma_start3A_54, %dma_start3A_55] : memref<320x8x128xi32, #tpu.memory_space<hbm>> -> memref<1x8x128xi32, #tpu.memory_space<hbm>>
        %dma_start3A_57 = tpu.memref_squeeze %dma_start3A_56 : memref<1x8x128xi32, #tpu.memory_space<hbm>> -> memref<8x128xi32, #tpu.memory_space<hbm>>
        tpu.enqueue_dma source(%dma_start3A_57 : memref<8x128xi32, #tpu.memory_space<hbm>>) target(%arg8 : memref<8x128xi32, #tpu.memory_space<vmem>>) target_semaphore(%run_scoped3A : memref<!tpu.dma_semaphore, #tpu.memory_space<semaphore_mem>>)
        %dma_wait3A_58 = arith.constant 0 : i32
        %dma_wait3A_59 = arith.constant 0 : i32
        %dma_wait3A_60 = tpu.memref_slice %arg4[%add3A_44, %dma_wait3A_58, %dma_wait3A_59] : memref<320x8x128xi32, #tpu.memory_space<hbm>> -> memref<1x8x128xi32, #tpu.memory_space<hbm>>
        %dma_wait3A_61 = tpu.memref_squeeze %dma_wait3A_60 : memref<1x8x128xi32, #tpu.memory_space<hbm>> -> memref<8x128xi32, #tpu.memory_space<hbm>>
        %dma_wait3A_62 = arith.constant 0 : i32
        %dma_wait3A_63 = arith.constant 0 : i32
        %dma_wait3A_64 = tpu.memref_slice %arg4[%add3A_44, %dma_wait3A_62, %dma_wait3A_63] : memref<320x8x128xi32, #tpu.memory_space<hbm>> -> memref<1x8x128xi32, #tpu.memory_space<hbm>>
        %dma_wait3A_65 = tpu.memref_squeeze %dma_wait3A_64 : memref<1x8x128xi32, #tpu.memory_space<hbm>> -> memref<8x128xi32, #tpu.memory_space<hbm>>
        tpu.wait_dma2 semaphore(%run_scoped3A : memref<!tpu.dma_semaphore, #tpu.memory_space<semaphore_mem>>) src(%dma_wait3A_65 : memref<8x128xi32, #tpu.memory_space<hbm>>) dst(%arg8 : memref<8x128xi32, #tpu.memory_space<vmem>>)
        tpu.yield
      }) : () -> ()
      %scan3A_45 = arith.constant 0 : i32
      %scan3A_46 = arith.constant 0 : i32
      %scan3A_47 = arith.constant 4 : i32
      %scan3A_48 = arith.addi %scan3A_46, %scan3A_47 : i32
      %scan3A_49 = arith.constant 1 : i32
      scf.for %scan3A_51 = %scan3A_46 to %scan3A_48 step %scan3A_49  : i32 {
        %gt3A_52 = arith.constant 0 : i32
        %gt3A_53 = arith.cmpi sgt, %scan3A_51, %gt3A_52 : i32
        %convert_element_type3A_54 = arith.extui %gt3A_53 : i1 to i32
        %cond3A_55 = arith.constant 0 : i32
        %cond3A_56 = arith.cmpi ne, %convert_element_type3A_54, %cond3A_55 : i32
        scf.if %cond3A_56 {
          %dma_wait3A_109 = arith.constant 0 : i32
          %dma_wait3A_110 = arith.constant 0 : i32
          %dma_wait3A_111 = tpu.memref_slice %arg2[%dma_wait3A_109, %dma_wait3A_110] : memref<10112x128xf32, #tpu.memory_space<hbm>> -> memref<128x128xf32, #tpu.memory_space<hbm>>
          %dma_wait3A_112 = arith.constant 0 : i32
          %dma_wait3A_113 = arith.constant 0 : i32
          %dma_wait3A_114 = tpu.memref_slice %arg2[%dma_wait3A_112, %dma_wait3A_113] : memref<10112x128xf32, #tpu.memory_space<hbm>> -> memref<128x128xf32, #tpu.memory_space<hbm>>
          tpu.wait_dma2 semaphore(%arg14 : memref<!tpu.dma_semaphore, #tpu.memory_space<semaphore_mem>>) src(%dma_wait3A_114 : memref<128x128xf32, #tpu.memory_space<hbm>>) dst(%arg9 : memref<128x128xf32, #tpu.memory_space<vmem>>)
        } else {
        }
        %mul3A_57 = arith.constant 2 : i32
        %mul3A_58 = arith.muli %mul3A_57, %scan3A_51 : i32
        %dma_start3A = arith.constant 0 : i32
        %dma_start3A_59 = tpu.memref_slice %arg7[%mul3A_58, %dma_start3A] : memref<8x128xi32, #tpu.memory_space<vmem>> -> memref<1x128xi32, #tpu.memory_space<vmem>>
        %dma_start3A_60 = tpu.memref_squeeze %dma_start3A_59 : memref<1x128xi32, #tpu.memory_space<vmem>> -> memref<128xi32, #tpu.memory_space<vmem>>
        %dma_start3A_61 = arith.constant 0 : i32
        %dma_start3A_62 = arith.constant 0 : i32
        %dma_start3A_63 = tpu.memref_slice %arg2[%dma_start3A_61, %dma_start3A_62] : memref<10112x128xf32, #tpu.memory_space<hbm>> -> memref<10112x128xf32, #tpu.memory_space<hbm>>
        tpu.enqueue_indirect_dma source(%dma_start3A_63 : memref<10112x128xf32, #tpu.memory_space<hbm>>) target(%arg9 : memref<128x128xf32, #tpu.memory_space<vmem>>) offsets(%dma_start3A_60 : memref<128xi32, #tpu.memory_space<vmem>>) semaphore(%arg12 : memref<!tpu.dma_semaphore, #tpu.memory_space<semaphore_mem>>)
        %dma_wait3A_64 = arith.constant 0 : i32
        %dma_wait3A_65 = tpu.memref_slice %arg7[%mul3A_58, %dma_wait3A_64] : memref<8x128xi32, #tpu.memory_space<vmem>> -> memref<1x128xi32, #tpu.memory_space<vmem>>
        %dma_wait3A_66 = tpu.memref_squeeze %dma_wait3A_65 : memref<1x128xi32, #tpu.memory_space<vmem>> -> memref<128xi32, #tpu.memory_space<vmem>>
        %dma_wait3A_67 = arith.constant 0 : i32
        %dma_wait3A_68 = arith.constant 0 : i32
        %dma_wait3A_69 = tpu.memref_slice %arg2[%dma_wait3A_67, %dma_wait3A_68] : memref<10112x128xf32, #tpu.memory_space<hbm>> -> memref<10112x128xf32, #tpu.memory_space<hbm>>
        tpu.wait_indirect_dma semaphore(%arg12 : memref<!tpu.dma_semaphore, #tpu.memory_space<semaphore_mem>>) src(%dma_wait3A_69 : memref<10112x128xf32, #tpu.memory_space<hbm>>) dst(%arg9 : memref<128x128xf32, #tpu.memory_space<vmem>>)
        %mul3A_70 = arith.constant 2 : i32
        %mul3A_71 = arith.muli %mul3A_70, %scan3A_51 : i32
        %dma_start3A_72 = arith.constant 0 : i32
        %dma_start3A_73 = tpu.memref_slice %arg8[%mul3A_71, %dma_start3A_72] : memref<8x128xi32, #tpu.memory_space<vmem>> -> memref<1x128xi32, #tpu.memory_space<vmem>>
        %dma_start3A_74 = tpu.memref_squeeze %dma_start3A_73 : memref<1x128xi32, #tpu.memory_space<vmem>> -> memref<128xi32, #tpu.memory_space<vmem>>
        %dma_start3A_75 = arith.constant 0 : i32
        %dma_start3A_76 = arith.constant 0 : i32
        %dma_start3A_77 = tpu.memref_slice %arg11[%dma_start3A_75, %dma_start3A_76] : memref<10112x128xf32, #tpu.memory_space<vmem_shared>> -> memref<10112x128xf32, #tpu.memory_space<vmem_shared>>
        tpu.enqueue_indirect_dma source(%arg9 : memref<128x128xf32, #tpu.memory_space<vmem>>) target(%dma_start3A_77 : memref<10112x128xf32, #tpu.memory_space<vmem_shared>>) offsets(%dma_start3A_74 : memref<128xi32, #tpu.memory_space<vmem>>) semaphore(%arg14 : memref<!tpu.dma_semaphore, #tpu.memory_space<semaphore_mem>>) {add = true}
        %gt3A_78 = arith.constant 0 : i32
        %gt3A_79 = arith.cmpi sgt, %scan3A_51, %gt3A_78 : i32
        %convert_element_type3A_80 = arith.extui %gt3A_79 : i1 to i32
        %cond3A_81 = arith.constant 0 : i32
        %cond3A_82 = arith.cmpi ne, %convert_element_type3A_80, %cond3A_81 : i32
        scf.if %cond3A_82 {
          %dma_wait3A_109 = arith.constant 0 : i32
          %dma_wait3A_110 = arith.constant 0 : i32
          %dma_wait3A_111 = tpu.memref_slice %arg2[%dma_wait3A_109, %dma_wait3A_110] : memref<10112x128xf32, #tpu.memory_space<hbm>> -> memref<128x128xf32, #tpu.memory_space<hbm>>
          %dma_wait3A_112 = arith.constant 0 : i32
          %dma_wait3A_113 = arith.constant 0 : i32
          %dma_wait3A_114 = tpu.memref_slice %arg2[%dma_wait3A_112, %dma_wait3A_113] : memref<10112x128xf32, #tpu.memory_space<hbm>> -> memref<128x128xf32, #tpu.memory_space<hbm>>
          tpu.wait_dma2 semaphore(%arg15 : memref<!tpu.dma_semaphore, #tpu.memory_space<semaphore_mem>>) src(%dma_wait3A_114 : memref<128x128xf32, #tpu.memory_space<hbm>>) dst(%arg10 : memref<128x128xf32, #tpu.memory_space<vmem>>)
        } else {
        }
        %mul3A_83 = arith.constant 2 : i32
        %mul3A_84 = arith.muli %mul3A_83, %scan3A_51 : i32
        %add3A_85 = arith.constant 1 : i32
        %add3A_86 = arith.addi %mul3A_84, %add3A_85 : i32
        %dma_start3A_87 = arith.constant 0 : i32
        %dma_start3A_88 = tpu.memref_slice %arg7[%add3A_86, %dma_start3A_87] : memref<8x128xi32, #tpu.memory_space<vmem>> -> memref<1x128xi32, #tpu.memory_space<vmem>>
        %dma_start3A_89 = tpu.memref_squeeze %dma_start3A_88 : memref<1x128xi32, #tpu.memory_space<vmem>> -> memref<128xi32, #tpu.memory_space<vmem>>
        %dma_start3A_90 = arith.constant 0 : i32
        %dma_start3A_91 = arith.constant 0 : i32
        %dma_start3A_92 = tpu.memref_slice %arg2[%dma_start3A_90, %dma_start3A_91] : memref<10112x128xf32, #tpu.memory_space<hbm>> -> memref<10112x128xf32, #tpu.memory_space<hbm>>
        tpu.enqueue_indirect_dma source(%dma_start3A_92 : memref<10112x128xf32, #tpu.memory_space<hbm>>) target(%arg10 : memref<128x128xf32, #tpu.memory_space<vmem>>) offsets(%dma_start3A_89 : memref<128xi32, #tpu.memory_space<vmem>>) semaphore(%arg13 : memref<!tpu.dma_semaphore, #tpu.memory_space<semaphore_mem>>)
        %dma_wait3A_93 = arith.constant 0 : i32
        %dma_wait3A_94 = tpu.memref_slice %arg7[%add3A_86, %dma_wait3A_93] : memref<8x128xi32, #tpu.memory_space<vmem>> -> memref<1x128xi32, #tpu.memory_space<vmem>>
        %dma_wait3A_95 = tpu.memref_squeeze %dma_wait3A_94 : memref<1x128xi32, #tpu.memory_space<vmem>> -> memref<128xi32, #tpu.memory_space<vmem>>
        %dma_wait3A_96 = arith.constant 0 : i32
        %dma_wait3A_97 = arith.constant 0 : i32
        %dma_wait3A_98 = tpu.memref_slice %arg2[%dma_wait3A_96, %dma_wait3A_97] : memref<10112x128xf32, #tpu.memory_space<hbm>> -> memref<10112x128xf32, #tpu.memory_space<hbm>>
        tpu.wait_indirect_dma semaphore(%arg13 : memref<!tpu.dma_semaphore, #tpu.memory_space<semaphore_mem>>) src(%dma_wait3A_98 : memref<10112x128xf32, #tpu.memory_space<hbm>>) dst(%arg10 : memref<128x128xf32, #tpu.memory_space<vmem>>)
        %mul3A_99 = arith.constant 2 : i32
        %mul3A_100 = arith.muli %mul3A_99, %scan3A_51 : i32
        %add3A_101 = arith.constant 1 : i32
        %add3A_102 = arith.addi %mul3A_100, %add3A_101 : i32
        %dma_start3A_103 = arith.constant 0 : i32
        %dma_start3A_104 = tpu.memref_slice %arg8[%add3A_102, %dma_start3A_103] : memref<8x128xi32, #tpu.memory_space<vmem>> -> memref<1x128xi32, #tpu.memory_space<vmem>>
        %dma_start3A_105 = tpu.memref_squeeze %dma_start3A_104 : memref<1x128xi32, #tpu.memory_space<vmem>> -> memref<128xi32, #tpu.memory_space<vmem>>
        %dma_start3A_106 = arith.constant 0 : i32
        %dma_start3A_107 = arith.constant 0 : i32
        %dma_start3A_108 = tpu.memref_slice %arg11[%dma_start3A_106, %dma_start3A_107] : memref<10112x128xf32, #tpu.memory_space<vmem_shared>> -> memref<10112x128xf32, #tpu.memory_space<vmem_shared>>
        tpu.enqueue_indirect_dma source(%arg10 : memref<128x128xf32, #tpu.memory_space<vmem>>) target(%dma_start3A_108 : memref<10112x128xf32, #tpu.memory_space<vmem_shared>>) offsets(%dma_start3A_105 : memref<128xi32, #tpu.memory_space<vmem>>) semaphore(%arg15 : memref<!tpu.dma_semaphore, #tpu.memory_space<semaphore_mem>>) {add = true}
      }
      %scan3A_50 = arith.constant 4 : i32
    }
    %scan3A_17 = arith.constant 10 : i32
    %dma_wait3A = arith.constant 0 : i32
    %dma_wait3A_18 = arith.constant 0 : i32
    %dma_wait3A_19 = tpu.memref_slice %arg2[%dma_wait3A, %dma_wait3A_18] : memref<10112x128xf32, #tpu.memory_space<hbm>> -> memref<128x128xf32, #tpu.memory_space<hbm>>
    %dma_wait3A_20 = arith.constant 0 : i32
    %dma_wait3A_21 = arith.constant 0 : i32
    %dma_wait3A_22 = tpu.memref_slice %arg2[%dma_wait3A_20, %dma_wait3A_21] : memref<10112x128xf32, #tpu.memory_space<hbm>> -> memref<128x128xf32, #tpu.memory_space<hbm>>
    tpu.wait_dma2 semaphore(%arg14 : memref<!tpu.dma_semaphore, #tpu.memory_space<semaphore_mem>>) src(%dma_wait3A_22 : memref<128x128xf32, #tpu.memory_space<hbm>>) dst(%arg9 : memref<128x128xf32, #tpu.memory_space<vmem>>)
    %dma_wait3A_23 = arith.constant 0 : i32
    %dma_wait3A_24 = arith.constant 0 : i32
    %dma_wait3A_25 = tpu.memref_slice %arg2[%dma_wait3A_23, %dma_wait3A_24] : memref<10112x128xf32, #tpu.memory_space<hbm>> -> memref<128x128xf32, #tpu.memory_space<hbm>>
    %dma_wait3A_26 = arith.constant 0 : i32
    %dma_wait3A_27 = arith.constant 0 : i32
    %dma_wait3A_28 = tpu.memref_slice %arg2[%dma_wait3A_26, %dma_wait3A_27] : memref<10112x128xf32, #tpu.memory_space<hbm>> -> memref<128x128xf32, #tpu.memory_space<hbm>>
    tpu.wait_dma2 semaphore(%arg15 : memref<!tpu.dma_semaphore, #tpu.memory_space<semaphore_mem>>) src(%dma_wait3A_28 : memref<128x128xf32, #tpu.memory_space<hbm>>) dst(%arg10 : memref<128x128xf32, #tpu.memory_space<vmem>>)
    %barrier3A_29 = arith.constant 0 : index
    tpu.barrier barrier_id(%barrier3A_29)
    %scan3A_30 = arith.constant 0 : i32
    %scan3A_31 = arith.constant 0 : i32
    %scan3A_32 = arith.constant 7 : i32
    %scan3A_33 = arith.addi %scan3A_31, %scan3A_32 : i32
    %scan3A_34 = arith.constant 1 : i32
    scf.for %scan3A_40 = %scan3A_31 to %scan3A_33 step %scan3A_34  : i32 {
      %mul3A_41 = arith.constant 632 : i32
      %mul3A_42 = arith.muli %arg1, %mul3A_41 : i32
      %mul3A_43 = arith.constant 80 : i32
      %mul3A_44 = arith.muli %scan3A_40, %mul3A_43 : i32
      %add3A_45 = arith.addi %mul3A_42, %mul3A_44 : i32
      "tpu.region"() ({
        %run_scoped3A = tpu.sem_alloc : memref<!tpu.dma_semaphore, #tpu.memory_space<semaphore_mem>>
        %dma_start3A = arith.constant 0 : i32
        %dma_start3A_46 = arith.constant 0 : i32
        %dma_start3A_47 = tpu.memref_slice %arg9[%dma_start3A, %dma_start3A_46] : memref<128x128xf32, #tpu.memory_space<vmem>> -> memref<80x128xf32, #tpu.memory_space<vmem>>
        %dma_start3A_48 = arith.constant 0 : i32
        %dma_start3A_49 = tpu.memref_slice %arg11[%add3A_45, %dma_start3A_48] : memref<10112x128xf32, #tpu.memory_space<vmem_shared>> -> memref<80x128xf32, #tpu.memory_space<vmem_shared>>
        %dma_start3A_50 = arith.constant 0 : i32
        %dma_start3A_51 = arith.constant 0 : i32
        %dma_start3A_52 = tpu.memref_slice %arg9[%dma_start3A_50, %dma_start3A_51] : memref<128x128xf32, #tpu.memory_space<vmem>> -> memref<80x128xf32, #tpu.memory_space<vmem>>
        %dma_start3A_53 = arith.constant 0 : i32
        %dma_start3A_54 = tpu.memref_slice %arg11[%add3A_45, %dma_start3A_53] : memref<10112x128xf32, #tpu.memory_space<vmem_shared>> -> memref<80x128xf32, #tpu.memory_space<vmem_shared>>
        tpu.enqueue_dma source(%dma_start3A_54 : memref<80x128xf32, #tpu.memory_space<vmem_shared>>) target(%dma_start3A_52 : memref<80x128xf32, #tpu.memory_space<vmem>>) target_semaphore(%run_scoped3A : memref<!tpu.dma_semaphore, #tpu.memory_space<semaphore_mem>>)
        %dma_wait3A_55 = arith.constant 0 : i32
        %dma_wait3A_56 = arith.constant 0 : i32
        %dma_wait3A_57 = tpu.memref_slice %arg9[%dma_wait3A_55, %dma_wait3A_56] : memref<128x128xf32, #tpu.memory_space<vmem>> -> memref<80x128xf32, #tpu.memory_space<vmem>>
        %dma_wait3A_58 = arith.constant 0 : i32
        %dma_wait3A_59 = tpu.memref_slice %arg11[%add3A_45, %dma_wait3A_58] : memref<10112x128xf32, #tpu.memory_space<vmem_shared>> -> memref<80x128xf32, #tpu.memory_space<vmem_shared>>
        %dma_wait3A_60 = arith.constant 0 : i32
        %dma_wait3A_61 = arith.constant 0 : i32
        %dma_wait3A_62 = tpu.memref_slice %arg9[%dma_wait3A_60, %dma_wait3A_61] : memref<128x128xf32, #tpu.memory_space<vmem>> -> memref<80x128xf32, #tpu.memory_space<vmem>>
        %dma_wait3A_63 = arith.constant 0 : i32
        %dma_wait3A_64 = tpu.memref_slice %arg11[%add3A_45, %dma_wait3A_63] : memref<10112x128xf32, #tpu.memory_space<vmem_shared>> -> memref<80x128xf32, #tpu.memory_space<vmem_shared>>
        tpu.wait_dma2 semaphore(%run_scoped3A : memref<!tpu.dma_semaphore, #tpu.memory_space<semaphore_mem>>) src(%dma_wait3A_64 : memref<80x128xf32, #tpu.memory_space<vmem_shared>>) dst(%dma_wait3A_62 : memref<80x128xf32, #tpu.memory_space<vmem>>)
        tpu.yield
      }) : () -> ()
      "tpu.region"() ({
        %run_scoped3A = tpu.sem_alloc : memref<!tpu.dma_semaphore, #tpu.memory_space<semaphore_mem>>
        %dma_start3A = arith.constant 0 : i32
        %dma_start3A_46 = arith.constant 0 : i32
        %dma_start3A_47 = tpu.memref_slice %arg9[%dma_start3A, %dma_start3A_46] : memref<128x128xf32, #tpu.memory_space<vmem>> -> memref<80x128xf32, #tpu.memory_space<vmem>>
        %dma_start3A_48 = arith.constant 0 : i32
        %dma_start3A_49 = tpu.memref_slice %arg6[%arg0, %add3A_45, %dma_start3A_48] : memref<2x10112x128xf32, #tpu.memory_space<hbm>> -> memref<1x80x128xf32, #tpu.memory_space<hbm>>
        %dma_start3A_50 = tpu.memref_squeeze %dma_start3A_49 : memref<1x80x128xf32, #tpu.memory_space<hbm>> -> memref<80x128xf32, #tpu.memory_space<hbm>>
        %dma_start3A_51 = arith.constant 0 : i32
        %dma_start3A_52 = tpu.memref_slice %arg6[%arg0, %add3A_45, %dma_start3A_51] : memref<2x10112x128xf32, #tpu.memory_space<hbm>> -> memref<1x80x128xf32, #tpu.memory_space<hbm>>
        %dma_start3A_53 = tpu.memref_squeeze %dma_start3A_52 : memref<1x80x128xf32, #tpu.memory_space<hbm>> -> memref<80x128xf32, #tpu.memory_space<hbm>>
        %dma_start3A_54 = arith.constant 0 : i32
        %dma_start3A_55 = arith.constant 0 : i32
        %dma_start3A_56 = tpu.memref_slice %arg9[%dma_start3A_54, %dma_start3A_55] : memref<128x128xf32, #tpu.memory_space<vmem>> -> memref<80x128xf32, #tpu.memory_space<vmem>>
        tpu.enqueue_dma source(%dma_start3A_56 : memref<80x128xf32, #tpu.memory_space<vmem>>) target(%dma_start3A_53 : memref<80x128xf32, #tpu.memory_space<hbm>>) target_semaphore(%run_scoped3A : memref<!tpu.dma_semaphore, #tpu.memory_space<semaphore_mem>>)
        %dma_wait3A_57 = arith.constant 0 : i32
        %dma_wait3A_58 = arith.constant 0 : i32
        %dma_wait3A_59 = tpu.memref_slice %arg9[%dma_wait3A_57, %dma_wait3A_58] : memref<128x128xf32, #tpu.memory_space<vmem>> -> memref<80x128xf32, #tpu.memory_space<vmem>>
        %dma_wait3A_60 = arith.constant 0 : i32
        %dma_wait3A_61 = tpu.memref_slice %arg6[%arg0, %add3A_45, %dma_wait3A_60] : memref<2x10112x128xf32, #tpu.memory_space<hbm>> -> memref<1x80x128xf32, #tpu.memory_space<hbm>>
        %dma_wait3A_62 = tpu.memref_squeeze %dma_wait3A_61 : memref<1x80x128xf32, #tpu.memory_space<hbm>> -> memref<80x128xf32, #tpu.memory_space<hbm>>
        %dma_wait3A_63 = arith.constant 0 : i32
        %dma_wait3A_64 = tpu.memref_slice %arg6[%arg0, %add3A_45, %dma_wait3A_63] : memref<2x10112x128xf32, #tpu.memory_space<hbm>> -> memref<1x80x128xf32, #tpu.memory_space<hbm>>
        %dma_wait3A_65 = tpu.memref_squeeze %dma_wait3A_64 : memref<1x80x128xf32, #tpu.memory_space<hbm>> -> memref<80x128xf32, #tpu.memory_space<hbm>>
        %dma_wait3A_66 = arith.constant 0 : i32
        %dma_wait3A_67 = arith.constant 0 : i32
        %dma_wait3A_68 = tpu.memref_slice %arg9[%dma_wait3A_66, %dma_wait3A_67] : memref<128x128xf32, #tpu.memory_space<vmem>> -> memref<80x128xf32, #tpu.memory_space<vmem>>
        tpu.wait_dma2 semaphore(%run_scoped3A : memref<!tpu.dma_semaphore, #tpu.memory_space<semaphore_mem>>) src(%dma_wait3A_68 : memref<80x128xf32, #tpu.memory_space<vmem>>) dst(%dma_wait3A_65 : memref<80x128xf32, #tpu.memory_space<hbm>>)
        tpu.yield
      }) : () -> ()
    }
    %scan3A_35 = arith.constant 7 : i32
    %mul3A_36 = arith.constant 632 : i32
    %mul3A_37 = arith.muli %arg1, %mul3A_36 : i32
    %add3A_38 = arith.constant 560 : i32
    %add3A_39 = arith.addi %mul3A_37, %add3A_38 : i32
    "tpu.region"() ({
      %run_scoped3A = tpu.sem_alloc : memref<!tpu.dma_semaphore, #tpu.memory_space<semaphore_mem>>
      %dma_start3A = arith.constant 0 : i32
      %dma_start3A_40 = arith.constant 0 : i32
      %dma_start3A_41 = tpu.memref_slice %arg9[%dma_start3A, %dma_start3A_40] : memref<128x128xf32, #tpu.memory_space<vmem>> -> memref<80x128xf32, #tpu.memory_space<vmem>>
      %dma_start3A_42 = arith.constant 0 : i32
      %dma_start3A_43 = arith.constant 0 : i32
      %dma_start3A_44 = tpu.memref_slice %dma_start3A_41[%dma_start3A_42, %dma_start3A_43] : memref<80x128xf32, #tpu.memory_space<vmem>> -> memref<72x128xf32, #tpu.memory_space<vmem>>
      %dma_start3A_45 = arith.constant 0 : i32
      %dma_start3A_46 = tpu.memref_slice %arg11[%add3A_39, %dma_start3A_45] : memref<10112x128xf32, #tpu.memory_space<vmem_shared>> -> memref<72x128xf32, #tpu.memory_space<vmem_shared>>
      %dma_start3A_47 = arith.constant 0 : i32
      %dma_start3A_48 = arith.constant 0 : i32
      %dma_start3A_49 = tpu.memref_slice %arg9[%dma_start3A_47, %dma_start3A_48] : memref<128x128xf32, #tpu.memory_space<vmem>> -> memref<80x128xf32, #tpu.memory_space<vmem>>
      %dma_start3A_50 = arith.constant 0 : i32
      %dma_start3A_51 = arith.constant 0 : i32
      %dma_start3A_52 = tpu.memref_slice %dma_start3A_49[%dma_start3A_50, %dma_start3A_51] : memref<80x128xf32, #tpu.memory_space<vmem>> -> memref<72x128xf32, #tpu.memory_space<vmem>>
      %dma_start3A_53 = arith.constant 0 : i32
      %dma_start3A_54 = tpu.memref_slice %arg11[%add3A_39, %dma_start3A_53] : memref<10112x128xf32, #tpu.memory_space<vmem_shared>> -> memref<72x128xf32, #tpu.memory_space<vmem_shared>>
      tpu.enqueue_dma source(%dma_start3A_54 : memref<72x128xf32, #tpu.memory_space<vmem_shared>>) target(%dma_start3A_52 : memref<72x128xf32, #tpu.memory_space<vmem>>) target_semaphore(%run_scoped3A : memref<!tpu.dma_semaphore, #tpu.memory_space<semaphore_mem>>)
      %dma_wait3A_55 = arith.constant 0 : i32
      %dma_wait3A_56 = arith.constant 0 : i32
      %dma_wait3A_57 = tpu.memref_slice %arg9[%dma_wait3A_55, %dma_wait3A_56] : memref<128x128xf32, #tpu.memory_space<vmem>> -> memref<80x128xf32, #tpu.memory_space<vmem>>
      %dma_wait3A_58 = arith.constant 0 : i32
      %dma_wait3A_59 = arith.constant 0 : i32
      %dma_wait3A_60 = tpu.memref_slice %dma_wait3A_57[%dma_wait3A_58, %dma_wait3A_59] : memref<80x128xf32, #tpu.memory_space<vmem>> -> memref<72x128xf32, #tpu.memory_space<vmem>>
      %dma_wait3A_61 = arith.constant 0 : i32
      %dma_wait3A_62 = tpu.memref_slice %arg11[%add3A_39, %dma_wait3A_61] : memref<10112x128xf32, #tpu.memory_space<vmem_shared>> -> memref<72x128xf32, #tpu.memory_space<vmem_shared>>
      %dma_wait3A_63 = arith.constant 0 : i32
      %dma_wait3A_64 = arith.constant 0 : i32
      %dma_wait3A_65 = tpu.memref_slice %arg9[%dma_wait3A_63, %dma_wait3A_64] : memref<128x128xf32, #tpu.memory_space<vmem>> -> memref<80x128xf32, #tpu.memory_space<vmem>>
      %dma_wait3A_66 = arith.constant 0 : i32
      %dma_wait3A_67 = arith.constant 0 : i32
      %dma_wait3A_68 = tpu.memref_slice %dma_wait3A_65[%dma_wait3A_66, %dma_wait3A_67] : memref<80x128xf32, #tpu.memory_space<vmem>> -> memref<72x128xf32, #tpu.memory_space<vmem>>
      %dma_wait3A_69 = arith.constant 0 : i32
      %dma_wait3A_70 = tpu.memref_slice %arg11[%add3A_39, %dma_wait3A_69] : memref<10112x128xf32, #tpu.memory_space<vmem_shared>> -> memref<72x128xf32, #tpu.memory_space<vmem_shared>>
      tpu.wait_dma2 semaphore(%run_scoped3A : memref<!tpu.dma_semaphore, #tpu.memory_space<semaphore_mem>>) src(%dma_wait3A_70 : memref<72x128xf32, #tpu.memory_space<vmem_shared>>) dst(%dma_wait3A_68 : memref<72x128xf32, #tpu.memory_space<vmem>>)
      tpu.yield
    }) : () -> ()
    "tpu.region"() ({
      %run_scoped3A = tpu.sem_alloc : memref<!tpu.dma_semaphore, #tpu.memory_space<semaphore_mem>>
      %dma_start3A = arith.constant 0 : i32
      %dma_start3A_40 = arith.constant 0 : i32
      %dma_start3A_41 = tpu.memref_slice %arg9[%dma_start3A, %dma_start3A_40] : memref<128x128xf32, #tpu.memory_space<vmem>> -> memref<80x128xf32, #tpu.memory_space<vmem>>
      %dma_start3A_42 = arith.constant 0 : i32
      %dma_start3A_43 = arith.constant 0 : i32
      %dma_start3A_44 = tpu.memref_slice %dma_start3A_41[%dma_start3A_42, %dma_start3A_43] : memref<80x128xf32, #tpu.memory_space<vmem>> -> memref<72x128xf32, #tpu.memory_space<vmem>>
      %dma_start3A_45 = arith.constant 0 : i32
      %dma_start3A_46 = tpu.memref_slice %arg6[%arg0, %add3A_39, %dma_start3A_45] : memref<2x10112x128xf32, #tpu.memory_space<hbm>> -> memref<1x72x128xf32, #tpu.memory_space<hbm>>
      %dma_start3A_47 = tpu.memref_squeeze %dma_start3A_46 : memref<1x72x128xf32, #tpu.memory_space<hbm>> -> memref<72x128xf32, #tpu.memory_space<hbm>>
      %dma_start3A_48 = arith.constant 0 : i32
      %dma_start3A_49 = tpu.memref_slice %arg6[%arg0, %add3A_39, %dma_start3A_48] : memref<2x10112x128xf32, #tpu.memory_space<hbm>> -> memref<1x72x128xf32, #tpu.memory_space<hbm>>
      %dma_start3A_50 = tpu.memref_squeeze %dma_start3A_49 : memref<1x72x128xf32, #tpu.memory_space<hbm>> -> memref<72x128xf32, #tpu.memory_space<hbm>>
      %dma_start3A_51 = arith.constant 0 : i32
      %dma_start3A_52 = arith.constant 0 : i32
      %dma_start3A_53 = tpu.memref_slice %arg9[%dma_start3A_51, %dma_start3A_52] : memref<128x128xf32, #tpu.memory_space<vmem>> -> memref<80x128xf32, #tpu.memory_space<vmem>>
      %dma_start3A_54 = arith.constant 0 : i32
      %dma_start3A_55 = arith.constant 0 : i32
      %dma_start3A_56 = tpu.memref_slice %dma_start3A_53[%dma_start3A_54, %dma_start3A_55] : memref<80x128xf32, #tpu.memory_space<vmem>> -> memref<72x128xf32, #tpu.memory_space<vmem>>
      tpu.enqueue_dma source(%dma_start3A_56 : memref<72x128xf32, #tpu.memory_space<vmem>>) target(%dma_start3A_50 : memref<72x128xf32, #tpu.memory_space<hbm>>) target_semaphore(%run_scoped3A : memref<!tpu.dma_semaphore, #tpu.memory_space<semaphore_mem>>)
      %dma_wait3A_57 = arith.constant 0 : i32
      %dma_wait3A_58 = arith.constant 0 : i32
      %dma_wait3A_59 = tpu.memref_slice %arg9[%dma_wait3A_57, %dma_wait3A_58] : memref<128x128xf32, #tpu.memory_space<vmem>> -> memref<80x128xf32, #tpu.memory_space<vmem>>
      %dma_wait3A_60 = arith.constant 0 : i32
      %dma_wait3A_61 = arith.constant 0 : i32
      %dma_wait3A_62 = tpu.memref_slice %dma_wait3A_59[%dma_wait3A_60, %dma_wait3A_61] : memref<80x128xf32, #tpu.memory_space<vmem>> -> memref<72x128xf32, #tpu.memory_space<vmem>>
      %dma_wait3A_63 = arith.constant 0 : i32
      %dma_wait3A_64 = tpu.memref_slice %arg6[%arg0, %add3A_39, %dma_wait3A_63] : memref<2x10112x128xf32, #tpu.memory_space<hbm>> -> memref<1x72x128xf32, #tpu.memory_space<hbm>>
      %dma_wait3A_65 = tpu.memref_squeeze %dma_wait3A_64 : memref<1x72x128xf32, #tpu.memory_space<hbm>> -> memref<72x128xf32, #tpu.memory_space<hbm>>
      %dma_wait3A_66 = arith.constant 0 : i32
      %dma_wait3A_67 = tpu.memref_slice %arg6[%arg0, %add3A_39, %dma_wait3A_66] : memref<2x10112x128xf32, #tpu.memory_space<hbm>> -> memref<1x72x128xf32, #tpu.memory_space<hbm>>
      %dma_wait3A_68 = tpu.memref_squeeze %dma_wait3A_67 : memref<1x72x128xf32, #tpu.memory_space<hbm>> -> memref<72x128xf32, #tpu.memory_space<hbm>>
      %dma_wait3A_69 = arith.constant 0 : i32
      %dma_wait3A_70 = arith.constant 0 : i32
      %dma_wait3A_71 = tpu.memref_slice %arg9[%dma_wait3A_69, %dma_wait3A_70] : memref<128x128xf32, #tpu.memory_space<vmem>> -> memref<80x128xf32, #tpu.memory_space<vmem>>
      %dma_wait3A_72 = arith.constant 0 : i32
      %dma_wait3A_73 = arith.constant 0 : i32
      %dma_wait3A_74 = tpu.memref_slice %dma_wait3A_71[%dma_wait3A_72, %dma_wait3A_73] : memref<80x128xf32, #tpu.memory_space<vmem>> -> memref<72x128xf32, #tpu.memory_space<vmem>>
      tpu.wait_dma2 semaphore(%run_scoped3A : memref<!tpu.dma_semaphore, #tpu.memory_space<semaphore_mem>>) src(%dma_wait3A_74 : memref<72x128xf32, #tpu.memory_space<vmem>>) dst(%dma_wait3A_68 : memref<72x128xf32, #tpu.memory_space<hbm>>)
      tpu.yield
    }) : () -> ()
    return
  }
}

#map = affine_map<(d0, d1) -> (0, 0)>
#map1 = affine_map<(d0, d1) -> (0, 0, 0)>
module attributes {stable_mosaic.version = 14 : i64} {
  func.func @body(%arg0: i32, %arg1: i32, %arg2: memref<10112x128xf32, #tpu.memory_space<hbm>>, %arg3: memref<320x8x128xi32, #tpu.memory_space<hbm>>, %arg4: memref<320x8x128xi32, #tpu.memory_space<hbm>>, %arg5: memref<80x128xf32, #tpu.memory_space<hbm>>, %arg6: memref<2x10112x128xf32, #tpu.memory_space<hbm>>, %arg7: memref<8x128xi32, #tpu.memory_space<vmem>>, %arg8: memref<8x128xi32, #tpu.memory_space<vmem>>, %arg9: memref<128x128xf32, #tpu.memory_space<vmem>>, %arg10: memref<128x128xf32, #tpu.memory_space<vmem>>, %arg11: memref<10112x128xf32, #tpu.memory_space<vmem_shared>>, %arg12: memref<!tpu.dma_semaphore, #tpu.memory_space<semaphore_mem>>, %arg13: memref<!tpu.dma_semaphore, #tpu.memory_space<semaphore_mem>>, %arg14: memref<!tpu.dma_semaphore, #tpu.memory_space<semaphore_mem>>, %arg15: memref<!tpu.dma_semaphore, #tpu.memory_space<semaphore_mem>>) attributes {dimension_semantics = [#tpu.dimension_semantics<core_parallel>, #tpu.dimension_semantics<subcore_parallel>], iteration_bounds = array<i64: 2, 16>, scalar_prefetch = 0 : i64, scratch_operands = 9 : i64, tpu.core_type = #tpu.core_type<sc_vector_subcore>, window_params = [{transform_indices = #map}, {transform_indices = #map1}, {transform_indices = #map1}, {transform_indices = #map}, {transform_indices = #map1}]} {
    %mul3A = arith.constant 16 : i32
    %mul3A_0 = arith.muli %arg0, %mul3A : i32
    %add3A = arith.addi %mul3A_0, %arg1 : i32
    %mul3A_1 = arith.constant 10 : i32
    %mul3A_2 = arith.muli %add3A, %mul3A_1 : i32
    "tpu.region"() ({
      %run_scoped3A = tpu.sem_alloc : memref<!tpu.dma_semaphore, #tpu.memory_space<semaphore_mem>>
      %dma_start3A = arith.constant 0 : i32
      %dma_start3A_40 = arith.constant 0 : i32
      %dma_start3A_41 = tpu.memref_slice %arg9[%dma_start3A, %dma_start3A_40] : memref<128x128xf32, #tpu.memory_space<vmem>> -> memref<80x128xf32, #tpu.memory_space<vmem>>
      %dma_start3A_42 = arith.constant 0 : i32
      %dma_start3A_43 = arith.constant 0 : i32
      %dma_start3A_44 = tpu.memref_slice %arg9[%dma_start3A_42, %dma_start3A_43] : memref<128x128xf32, #tpu.memory_space<vmem>> -> memref<80x128xf32, #tpu.memory_space<vmem>>
      tpu.enqueue_dma source(%arg5 : memref<80x128xf32, #tpu.memory_space<hbm>>) target(%dma_start3A_44 : memref<80x128xf32, #tpu.memory_space<vmem>>) target_semaphore(%run_scoped3A : memref<!tpu.dma_semaphore, #tpu.memory_space<semaphore_mem>>)
      %dma_wait3A_45 = arith.constant 0 : i32
      %dma_wait3A_46 = arith.constant 0 : i32
      %dma_wait3A_47 = tpu.memref_slice %arg9[%dma_wait3A_45, %dma_wait3A_46] : memref<128x128xf32, #tpu.memory_space<vmem>> -> memref<80x128xf32, #tpu.memory_space<vmem>>
      %dma_wait3A_48 = arith.constant 0 : i32
      %dma_wait3A_49 = arith.constant 0 : i32
      %dma_wait3A_50 = tpu.memref_slice %arg9[%dma_wait3A_48, %dma_wait3A_49] : memref<128x128xf32, #tpu.memory_space<vmem>> -> memref<80x128xf32, #tpu.memory_space<vmem>>
      tpu.wait_dma2 semaphore(%run_scoped3A : memref<!tpu.dma_semaphore, #tpu.memory_space<semaphore_mem>>) src(%arg5 : memref<80x128xf32, #tpu.memory_space<hbm>>) dst(%dma_wait3A_50 : memref<80x128xf32, #tpu.memory_space<vmem>>)
      tpu.yield
    }) : () -> ()
    %scan3A = arith.constant 0 : i32
    %scan3A_3 = arith.constant 0 : i32
    %scan3A_4 = arith.constant 7 : i32
    %scan3A_5 = arith.addi %scan3A_3, %scan3A_4 : i32
    %scan3A_6 = arith.constant 1 : i32
    scf.for %scan3A_40 = %scan3A_3 to %scan3A_5 step %scan3A_6  : i32 {
      %mul3A_41 = arith.constant 632 : i32
      %mul3A_42 = arith.muli %arg1, %mul3A_41 : i32
      %mul3A_43 = arith.constant 80 : i32
      %mul3A_44 = arith.muli %scan3A_40, %mul3A_43 : i32
      %add3A_45 = arith.addi %mul3A_42, %mul3A_44 : i32
      "tpu.region"() ({
        %run_scoped3A = tpu.sem_alloc : memref<!tpu.dma_semaphore, #tpu.memory_space<semaphore_mem>>
        %dma_start3A = arith.constant 0 : i32
        %dma_start3A_46 = arith.constant 0 : i32
        %dma_start3A_47 = tpu.memref_slice %arg9[%dma_start3A, %dma_start3A_46] : memref<128x128xf32, #tpu.memory_space<vmem>> -> memref<80x128xf32, #tpu.memory_space<vmem>>
        %dma_start3A_48 = arith.constant 0 : i32
        %dma_start3A_49 = tpu.memref_slice %arg11[%add3A_45, %dma_start3A_48] : memref<10112x128xf32, #tpu.memory_space<vmem_shared>> -> memref<80x128xf32, #tpu.memory_space<vmem_shared>>
        %dma_start3A_50 = arith.constant 0 : i32
        %dma_start3A_51 = tpu.memref_slice %arg11[%add3A_45, %dma_start3A_50] : memref<10112x128xf32, #tpu.memory_space<vmem_shared>> -> memref<80x128xf32, #tpu.memory_space<vmem_shared>>
        %dma_start3A_52 = arith.constant 0 : i32
        %dma_start3A_53 = arith.constant 0 : i32
        %dma_start3A_54 = tpu.memref_slice %arg9[%dma_start3A_52, %dma_start3A_53] : memref<128x128xf32, #tpu.memory_space<vmem>> -> memref<80x128xf32, #tpu.memory_space<vmem>>
        tpu.enqueue_dma source(%dma_start3A_54 : memref<80x128xf32, #tpu.memory_space<vmem>>) target(%dma_start3A_51 : memref<80x128xf32, #tpu.memory_space<vmem_shared>>) target_semaphore(%run_scoped3A : memref<!tpu.dma_semaphore, #tpu.memory_space<semaphore_mem>>)
        %dma_wait3A_55 = arith.constant 0 : i32
        %dma_wait3A_56 = arith.constant 0 : i32
        %dma_wait3A_57 = tpu.memref_slice %arg9[%dma_wait3A_55, %dma_wait3A_56] : memref<128x128xf32, #tpu.memory_space<vmem>> -> memref<80x128xf32, #tpu.memory_space<vmem>>
        %dma_wait3A_58 = arith.constant 0 : i32
        %dma_wait3A_59 = tpu.memref_slice %arg11[%add3A_45, %dma_wait3A_58] : memref<10112x128xf32, #tpu.memory_space<vmem_shared>> -> memref<80x128xf32, #tpu.memory_space<vmem_shared>>
        %dma_wait3A_60 = arith.constant 0 : i32
        %dma_wait3A_61 = tpu.memref_slice %arg11[%add3A_45, %dma_wait3A_60] : memref<10112x128xf32, #tpu.memory_space<vmem_shared>> -> memref<80x128xf32, #tpu.memory_space<vmem_shared>>
        %dma_wait3A_62 = arith.constant 0 : i32
        %dma_wait3A_63 = arith.constant 0 : i32
        %dma_wait3A_64 = tpu.memref_slice %arg9[%dma_wait3A_62, %dma_wait3A_63] : memref<128x128xf32, #tpu.memory_space<vmem>> -> memref<80x128xf32, #tpu.memory_space<vmem>>
        tpu.wait_dma2 semaphore(%run_scoped3A : memref<!tpu.dma_semaphore, #tpu.memory_space<semaphore_mem>>) src(%dma_wait3A_64 : memref<80x128xf32, #tpu.memory_space<vmem>>) dst(%dma_wait3A_61 : memref<80x128xf32, #tpu.memory_space<vmem_shared>>)
        tpu.yield
      }) : () -> ()
    }
    %scan3A_7 = arith.constant 7 : i32
    %mul3A_8 = arith.constant 632 : i32
    %mul3A_9 = arith.muli %arg1, %mul3A_8 : i32
    %add3A_10 = arith.constant 560 : i32
    %add3A_11 = arith.addi %mul3A_9, %add3A_10 : i32
    "tpu.region"() ({
      %run_scoped3A = tpu.sem_alloc : memref<!tpu.dma_semaphore, #tpu.memory_space<semaphore_mem>>
      %dma_start3A = arith.constant 0 : i32
      %dma_start3A_40 = arith.constant 0 : i32
      %dma_start3A_41 = tpu.memref_slice %arg9[%dma_start3A, %dma_start3A_40] : memref<128x128xf32, #tpu.memory_space<vmem>> -> memref<80x128xf32, #tpu.memory_space<vmem>>
      %dma_start3A_42 = arith.constant 0 : i32
      %dma_start3A_43 = arith.constant 0 : i32
      %dma_start3A_44 = tpu.memref_slice %dma_start3A_41[%dma_start3A_42, %dma_start3A_43] : memref<80x128xf32, #tpu.memory_space<vmem>> -> memref<72x128xf32, #tpu.memory_space<vmem>>
      %dma_start3A_45 = arith.constant 0 : i32
      %dma_start3A_46 = tpu.memref_slice %arg11[%add3A_11, %dma_start3A_45] : memref<10112x128xf32, #tpu.memory_space<vmem_shared>> -> memref<72x128xf32, #tpu.memory_space<vmem_shared>>
      %dma_start3A_47 = arith.constant 0 : i32
      %dma_start3A_48 = tpu.memref_slice %arg11[%add3A_11, %dma_start3A_47] : memref<10112x128xf32, #tpu.memory_space<vmem_shared>> -> memref<72x128xf32, #tpu.memory_space<vmem_shared>>
      %dma_start3A_49 = arith.constant 0 : i32
      %dma_start3A_50 = arith.constant 0 : i32
      %dma_start3A_51 = tpu.memref_slice %arg9[%dma_start3A_49, %dma_start3A_50] : memref<128x128xf32, #tpu.memory_space<vmem>> -> memref<80x128xf32, #tpu.memory_space<vmem>>
      %dma_start3A_52 = arith.constant 0 : i32
      %dma_start3A_53 = arith.constant 0 : i32
      %dma_start3A_54 = tpu.memref_slice %dma_start3A_51[%dma_start3A_52, %dma_start3A_53] : memref<80x128xf32, #tpu.memory_space<vmem>> -> memref<72x128xf32, #tpu.memory_space<vmem>>
      tpu.enqueue_dma source(%dma_start3A_54 : memref<72x128xf32, #tpu.memory_space<vmem>>) target(%dma_start3A_48 : memref<72x128xf32, #tpu.memory_space<vmem_shared>>) target_semaphore(%run_scoped3A : memref<!tpu.dma_semaphore, #tpu.memory_space<semaphore_mem>>)
      %dma_wait3A_55 = arith.constant 0 : i32
      %dma_wait3A_56 = arith.constant 0 : i32
      %dma_wait3A_57 = tpu.memref_slice %arg9[%dma_wait3A_55, %dma_wait3A_56] : memref<128x128xf32, #tpu.memory_space<vmem>> -> memref<80x128xf32, #tpu.memory_space<vmem>>
      %dma_wait3A_58 = arith.constant 0 : i32
      %dma_wait3A_59 = arith.constant 0 : i32
      %dma_wait3A_60 = tpu.memref_slice %dma_wait3A_57[%dma_wait3A_58, %dma_wait3A_59] : memref<80x128xf32, #tpu.memory_space<vmem>> -> memref<72x128xf32, #tpu.memory_space<vmem>>
      %dma_wait3A_61 = arith.constant 0 : i32
      %dma_wait3A_62 = tpu.memref_slice %arg11[%add3A_11, %dma_wait3A_61] : memref<10112x128xf32, #tpu.memory_space<vmem_shared>> -> memref<72x128xf32, #tpu.memory_space<vmem_shared>>
      %dma_wait3A_63 = arith.constant 0 : i32
      %dma_wait3A_64 = tpu.memref_slice %arg11[%add3A_11, %dma_wait3A_63] : memref<10112x128xf32, #tpu.memory_space<vmem_shared>> -> memref<72x128xf32, #tpu.memory_space<vmem_shared>>
      %dma_wait3A_65 = arith.constant 0 : i32
      %dma_wait3A_66 = arith.constant 0 : i32
      %dma_wait3A_67 = tpu.memref_slice %arg9[%dma_wait3A_65, %dma_wait3A_66] : memref<128x128xf32, #tpu.memory_space<vmem>> -> memref<80x128xf32, #tpu.memory_space<vmem>>
      %dma_wait3A_68 = arith.constant 0 : i32
      %dma_wait3A_69 = arith.constant 0 : i32
      %dma_wait3A_70 = tpu.memref_slice %dma_wait3A_67[%dma_wait3A_68, %dma_wait3A_69] : memref<80x128xf32, #tpu.memory_space<vmem>> -> memref<72x128xf32, #tpu.memory_space<vmem>>
      tpu.wait_dma2 semaphore(%run_scoped3A : memref<!tpu.dma_semaphore, #tpu.memory_space<semaphore_mem>>) src(%dma_wait3A_70 : memref<72x128xf32, #tpu.memory_space<vmem>>) dst(%dma_wait3A_64 : memref<72x128xf32, #tpu.memory_space<vmem_shared>>)
      tpu.yield
    }) : () -> ()
    %barrier3A = arith.constant 0 : index
    tpu.barrier barrier_id(%barrier3A)
    %scan3A_12 = arith.constant 0 : i32
    %scan3A_13 = arith.constant 0 : i32
    %scan3A_14 = arith.constant 10 : i32
    %scan3A_15 = arith.addi %scan3A_13, %scan3A_14 : i32
    %scan3A_16 = arith.constant 1 : i32
    scf.for %scan3A_40 = %scan3A_13 to %scan3A_15 step %scan3A_16  : i32 {
      %gt3A = arith.constant 0 : i32
      %gt3A_41 = arith.cmpi sgt, %scan3A_40, %gt3A : i32
      %convert_element_type3A = arith.extui %gt3A_41 : i1 to i32
      %cond3A = arith.constant 0 : i32
      %cond3A_42 = arith.cmpi ne, %convert_element_type3A, %cond3A : i32
      scf.if %cond3A_42 {
        %dma_wait3A_51 = arith.constant 0 : i32
        %dma_wait3A_52 = arith.constant 0 : i32
        %dma_wait3A_53 = tpu.memref_slice %arg2[%dma_wait3A_51, %dma_wait3A_52] : memref<10112x128xf32, #tpu.memory_space<hbm>> -> memref<128x128xf32, #tpu.memory_space<hbm>>
        %dma_wait3A_54 = arith.constant 0 : i32
        %dma_wait3A_55 = arith.constant 0 : i32
        %dma_wait3A_56 = tpu.memref_slice %arg2[%dma_wait3A_54, %dma_wait3A_55] : memref<10112x128xf32, #tpu.memory_space<hbm>> -> memref<128x128xf32, #tpu.memory_space<hbm>>
        tpu.wait_dma2 semaphore(%arg14 : memref<!tpu.dma_semaphore, #tpu.memory_space<semaphore_mem>>) src(%dma_wait3A_56 : memref<128x128xf32, #tpu.memory_space<hbm>>) dst(%arg9 : memref<128x128xf32, #tpu.memory_space<vmem>>)
        %dma_wait3A_57 = arith.constant 0 : i32
        %dma_wait3A_58 = arith.constant 0 : i32
        %dma_wait3A_59 = tpu.memref_slice %arg2[%dma_wait3A_57, %dma_wait3A_58] : memref<10112x128xf32, #tpu.memory_space<hbm>> -> memref<128x128xf32, #tpu.memory_space<hbm>>
        %dma_wait3A_60 = arith.constant 0 : i32
        %dma_wait3A_61 = arith.constant 0 : i32
        %dma_wait3A_62 = tpu.memref_slice %arg2[%dma_wait3A_60, %dma_wait3A_61] : memref<10112x128xf32, #tpu.memory_space<hbm>> -> memref<128x128xf32, #tpu.memory_space<hbm>>
        tpu.wait_dma2 semaphore(%arg15 : memref<!tpu.dma_semaphore, #tpu.memory_space<semaphore_mem>>) src(%dma_wait3A_62 : memref<128x128xf32, #tpu.memory_space<hbm>>) dst(%arg10 : memref<128x128xf32, #tpu.memory_space<vmem>>)
      } else {
      }
      %add3A_43 = arith.addi %mul3A_2, %scan3A_40 : i32
      "tpu.region"() ({
        %run_scoped3A = tpu.sem_alloc : memref<!tpu.dma_semaphore, #tpu.memory_space<semaphore_mem>>
        %dma_start3A = arith.constant 0 : i32
        %dma_start3A_51 = arith.constant 0 : i32
        %dma_start3A_52 = tpu.memref_slice %arg3[%add3A_43, %dma_start3A, %dma_start3A_51] : memref<320x8x128xi32, #tpu.memory_space<hbm>> -> memref<1x8x128xi32, #tpu.memory_space<hbm>>
        %dma_start3A_53 = tpu.memref_squeeze %dma_start3A_52 : memref<1x8x128xi32, #tpu.memory_space<hbm>> -> memref<8x128xi32, #tpu.memory_space<hbm>>
        %dma_start3A_54 = arith.constant 0 : i32
        %dma_start3A_55 = arith.constant 0 : i32
        %dma_start3A_56 = tpu.memref_slice %arg3[%add3A_43, %dma_start3A_54, %dma_start3A_55] : memref<320x8x128xi32, #tpu.memory_space<hbm>> -> memref<1x8x128xi32, #tpu.memory_space<hbm>>
        %dma_start3A_57 = tpu.memref_squeeze %dma_start3A_56 : memref<1x8x128xi32, #tpu.memory_space<hbm>> -> memref<8x128xi32, #tpu.memory_space<hbm>>
        tpu.enqueue_dma source(%dma_start3A_57 : memref<8x128xi32, #tpu.memory_space<hbm>>) target(%arg7 : memref<8x128xi32, #tpu.memory_space<vmem>>) target_semaphore(%run_scoped3A : memref<!tpu.dma_semaphore, #tpu.memory_space<semaphore_mem>>)
        %dma_wait3A_58 = arith.constant 0 : i32
        %dma_wait3A_59 = arith.constant 0 : i32
        %dma_wait3A_60 = tpu.memref_slice %arg3[%add3A_43, %dma_wait3A_58, %dma_wait3A_59] : memref<320x8x128xi32, #tpu.memory_space<hbm>> -> memref<1x8x128xi32, #tpu.memory_space<hbm>>
        %dma_wait3A_61 = tpu.memref_squeeze %dma_wait3A_60 : memref<1x8x128xi32, #tpu.memory_space<hbm>> -> memref<8x128xi32, #tpu.memory_space<hbm>>
        %dma_wait3A_62 = arith.constant 0 : i32
        %dma_wait3A_63 = arith.constant 0 : i32
        %dma_wait3A_64 = tpu.memref_slice %arg3[%add3A_43, %dma_wait3A_62, %dma_wait3A_63] : memref<320x8x128xi32, #tpu.memory_space<hbm>> -> memref<1x8x128xi32, #tpu.memory_space<hbm>>
        %dma_wait3A_65 = tpu.memref_squeeze %dma_wait3A_64 : memref<1x8x128xi32, #tpu.memory_space<hbm>> -> memref<8x128xi32, #tpu.memory_space<hbm>>
        tpu.wait_dma2 semaphore(%run_scoped3A : memref<!tpu.dma_semaphore, #tpu.memory_space<semaphore_mem>>) src(%dma_wait3A_65 : memref<8x128xi32, #tpu.memory_space<hbm>>) dst(%arg7 : memref<8x128xi32, #tpu.memory_space<vmem>>)
        tpu.yield
      }) : () -> ()
      %add3A_44 = arith.addi %mul3A_2, %scan3A_40 : i32
      "tpu.region"() ({
        %run_scoped3A = tpu.sem_alloc : memref<!tpu.dma_semaphore, #tpu.memory_space<semaphore_mem>>
        %dma_start3A = arith.constant 0 : i32
        %dma_start3A_51 = arith.constant 0 : i32
        %dma_start3A_52 = tpu.memref_slice %arg4[%add3A_44, %dma_start3A, %dma_start3A_51] : memref<320x8x128xi32, #tpu.memory_space<hbm>> -> memref<1x8x128xi32, #tpu.memory_space<hbm>>
        %dma_start3A_53 = tpu.memref_squeeze %dma_start3A_52 : memref<1x8x128xi32, #tpu.memory_space<hbm>> -> memref<8x128xi32, #tpu.memory_space<hbm>>
        %dma_start3A_54 = arith.constant 0 : i32
        %dma_start3A_55 = arith.constant 0 : i32
        %dma_start3A_56 = tpu.memref_slice %arg4[%add3A_44, %dma_start3A_54, %dma_start3A_55] : memref<320x8x128xi32, #tpu.memory_space<hbm>> -> memref<1x8x128xi32, #tpu.memory_space<hbm>>
        %dma_start3A_57 = tpu.memref_squeeze %dma_start3A_56 : memref<1x8x128xi32, #tpu.memory_space<hbm>> -> memref<8x128xi32, #tpu.memory_space<hbm>>
        tpu.enqueue_dma source(%dma_start3A_57 : memref<8x128xi32, #tpu.memory_space<hbm>>) target(%arg8 : memref<8x128xi32, #tpu.memory_space<vmem>>) target_semaphore(%run_scoped3A : memref<!tpu.dma_semaphore, #tpu.memory_space<semaphore_mem>>)
        %dma_wait3A_58 = arith.constant 0 : i32
        %dma_wait3A_59 = arith.constant 0 : i32
        %dma_wait3A_60 = tpu.memref_slice %arg4[%add3A_44, %dma_wait3A_58, %dma_wait3A_59] : memref<320x8x128xi32, #tpu.memory_space<hbm>> -> memref<1x8x128xi32, #tpu.memory_space<hbm>>
        %dma_wait3A_61 = tpu.memref_squeeze %dma_wait3A_60 : memref<1x8x128xi32, #tpu.memory_space<hbm>> -> memref<8x128xi32, #tpu.memory_space<hbm>>
        %dma_wait3A_62 = arith.constant 0 : i32
        %dma_wait3A_63 = arith.constant 0 : i32
        %dma_wait3A_64 = tpu.memref_slice %arg4[%add3A_44, %dma_wait3A_62, %dma_wait3A_63] : memref<320x8x128xi32, #tpu.memory_space<hbm>> -> memref<1x8x128xi32, #tpu.memory_space<hbm>>
        %dma_wait3A_65 = tpu.memref_squeeze %dma_wait3A_64 : memref<1x8x128xi32, #tpu.memory_space<hbm>> -> memref<8x128xi32, #tpu.memory_space<hbm>>
        tpu.wait_dma2 semaphore(%run_scoped3A : memref<!tpu.dma_semaphore, #tpu.memory_space<semaphore_mem>>) src(%dma_wait3A_65 : memref<8x128xi32, #tpu.memory_space<hbm>>) dst(%arg8 : memref<8x128xi32, #tpu.memory_space<vmem>>)
        tpu.yield
      }) : () -> ()
      %scan3A_45 = arith.constant 0 : i32
      %scan3A_46 = arith.constant 0 : i32
      %scan3A_47 = arith.constant 4 : i32
      %scan3A_48 = arith.addi %scan3A_46, %scan3A_47 : i32
      %scan3A_49 = arith.constant 1 : i32
      scf.for %scan3A_51 = %scan3A_46 to %scan3A_48 step %scan3A_49  : i32 {
        %gt3A_52 = arith.constant 0 : i32
        %gt3A_53 = arith.cmpi sgt, %scan3A_51, %gt3A_52 : i32
        %convert_element_type3A_54 = arith.extui %gt3A_53 : i1 to i32
        %cond3A_55 = arith.constant 0 : i32
        %cond3A_56 = arith.cmpi ne, %convert_element_type3A_54, %cond3A_55 : i32
        scf.if %cond3A_56 {
          %dma_wait3A_109 = arith.constant 0 : i32
          %dma_wait3A_110 = arith.constant 0 : i32
          %dma_wait3A_111 = tpu.memref_slice %arg2[%dma_wait3A_109, %dma_wait3A_110] : memref<10112x128xf32, #tpu.memory_space<hbm>> -> memref<128x128xf32, #tpu.memory_space<hbm>>
          %dma_wait3A_112 = arith.constant 0 : i32
          %dma_wait3A_113 = arith.constant 0 : i32
          %dma_wait3A_114 = tpu.memref_slice %arg2[%dma_wait3A_112, %dma_wait3A_113] : memref<10112x128xf32, #tpu.memory_space<hbm>> -> memref<128x128xf32, #tpu.memory_space<hbm>>
          tpu.wait_dma2 semaphore(%arg14 : memref<!tpu.dma_semaphore, #tpu.memory_space<semaphore_mem>>) src(%dma_wait3A_114 : memref<128x128xf32, #tpu.memory_space<hbm>>) dst(%arg9 : memref<128x128xf32, #tpu.memory_space<vmem>>)
        } else {
        }
        %mul3A_57 = arith.constant 2 : i32
        %mul3A_58 = arith.muli %mul3A_57, %scan3A_51 : i32
        %dma_start3A = arith.constant 0 : i32
        %dma_start3A_59 = tpu.memref_slice %arg7[%mul3A_58, %dma_start3A] : memref<8x128xi32, #tpu.memory_space<vmem>> -> memref<1x128xi32, #tpu.memory_space<vmem>>
        %dma_start3A_60 = tpu.memref_squeeze %dma_start3A_59 : memref<1x128xi32, #tpu.memory_space<vmem>> -> memref<128xi32, #tpu.memory_space<vmem>>
        %dma_start3A_61 = arith.constant 0 : i32
        %dma_start3A_62 = arith.constant 0 : i32
        %dma_start3A_63 = tpu.memref_slice %arg2[%dma_start3A_61, %dma_start3A_62] : memref<10112x128xf32, #tpu.memory_space<hbm>> -> memref<10112x128xf32, #tpu.memory_space<hbm>>
        tpu.enqueue_indirect_dma source(%dma_start3A_63 : memref<10112x128xf32, #tpu.memory_space<hbm>>) target(%arg9 : memref<128x128xf32, #tpu.memory_space<vmem>>) offsets(%dma_start3A_60 : memref<128xi32, #tpu.memory_space<vmem>>) semaphore(%arg12 : memref<!tpu.dma_semaphore, #tpu.memory_space<semaphore_mem>>)
        %dma_wait3A_64 = arith.constant 0 : i32
        %dma_wait3A_65 = tpu.memref_slice %arg7[%mul3A_58, %dma_wait3A_64] : memref<8x128xi32, #tpu.memory_space<vmem>> -> memref<1x128xi32, #tpu.memory_space<vmem>>
        %dma_wait3A_66 = tpu.memref_squeeze %dma_wait3A_65 : memref<1x128xi32, #tpu.memory_space<vmem>> -> memref<128xi32, #tpu.memory_space<vmem>>
        %dma_wait3A_67 = arith.constant 0 : i32
        %dma_wait3A_68 = arith.constant 0 : i32
        %dma_wait3A_69 = tpu.memref_slice %arg2[%dma_wait3A_67, %dma_wait3A_68] : memref<10112x128xf32, #tpu.memory_space<hbm>> -> memref<10112x128xf32, #tpu.memory_space<hbm>>
        tpu.wait_indirect_dma semaphore(%arg12 : memref<!tpu.dma_semaphore, #tpu.memory_space<semaphore_mem>>) src(%dma_wait3A_69 : memref<10112x128xf32, #tpu.memory_space<hbm>>) dst(%arg9 : memref<128x128xf32, #tpu.memory_space<vmem>>)
        %mul3A_70 = arith.constant 2 : i32
        %mul3A_71 = arith.muli %mul3A_70, %scan3A_51 : i32
        %dma_start3A_72 = arith.constant 0 : i32
        %dma_start3A_73 = tpu.memref_slice %arg8[%mul3A_71, %dma_start3A_72] : memref<8x128xi32, #tpu.memory_space<vmem>> -> memref<1x128xi32, #tpu.memory_space<vmem>>
        %dma_start3A_74 = tpu.memref_squeeze %dma_start3A_73 : memref<1x128xi32, #tpu.memory_space<vmem>> -> memref<128xi32, #tpu.memory_space<vmem>>
        %dma_start3A_75 = arith.constant 0 : i32
        %dma_start3A_76 = arith.constant 0 : i32
        %dma_start3A_77 = tpu.memref_slice %arg11[%dma_start3A_75, %dma_start3A_76] : memref<10112x128xf32, #tpu.memory_space<vmem_shared>> -> memref<10112x128xf32, #tpu.memory_space<vmem_shared>>
        tpu.enqueue_indirect_dma source(%arg9 : memref<128x128xf32, #tpu.memory_space<vmem>>) target(%dma_start3A_77 : memref<10112x128xf32, #tpu.memory_space<vmem_shared>>) offsets(%dma_start3A_74 : memref<128xi32, #tpu.memory_space<vmem>>) semaphore(%arg14 : memref<!tpu.dma_semaphore, #tpu.memory_space<semaphore_mem>>) {add = true}
        %gt3A_78 = arith.constant 0 : i32
        %gt3A_79 = arith.cmpi sgt, %scan3A_51, %gt3A_78 : i32
        %convert_element_type3A_80 = arith.extui %gt3A_79 : i1 to i32
        %cond3A_81 = arith.constant 0 : i32
        %cond3A_82 = arith.cmpi ne, %convert_element_type3A_80, %cond3A_81 : i32
        scf.if %cond3A_82 {
          %dma_wait3A_109 = arith.constant 0 : i32
          %dma_wait3A_110 = arith.constant 0 : i32
          %dma_wait3A_111 = tpu.memref_slice %arg2[%dma_wait3A_109, %dma_wait3A_110] : memref<10112x128xf32, #tpu.memory_space<hbm>> -> memref<128x128xf32, #tpu.memory_space<hbm>>
          %dma_wait3A_112 = arith.constant 0 : i32
          %dma_wait3A_113 = arith.constant 0 : i32
          %dma_wait3A_114 = tpu.memref_slice %arg2[%dma_wait3A_112, %dma_wait3A_113] : memref<10112x128xf32, #tpu.memory_space<hbm>> -> memref<128x128xf32, #tpu.memory_space<hbm>>
          tpu.wait_dma2 semaphore(%arg15 : memref<!tpu.dma_semaphore, #tpu.memory_space<semaphore_mem>>) src(%dma_wait3A_114 : memref<128x128xf32, #tpu.memory_space<hbm>>) dst(%arg10 : memref<128x128xf32, #tpu.memory_space<vmem>>)
        } else {
        }
        %mul3A_83 = arith.constant 2 : i32
        %mul3A_84 = arith.muli %mul3A_83, %scan3A_51 : i32
        %add3A_85 = arith.constant 1 : i32
        %add3A_86 = arith.addi %mul3A_84, %add3A_85 : i32
        %dma_start3A_87 = arith.constant 0 : i32
        %dma_start3A_88 = tpu.memref_slice %arg7[%add3A_86, %dma_start3A_87] : memref<8x128xi32, #tpu.memory_space<vmem>> -> memref<1x128xi32, #tpu.memory_space<vmem>>
        %dma_start3A_89 = tpu.memref_squeeze %dma_start3A_88 : memref<1x128xi32, #tpu.memory_space<vmem>> -> memref<128xi32, #tpu.memory_space<vmem>>
        %dma_start3A_90 = arith.constant 0 : i32
        %dma_start3A_91 = arith.constant 0 : i32
        %dma_start3A_92 = tpu.memref_slice %arg2[%dma_start3A_90, %dma_start3A_91] : memref<10112x128xf32, #tpu.memory_space<hbm>> -> memref<10112x128xf32, #tpu.memory_space<hbm>>
        tpu.enqueue_indirect_dma source(%dma_start3A_92 : memref<10112x128xf32, #tpu.memory_space<hbm>>) target(%arg10 : memref<128x128xf32, #tpu.memory_space<vmem>>) offsets(%dma_start3A_89 : memref<128xi32, #tpu.memory_space<vmem>>) semaphore(%arg13 : memref<!tpu.dma_semaphore, #tpu.memory_space<semaphore_mem>>)
        %dma_wait3A_93 = arith.constant 0 : i32
        %dma_wait3A_94 = tpu.memref_slice %arg7[%add3A_86, %dma_wait3A_93] : memref<8x128xi32, #tpu.memory_space<vmem>> -> memref<1x128xi32, #tpu.memory_space<vmem>>
        %dma_wait3A_95 = tpu.memref_squeeze %dma_wait3A_94 : memref<1x128xi32, #tpu.memory_space<vmem>> -> memref<128xi32, #tpu.memory_space<vmem>>
        %dma_wait3A_96 = arith.constant 0 : i32
        %dma_wait3A_97 = arith.constant 0 : i32
        %dma_wait3A_98 = tpu.memref_slice %arg2[%dma_wait3A_96, %dma_wait3A_97] : memref<10112x128xf32, #tpu.memory_space<hbm>> -> memref<10112x128xf32, #tpu.memory_space<hbm>>
        tpu.wait_indirect_dma semaphore(%arg13 : memref<!tpu.dma_semaphore, #tpu.memory_space<semaphore_mem>>) src(%dma_wait3A_98 : memref<10112x128xf32, #tpu.memory_space<hbm>>) dst(%arg10 : memref<128x128xf32, #tpu.memory_space<vmem>>)
        %mul3A_99 = arith.constant 2 : i32
        %mul3A_100 = arith.muli %mul3A_99, %scan3A_51 : i32
        %add3A_101 = arith.constant 1 : i32
        %add3A_102 = arith.addi %mul3A_100, %add3A_101 : i32
        %dma_start3A_103 = arith.constant 0 : i32
        %dma_start3A_104 = tpu.memref_slice %arg8[%add3A_102, %dma_start3A_103] : memref<8x128xi32, #tpu.memory_space<vmem>> -> memref<1x128xi32, #tpu.memory_space<vmem>>
        %dma_start3A_105 = tpu.memref_squeeze %dma_start3A_104 : memref<1x128xi32, #tpu.memory_space<vmem>> -> memref<128xi32, #tpu.memory_space<vmem>>
        %dma_start3A_106 = arith.constant 0 : i32
        %dma_start3A_107 = arith.constant 0 : i32
        %dma_start3A_108 = tpu.memref_slice %arg11[%dma_start3A_106, %dma_start3A_107] : memref<10112x128xf32, #tpu.memory_space<vmem_shared>> -> memref<10112x128xf32, #tpu.memory_space<vmem_shared>>
        tpu.enqueue_indirect_dma source(%arg10 : memref<128x128xf32, #tpu.memory_space<vmem>>) target(%dma_start3A_108 : memref<10112x128xf32, #tpu.memory_space<vmem_shared>>) offsets(%dma_start3A_105 : memref<128xi32, #tpu.memory_space<vmem>>) semaphore(%arg15 : memref<!tpu.dma_semaphore, #tpu.memory_space<semaphore_mem>>) {add = true}
      }
      %scan3A_50 = arith.constant 4 : i32
    }
    %scan3A_17 = arith.constant 10 : i32
    %dma_wait3A = arith.constant 0 : i32
    %dma_wait3A_18 = arith.constant 0 : i32
    %dma_wait3A_19 = tpu.memref_slice %arg2[%dma_wait3A, %dma_wait3A_18] : memref<10112x128xf32, #tpu.memory_space<hbm>> -> memref<128x128xf32, #tpu.memory_space<hbm>>
    %dma_wait3A_20 = arith.constant 0 : i32
    %dma_wait3A_21 = arith.constant 0 : i32
    %dma_wait3A_22 = tpu.memref_slice %arg2[%dma_wait3A_20, %dma_wait3A_21] : memref<10112x128xf32, #tpu.memory_space<hbm>> -> memref<128x128xf32, #tpu.memory_space<hbm>>
    tpu.wait_dma2 semaphore(%arg14 : memref<!tpu.dma_semaphore, #tpu.memory_space<semaphore_mem>>) src(%dma_wait3A_22 : memref<128x128xf32, #tpu.memory_space<hbm>>) dst(%arg9 : memref<128x128xf32, #tpu.memory_space<vmem>>)
    %dma_wait3A_23 = arith.constant 0 : i32
    %dma_wait3A_24 = arith.constant 0 : i32
    %dma_wait3A_25 = tpu.memref_slice %arg2[%dma_wait3A_23, %dma_wait3A_24] : memref<10112x128xf32, #tpu.memory_space<hbm>> -> memref<128x128xf32, #tpu.memory_space<hbm>>
    %dma_wait3A_26 = arith.constant 0 : i32
    %dma_wait3A_27 = arith.constant 0 : i32
    %dma_wait3A_28 = tpu.memref_slice %arg2[%dma_wait3A_26, %dma_wait3A_27] : memref<10112x128xf32, #tpu.memory_space<hbm>> -> memref<128x128xf32, #tpu.memory_space<hbm>>
    tpu.wait_dma2 semaphore(%arg15 : memref<!tpu.dma_semaphore, #tpu.memory_space<semaphore_mem>>) src(%dma_wait3A_28 : memref<128x128xf32, #tpu.memory_space<hbm>>) dst(%arg10 : memref<128x128xf32, #tpu.memory_space<vmem>>)
    %barrier3A_29 = arith.constant 0 : index
    tpu.barrier barrier_id(%barrier3A_29)
    %scan3A_30 = arith.constant 0 : i32
    %scan3A_31 = arith.constant 0 : i32
    %scan3A_32 = arith.constant 7 : i32
    %scan3A_33 = arith.addi %scan3A_31, %scan3A_32 : i32
    %scan3A_34 = arith.constant 1 : i32
    scf.for %scan3A_40 = %scan3A_31 to %scan3A_33 step %scan3A_34  : i32 {
      %mul3A_41 = arith.constant 632 : i32
      %mul3A_42 = arith.muli %arg1, %mul3A_41 : i32
      %mul3A_43 = arith.constant 80 : i32
      %mul3A_44 = arith.muli %scan3A_40, %mul3A_43 : i32
      %add3A_45 = arith.addi %mul3A_42, %mul3A_44 : i32
      "tpu.region"() ({
        %run_scoped3A = tpu.sem_alloc : memref<!tpu.dma_semaphore, #tpu.memory_space<semaphore_mem>>
        %dma_start3A = arith.constant 0 : i32
        %dma_start3A_46 = arith.constant 0 : i32
        %dma_start3A_47 = tpu.memref_slice %arg9[%dma_start3A, %dma_start3A_46] : memref<128x128xf32, #tpu.memory_space<vmem>> -> memref<80x128xf32, #tpu.memory_space<vmem>>
        %dma_start3A_48 = arith.constant 0 : i32
        %dma_start3A_49 = tpu.memref_slice %arg11[%add3A_45, %dma_start3A_48] : memref<10112x128xf32, #tpu.memory_space<vmem_shared>> -> memref<80x128xf32, #tpu.memory_space<vmem_shared>>
        %dma_start3A_50 = arith.constant 0 : i32
        %dma_start3A_51 = arith.constant 0 : i32
        %dma_start3A_52 = tpu.memref_slice %arg9[%dma_start3A_50, %dma_start3A_51] : memref<128x128xf32, #tpu.memory_space<vmem>> -> memref<80x128xf32, #tpu.memory_space<vmem>>
        %dma_start3A_53 = arith.constant 0 : i32
        %dma_start3A_54 = tpu.memref_slice %arg11[%add3A_45, %dma_start3A_53] : memref<10112x128xf32, #tpu.memory_space<vmem_shared>> -> memref<80x128xf32, #tpu.memory_space<vmem_shared>>
        tpu.enqueue_dma source(%dma_start3A_54 : memref<80x128xf32, #tpu.memory_space<vmem_shared>>) target(%dma_start3A_52 : memref<80x128xf32, #tpu.memory_space<vmem>>) target_semaphore(%run_scoped3A : memref<!tpu.dma_semaphore, #tpu.memory_space<semaphore_mem>>)
        %dma_wait3A_55 = arith.constant 0 : i32
        %dma_wait3A_56 = arith.constant 0 : i32
        %dma_wait3A_57 = tpu.memref_slice %arg9[%dma_wait3A_55, %dma_wait3A_56] : memref<128x128xf32, #tpu.memory_space<vmem>> -> memref<80x128xf32, #tpu.memory_space<vmem>>
        %dma_wait3A_58 = arith.constant 0 : i32
        %dma_wait3A_59 = tpu.memref_slice %arg11[%add3A_45, %dma_wait3A_58] : memref<10112x128xf32, #tpu.memory_space<vmem_shared>> -> memref<80x128xf32, #tpu.memory_space<vmem_shared>>
        %dma_wait3A_60 = arith.constant 0 : i32
        %dma_wait3A_61 = arith.constant 0 : i32
        %dma_wait3A_62 = tpu.memref_slice %arg9[%dma_wait3A_60, %dma_wait3A_61] : memref<128x128xf32, #tpu.memory_space<vmem>> -> memref<80x128xf32, #tpu.memory_space<vmem>>
        %dma_wait3A_63 = arith.constant 0 : i32
        %dma_wait3A_64 = tpu.memref_slice %arg11[%add3A_45, %dma_wait3A_63] : memref<10112x128xf32, #tpu.memory_space<vmem_shared>> -> memref<80x128xf32, #tpu.memory_space<vmem_shared>>
        tpu.wait_dma2 semaphore(%run_scoped3A : memref<!tpu.dma_semaphore, #tpu.memory_space<semaphore_mem>>) src(%dma_wait3A_64 : memref<80x128xf32, #tpu.memory_space<vmem_shared>>) dst(%dma_wait3A_62 : memref<80x128xf32, #tpu.memory_space<vmem>>)
        tpu.yield
      }) : () -> ()
      "tpu.region"() ({
        %run_scoped3A = tpu.sem_alloc : memref<!tpu.dma_semaphore, #tpu.memory_space<semaphore_mem>>
        %dma_start3A = arith.constant 0 : i32
        %dma_start3A_46 = arith.constant 0 : i32
        %dma_start3A_47 = tpu.memref_slice %arg9[%dma_start3A, %dma_start3A_46] : memref<128x128xf32, #tpu.memory_space<vmem>> -> memref<80x128xf32, #tpu.memory_space<vmem>>
        %dma_start3A_48 = arith.constant 0 : i32
        %dma_start3A_49 = tpu.memref_slice %arg6[%arg0, %add3A_45, %dma_start3A_48] : memref<2x10112x128xf32, #tpu.memory_space<hbm>> -> memref<1x80x128xf32, #tpu.memory_space<hbm>>
        %dma_start3A_50 = tpu.memref_squeeze %dma_start3A_49 : memref<1x80x128xf32, #tpu.memory_space<hbm>> -> memref<80x128xf32, #tpu.memory_space<hbm>>
        %dma_start3A_51 = arith.constant 0 : i32
        %dma_start3A_52 = tpu.memref_slice %arg6[%arg0, %add3A_45, %dma_start3A_51] : memref<2x10112x128xf32, #tpu.memory_space<hbm>> -> memref<1x80x128xf32, #tpu.memory_space<hbm>>
        %dma_start3A_53 = tpu.memref_squeeze %dma_start3A_52 : memref<1x80x128xf32, #tpu.memory_space<hbm>> -> memref<80x128xf32, #tpu.memory_space<hbm>>
        %dma_start3A_54 = arith.constant 0 : i32
        %dma_start3A_55 = arith.constant 0 : i32
        %dma_start3A_56 = tpu.memref_slice %arg9[%dma_start3A_54, %dma_start3A_55] : memref<128x128xf32, #tpu.memory_space<vmem>> -> memref<80x128xf32, #tpu.memory_space<vmem>>
        tpu.enqueue_dma source(%dma_start3A_56 : memref<80x128xf32, #tpu.memory_space<vmem>>) target(%dma_start3A_53 : memref<80x128xf32, #tpu.memory_space<hbm>>) target_semaphore(%run_scoped3A : memref<!tpu.dma_semaphore, #tpu.memory_space<semaphore_mem>>)
        %dma_wait3A_57 = arith.constant 0 : i32
        %dma_wait3A_58 = arith.constant 0 : i32
        %dma_wait3A_59 = tpu.memref_slice %arg9[%dma_wait3A_57, %dma_wait3A_58] : memref<128x128xf32, #tpu.memory_space<vmem>> -> memref<80x128xf32, #tpu.memory_space<vmem>>
        %dma_wait3A_60 = arith.constant 0 : i32
        %dma_wait3A_61 = tpu.memref_slice %arg6[%arg0, %add3A_45, %dma_wait3A_60] : memref<2x10112x128xf32, #tpu.memory_space<hbm>> -> memref<1x80x128xf32, #tpu.memory_space<hbm>>
        %dma_wait3A_62 = tpu.memref_squeeze %dma_wait3A_61 : memref<1x80x128xf32, #tpu.memory_space<hbm>> -> memref<80x128xf32, #tpu.memory_space<hbm>>
        %dma_wait3A_63 = arith.constant 0 : i32
        %dma_wait3A_64 = tpu.memref_slice %arg6[%arg0, %add3A_45, %dma_wait3A_63] : memref<2x10112x128xf32, #tpu.memory_space<hbm>> -> memref<1x80x128xf32, #tpu.memory_space<hbm>>
        %dma_wait3A_65 = tpu.memref_squeeze %dma_wait3A_64 : memref<1x80x128xf32, #tpu.memory_space<hbm>> -> memref<80x128xf32, #tpu.memory_space<hbm>>
        %dma_wait3A_66 = arith.constant 0 : i32
        %dma_wait3A_67 = arith.constant 0 : i32
        %dma_wait3A_68 = tpu.memref_slice %arg9[%dma_wait3A_66, %dma_wait3A_67] : memref<128x128xf32, #tpu.memory_space<vmem>> -> memref<80x128xf32, #tpu.memory_space<vmem>>
        tpu.wait_dma2 semaphore(%run_scoped3A : memref<!tpu.dma_semaphore, #tpu.memory_space<semaphore_mem>>) src(%dma_wait3A_68 : memref<80x128xf32, #tpu.memory_space<vmem>>) dst(%dma_wait3A_65 : memref<80x128xf32, #tpu.memory_space<hbm>>)
        tpu.yield
      }) : () -> ()
    }
    %scan3A_35 = arith.constant 7 : i32
    %mul3A_36 = arith.constant 632 : i32
    %mul3A_37 = arith.muli %arg1, %mul3A_36 : i32
    %add3A_38 = arith.constant 560 : i32
    %add3A_39 = arith.addi %mul3A_37, %add3A_38 : i32
    "tpu.region"() ({
      %run_scoped3A = tpu.sem_alloc : memref<!tpu.dma_semaphore, #tpu.memory_space<semaphore_mem>>
      %dma_start3A = arith.constant 0 : i32
      %dma_start3A_40 = arith.constant 0 : i32
      %dma_start3A_41 = tpu.memref_slice %arg9[%dma_start3A, %dma_start3A_40] : memref<128x128xf32, #tpu.memory_space<vmem>> -> memref<80x128xf32, #tpu.memory_space<vmem>>
      %dma_start3A_42 = arith.constant 0 : i32
      %dma_start3A_43 = arith.constant 0 : i32
      %dma_start3A_44 = tpu.memref_slice %dma_start3A_41[%dma_start3A_42, %dma_start3A_43] : memref<80x128xf32, #tpu.memory_space<vmem>> -> memref<72x128xf32, #tpu.memory_space<vmem>>
      %dma_start3A_45 = arith.constant 0 : i32
      %dma_start3A_46 = tpu.memref_slice %arg11[%add3A_39, %dma_start3A_45] : memref<10112x128xf32, #tpu.memory_space<vmem_shared>> -> memref<72x128xf32, #tpu.memory_space<vmem_shared>>
      %dma_start3A_47 = arith.constant 0 : i32
      %dma_start3A_48 = arith.constant 0 : i32
      %dma_start3A_49 = tpu.memref_slice %arg9[%dma_start3A_47, %dma_start3A_48] : memref<128x128xf32, #tpu.memory_space<vmem>> -> memref<80x128xf32, #tpu.memory_space<vmem>>
      %dma_start3A_50 = arith.constant 0 : i32
      %dma_start3A_51 = arith.constant 0 : i32
      %dma_start3A_52 = tpu.memref_slice %dma_start3A_49[%dma_start3A_50, %dma_start3A_51] : memref<80x128xf32, #tpu.memory_space<vmem>> -> memref<72x128xf32, #tpu.memory_space<vmem>>
      %dma_start3A_53 = arith.constant 0 : i32
      %dma_start3A_54 = tpu.memref_slice %arg11[%add3A_39, %dma_start3A_53] : memref<10112x128xf32, #tpu.memory_space<vmem_shared>> -> memref<72x128xf32, #tpu.memory_space<vmem_shared>>
      tpu.enqueue_dma source(%dma_start3A_54 : memref<72x128xf32, #tpu.memory_space<vmem_shared>>) target(%dma_start3A_52 : memref<72x128xf32, #tpu.memory_space<vmem>>) target_semaphore(%run_scoped3A : memref<!tpu.dma_semaphore, #tpu.memory_space<semaphore_mem>>)
      %dma_wait3A_55 = arith.constant 0 : i32
      %dma_wait3A_56 = arith.constant 0 : i32
      %dma_wait3A_57 = tpu.memref_slice %arg9[%dma_wait3A_55, %dma_wait3A_56] : memref<128x128xf32, #tpu.memory_space<vmem>> -> memref<80x128xf32, #tpu.memory_space<vmem>>
      %dma_wait3A_58 = arith.constant 0 : i32
      %dma_wait3A_59 = arith.constant 0 : i32
      %dma_wait3A_60 = tpu.memref_slice %dma_wait3A_57[%dma_wait3A_58, %dma_wait3A_59] : memref<80x128xf32, #tpu.memory_space<vmem>> -> memref<72x128xf32, #tpu.memory_space<vmem>>
      %dma_wait3A_61 = arith.constant 0 : i32
      %dma_wait3A_62 = tpu.memref_slice %arg11[%add3A_39, %dma_wait3A_61] : memref<10112x128xf32, #tpu.memory_space<vmem_shared>> -> memref<72x128xf32, #tpu.memory_space<vmem_shared>>
      %dma_wait3A_63 = arith.constant 0 : i32
      %dma_wait3A_64 = arith.constant 0 : i32
      %dma_wait3A_65 = tpu.memref_slice %arg9[%dma_wait3A_63, %dma_wait3A_64] : memref<128x128xf32, #tpu.memory_space<vmem>> -> memref<80x128xf32, #tpu.memory_space<vmem>>
      %dma_wait3A_66 = arith.constant 0 : i32
      %dma_wait3A_67 = arith.constant 0 : i32
      %dma_wait3A_68 = tpu.memref_slice %dma_wait3A_65[%dma_wait3A_66, %dma_wait3A_67] : memref<80x128xf32, #tpu.memory_space<vmem>> -> memref<72x128xf32, #tpu.memory_space<vmem>>
      %dma_wait3A_69 = arith.constant 0 : i32
      %dma_wait3A_70 = tpu.memref_slice %arg11[%add3A_39, %dma_wait3A_69] : memref<10112x128xf32, #tpu.memory_space<vmem_shared>> -> memref<72x128xf32, #tpu.memory_space<vmem_shared>>
      tpu.wait_dma2 semaphore(%run_scoped3A : memref<!tpu.dma_semaphore, #tpu.memory_space<semaphore_mem>>) src(%dma_wait3A_70 : memref<72x128xf32, #tpu.memory_space<vmem_shared>>) dst(%dma_wait3A_68 : memref<72x128xf32, #tpu.memory_space<vmem>>)
      tpu.yield
    }) : () -> ()
    "tpu.region"() ({
      %run_scoped3A = tpu.sem_alloc : memref<!tpu.dma_semaphore, #tpu.memory_space<semaphore_mem>>
      %dma_start3A = arith.constant 0 : i32
      %dma_start3A_40 = arith.constant 0 : i32
      %dma_start3A_41 = tpu.memref_slice %arg9[%dma_start3A, %dma_start3A_40] : memref<128x128xf32, #tpu.memory_space<vmem>> -> memref<80x128xf32, #tpu.memory_space<vmem>>
      %dma_start3A_42 = arith.constant 0 : i32
      %dma_start3A_43 = arith.constant 0 : i32
      %dma_start3A_44 = tpu.memref_slice %dma_start3A_41[%dma_start3A_42, %dma_start3A_43] : memref<80x128xf32, #tpu.memory_space<vmem>> -> memref<72x128xf32, #tpu.memory_space<vmem>>
      %dma_start3A_45 = arith.constant 0 : i32
      %dma_start3A_46 = tpu.memref_slice %arg6[%arg0, %add3A_39, %dma_start3A_45] : memref<2x10112x128xf32, #tpu.memory_space<hbm>> -> memref<1x72x128xf32, #tpu.memory_space<hbm>>
      %dma_start3A_47 = tpu.memref_squeeze %dma_start3A_46 : memref<1x72x128xf32, #tpu.memory_space<hbm>> -> memref<72x128xf32, #tpu.memory_space<hbm>>
      %dma_start3A_48 = arith.constant 0 : i32
      %dma_start3A_49 = tpu.memref_slice %arg6[%arg0, %add3A_39, %dma_start3A_48] : memref<2x10112x128xf32, #tpu.memory_space<hbm>> -> memref<1x72x128xf32, #tpu.memory_space<hbm>>
      %dma_start3A_50 = tpu.memref_squeeze %dma_start3A_49 : memref<1x72x128xf32, #tpu.memory_space<hbm>> -> memref<72x128xf32, #tpu.memory_space<hbm>>
      %dma_start3A_51 = arith.constant 0 : i32
      %dma_start3A_52 = arith.constant 0 : i32
      %dma_start3A_53 = tpu.memref_slice %arg9[%dma_start3A_51, %dma_start3A_52] : memref<128x128xf32, #tpu.memory_space<vmem>> -> memref<80x128xf32, #tpu.memory_space<vmem>>
      %dma_start3A_54 = arith.constant 0 : i32
      %dma_start3A_55 = arith.constant 0 : i32
      %dma_start3A_56 = tpu.memref_slice %dma_start3A_53[%dma_start3A_54, %dma_start3A_55] : memref<80x128xf32, #tpu.memory_space<vmem>> -> memref<72x128xf32, #tpu.memory_space<vmem>>
      tpu.enqueue_dma source(%dma_start3A_56 : memref<72x128xf32, #tpu.memory_space<vmem>>) target(%dma_start3A_50 : memref<72x128xf32, #tpu.memory_space<hbm>>) target_semaphore(%run_scoped3A : memref<!tpu.dma_semaphore, #tpu.memory_space<semaphore_mem>>)
      %dma_wait3A_57 = arith.constant 0 : i32
      %dma_wait3A_58 = arith.constant 0 : i32
      %dma_wait3A_59 = tpu.memref_slice %arg9[%dma_wait3A_57, %dma_wait3A_58] : memref<128x128xf32, #tpu.memory_space<vmem>> -> memref<80x128xf32, #tpu.memory_space<vmem>>
      %dma_wait3A_60 = arith.constant 0 : i32
      %dma_wait3A_61 = arith.constant 0 : i32
      %dma_wait3A_62 = tpu.memref_slice %dma_wait3A_59[%dma_wait3A_60, %dma_wait3A_61] : memref<80x128xf32, #tpu.memory_space<vmem>> -> memref<72x128xf32, #tpu.memory_space<vmem>>
      %dma_wait3A_63 = arith.constant 0 : i32
      %dma_wait3A_64 = tpu.memref_slice %arg6[%arg0, %add3A_39, %dma_wait3A_63] : memref<2x10112x128xf32, #tpu.memory_space<hbm>> -> memref<1x72x128xf32, #tpu.memory_space<hbm>>
      %dma_wait3A_65 = tpu.memref_squeeze %dma_wait3A_64 : memref<1x72x128xf32, #tpu.memory_space<hbm>> -> memref<72x128xf32, #tpu.memory_space<hbm>>
      %dma_wait3A_66 = arith.constant 0 : i32
      %dma_wait3A_67 = tpu.memref_slice %arg6[%arg0, %add3A_39, %dma_wait3A_66] : memref<2x10112x128xf32, #tpu.memory_space<hbm>> -> memref<1x72x128xf32, #tpu.memory_space<hbm>>
      %dma_wait3A_68 = tpu.memref_squeeze %dma_wait3A_67 : memref<1x72x128xf32, #tpu.memory_space<hbm>> -> memref<72x128xf32, #tpu.memory_space<hbm>>
      %dma_wait3A_69 = arith.constant 0 : i32
      %dma_wait3A_70 = arith.constant 0 : i32
      %dma_wait3A_71 = tpu.memref_slice %arg9[%dma_wait3A_69, %dma_wait3A_70] : memref<128x128xf32, #tpu.memory_space<vmem>> -> memref<80x128xf32, #tpu.memory_space<vmem>>
      %dma_wait3A_72 = arith.constant 0 : i32
      %dma_wait3A_73 = arith.constant 0 : i32
      %dma_wait3A_74 = tpu.memref_slice %dma_wait3A_71[%dma_wait3A_72, %dma_wait3A_73] : memref<80x128xf32, #tpu.memory_space<vmem>> -> memref<72x128xf32, #tpu.memory_space<vmem>>
      tpu.wait_dma2 semaphore(%run_scoped3A : memref<!tpu.dma_semaphore, #tpu.memory_space<semaphore_mem>>) src(%dma_wait3A_74 : memref<72x128xf32, #tpu.memory_space<vmem>>) dst(%dma_wait3A_68 : memref<72x128xf32, #tpu.memory_space<hbm>>)
      tpu.yield
    }) : () -> ()
    return
  }
}

module attributes {stable_mosaic.version = 14 : i64} {
  func.func @_tc1_body(%arg0: i32, %arg1: memref<128x128xf32, #tpu.memory_space<vmem>>, %arg2: memref<128x128xf32, #tpu.memory_space<vmem>>, %arg3: memref<128x16xf32, #tpu.memory_space<vmem>>, %arg4: memref<128x16xf32, #tpu.memory_space<vmem>>, %arg5: memref<128x128xf32, #tpu.memory_space<vmem>>, %arg6: memref<256x128xf32, #tpu.memory_space<vmem>>, %arg7: memref<1x256xf32, #tpu.memory_space<vmem>>, %arg8: memref<256x128xf32, #tpu.memory_space<vmem>>, %arg9: memref<128x256xf32, #tpu.memory_space<vmem>>, %arg10: memref<1x128xf32, #tpu.memory_space<vmem>>, %arg11: memref<128x256xf32, #tpu.memory_space<vmem>>, %arg12: memref<128x128xf32, #tpu.memory_space<vmem>>, %arg13: memref<128x128xf32, #tpu.memory_space<vmem>>) attributes {dimension_semantics = [#tpu.dimension_semantics<arbitrary>], iteration_bounds = array<i64: 79>, scalar_prefetch = 0 : i64, scratch_operands = 0 : i64, tpu.core_type = #tpu.core_type<tc>, window_params = [{transform_indices = @transform_0, window_bounds = array<i64: 128, 128>}, {transform_indices = @transform_1, window_bounds = array<i64: 128, 128>}, {transform_indices = @transform_2, window_bounds = array<i64: 128, 16>}, {transform_indices = @transform_3, window_bounds = array<i64: 128, 16>}, {transform_indices = @transform_4, window_bounds = array<i64: 128, 128>}, {pipeline_mode = #tpu.pipeline_mode<synchronous>, transform_indices = @transform_5, window_bounds = array<i64: 256, 128>}, {pipeline_mode = #tpu.pipeline_mode<synchronous>, transform_indices = @transform_6, window_bounds = array<i64: 1, 256>}, {pipeline_mode = #tpu.pipeline_mode<synchronous>, transform_indices = @transform_7, window_bounds = array<i64: 256, 128>}, {pipeline_mode = #tpu.pipeline_mode<synchronous>, transform_indices = @transform_8, window_bounds = array<i64: 128, 256>}, {pipeline_mode = #tpu.pipeline_mode<synchronous>, transform_indices = @transform_9, window_bounds = array<i64: 1, 128>}, {pipeline_mode = #tpu.pipeline_mode<synchronous>, transform_indices = @transform_10, window_bounds = array<i64: 128, 256>}, {transform_indices = @transform_11, window_bounds = array<i64: 128, 128>}, {transform_indices = @transform_12, window_bounds = array<i64: 128, 128>}]} {
    %get3A = arith.constant 0 : index
    %get3A_0 = arith.constant 0 : index
    %get3A_1 = vector.load %arg1[%get3A, %get3A_0] : memref<128x128xf32, #tpu.memory_space<vmem>>, vector<128x128xf32>
    %get3A_2 = arith.constant 0 : index
    %get3A_3 = arith.constant 0 : index
    %get3A_4 = vector.load %arg2[%get3A_2, %get3A_3] : memref<128x128xf32, #tpu.memory_space<vmem>>, vector<128x128xf32>
    %add3A = arith.addf %get3A_1, %get3A_4 : vector<128x128xf32>
    %get3A_5 = arith.constant 0 : index
    %get3A_6 = arith.constant 0 : index
    %get3A_7 = vector.load %arg3[%get3A_5, %get3A_6] : memref<128x16xf32, #tpu.memory_space<vmem>>, vector<128x1xf32>
    %get3A_8 = arith.constant 0 : index
    %get3A_9 = arith.constant 0 : index
    %get3A_10 = vector.load %arg4[%get3A_8, %get3A_9] : memref<128x16xf32, #tpu.memory_space<vmem>>, vector<128x1xf32>
    %add3A_11 = arith.addf %get3A_7, %get3A_10 : vector<128x1xf32>
    %max3A = arith.constant 1.000000e+00 : f32
    %max3A_12 = vector.broadcast %max3A : f32 to vector<128x1xf32>
    %max3A_13 = arith.maximumf %add3A_11, %max3A_12 : vector<128x1xf32>
    %div3A = arith.constant 1.000000e+00 : f32
    %div3A_14 = vector.broadcast %div3A : f32 to vector<128x1xf32>
    %div3A_15 = arith.divf %div3A_14, %max3A_13 : vector<128x1xf32>
    %mul3A = vector.broadcast %div3A_15 : vector<128x1xf32> to vector<128x128xf32>
    %mul3A_16 = arith.mulf %add3A, %mul3A : vector<128x128xf32>
    %get3A_17 = arith.constant 0 : index
    %get3A_18 = arith.constant 0 : index
    %get3A_19 = vector.load %arg6[%get3A_17, %get3A_18] : memref<256x128xf32, #tpu.memory_space<vmem>>, vector<256x128xf32>
    %dot_general3A = arith.constant dense<0.000000e+00> : vector<128x256xf32>
    %dot_general3A_20 = tpu.matmul %mul3A_16, %get3A_19, %dot_general3A {dimension_numbers = #tpu.dot_dimension_numbers<[1], [1], [0], [0], [0, 0, 1, 0], [], []>, transpose_lhs_hint = false} : vector<128x128xf32>, vector<256x128xf32>, vector<128x256xf32> -> vector<128x256xf32>
    %get3A_21 = arith.constant 0 : index
    %get3A_22 = arith.constant 0 : index
    %get3A_23 = vector.load %arg7[%get3A_21, %get3A_22] : memref<1x256xf32, #tpu.memory_space<vmem>>, vector<1x256xf32>
    %add3A_24 = vector.broadcast %get3A_23 : vector<1x256xf32> to vector<128x256xf32>
    %add3A_25 = arith.addf %dot_general3A_20, %add3A_24 : vector<128x256xf32>
    %get3A_26 = arith.constant 0 : index
    %get3A_27 = arith.constant 0 : index
    %get3A_28 = vector.load %arg5[%get3A_26, %get3A_27] : memref<128x128xf32, #tpu.memory_space<vmem>>, vector<128x128xf32>
    %get3A_29 = arith.constant 0 : index
    %get3A_30 = arith.constant 0 : index
    %get3A_31 = vector.load %arg8[%get3A_29, %get3A_30] : memref<256x128xf32, #tpu.memory_space<vmem>>, vector<256x128xf32>
    %dot_general3A_32 = arith.constant dense<0.000000e+00> : vector<128x256xf32>
    %dot_general3A_33 = tpu.matmul %get3A_28, %get3A_31, %dot_general3A_32 {dimension_numbers = #tpu.dot_dimension_numbers<[1], [1], [0], [0], [0, 0, 1, 0], [], []>, transpose_lhs_hint = false} : vector<128x128xf32>, vector<256x128xf32>, vector<128x256xf32> -> vector<128x256xf32>
    %add3A_34 = arith.addf %add3A_25, %dot_general3A_33 : vector<128x256xf32>
    %max3A_35 = arith.constant 0.000000e+00 : f32
    %max3A_36 = vector.broadcast %max3A_35 : f32 to vector<128x256xf32>
    %max3A_37 = arith.maximumf %add3A_34, %max3A_36 : vector<128x256xf32>
    %get3A_38 = arith.constant 0 : index
    %get3A_39 = arith.constant 0 : index
    %get3A_40 = vector.load %arg9[%get3A_38, %get3A_39] : memref<128x256xf32, #tpu.memory_space<vmem>>, vector<128x256xf32>
    %dot_general3A_41 = arith.constant dense<0.000000e+00> : vector<128x128xf32>
    %dot_general3A_42 = tpu.matmul %max3A_37, %get3A_40, %dot_general3A_41 {dimension_numbers = #tpu.dot_dimension_numbers<[1], [1], [0], [0], [0, 0, 1, 0], [], []>, transpose_lhs_hint = false} : vector<128x256xf32>, vector<128x256xf32>, vector<128x128xf32> -> vector<128x128xf32>
    %swap3A = arith.constant 0 : index
    %swap3A_43 = arith.constant 0 : index
    %swap3A_44 = vector.load %arg12[%swap3A, %swap3A_43] : memref<128x128xf32, #tpu.memory_space<vmem>>, vector<128x128xf32>
    tpu.vector_store %arg12[%swap3A, %swap3A_43], %dot_general3A_42 {strides = array<i32>} : memref<128x128xf32, #tpu.memory_space<vmem>>, vector<128x128xf32>,
    %get3A_45 = arith.constant 0 : index
    %get3A_46 = arith.constant 0 : index
    %get3A_47 = vector.load %arg10[%get3A_45, %get3A_46] : memref<1x128xf32, #tpu.memory_space<vmem>>, vector<1x128xf32>
    %get3A_48 = arith.constant 0 : index
    %get3A_49 = arith.constant 0 : index
    %get3A_50 = vector.load %arg11[%get3A_48, %get3A_49] : memref<128x256xf32, #tpu.memory_space<vmem>>, vector<128x256xf32>
    %dot_general3A_51 = arith.constant dense<0.000000e+00> : vector<128x128xf32>
    %dot_general3A_52 = tpu.matmul %max3A_37, %get3A_50, %dot_general3A_51 {dimension_numbers = #tpu.dot_dimension_numbers<[1], [1], [0], [0], [0, 0, 1, 0], [], []>, transpose_lhs_hint = false} : vector<128x256xf32>, vector<128x256xf32>, vector<128x128xf32> -> vector<128x128xf32>
    %add3A_53 = vector.broadcast %get3A_47 : vector<1x128xf32> to vector<128x128xf32>
    %add3A_54 = arith.addf %add3A_53, %dot_general3A_52 : vector<128x128xf32>
    %swap3A_55 = arith.constant 0 : index
    %swap3A_56 = arith.constant 0 : index
    %swap3A_57 = vector.load %arg13[%swap3A_55, %swap3A_56] : memref<128x128xf32, #tpu.memory_space<vmem>>, vector<128x128xf32>
    tpu.vector_store %arg13[%swap3A_55, %swap3A_56], %add3A_54 {strides = array<i32>} : memref<128x128xf32, #tpu.memory_space<vmem>>, vector<128x128xf32>,
    return
  }
  func.func @transform_0(%arg0: i32) -> (i32, i32) {
    %c0_i32 = arith.constant 0 : i32
    %c0_i32_0 = arith.constant 0 : i32
    return %arg0, %c0_i32 : i32, i32
  }
  func.func @transform_1(%arg0: i32) -> (i32, i32) {
    %c0_i32 = arith.constant 0 : i32
    %c0_i32_0 = arith.constant 0 : i32
    return %arg0, %c0_i32 : i32, i32
  }
  func.func @transform_2(%arg0: i32) -> (i32, i32) {
    %c0_i32 = arith.constant 0 : i32
    %c0_i32_0 = arith.constant 0 : i32
    return %arg0, %c0_i32 : i32, i32
  }
  func.func @transform_3(%arg0: i32) -> (i32, i32) {
    %c0_i32 = arith.constant 0 : i32
    %c0_i32_0 = arith.constant 0 : i32
    return %arg0, %c0_i32 : i32, i32
  }
  func.func @transform_4(%arg0: i32) -> (i32, i32) {
    %c0_i32 = arith.constant 0 : i32
    %c0_i32_0 = arith.constant 0 : i32
    return %arg0, %c0_i32 : i32, i32
  }
  func.func @transform_5(%arg0: i32) -> (i32, i32) {
    %c0_i32 = arith.constant 0 : i32
    %c0_i32_0 = arith.constant 0 : i32
    %c0_i32_1 = arith.constant 0 : i32
    return %c0_i32, %c0_i32_0 : i32, i32
  }
  func.func @transform_6(%arg0: i32) -> (i32, i32) {
    %c0_i32 = arith.constant 0 : i32
    %c0_i32_0 = arith.constant 0 : i32
    %c0_i32_1 = arith.constant 0 : i32
    return %c0_i32, %c0_i32_0 : i32, i32
  }
  func.func @transform_7(%arg0: i32) -> (i32, i32) {
    %c0_i32 = arith.constant 0 : i32
    %c0_i32_0 = arith.constant 0 : i32
    %c0_i32_1 = arith.constant 0 : i32
    return %c0_i32, %c0_i32_0 : i32, i32
  }
  func.func @transform_8(%arg0: i32) -> (i32, i32) {
    %c0_i32 = arith.constant 0 : i32
    %c0_i32_0 = arith.constant 0 : i32
    %c0_i32_1 = arith.constant 0 : i32
    return %c0_i32, %c0_i32_0 : i32, i32
  }
  func.func @transform_9(%arg0: i32) -> (i32, i32) {
    %c0_i32 = arith.constant 0 : i32
    %c0_i32_0 = arith.constant 0 : i32
    %c0_i32_1 = arith.constant 0 : i32
    return %c0_i32, %c0_i32_0 : i32, i32
  }
  func.func @transform_10(%arg0: i32) -> (i32, i32) {
    %c0_i32 = arith.constant 0 : i32
    %c0_i32_0 = arith.constant 0 : i32
    %c0_i32_1 = arith.constant 0 : i32
    return %c0_i32, %c0_i32_0 : i32, i32
  }
  func.func @transform_11(%arg0: i32) -> (i32, i32) {
    %c0_i32 = arith.constant 0 : i32
    %c0_i32_0 = arith.constant 0 : i32
    return %arg0, %c0_i32 : i32, i32
  }
  func.func @transform_12(%arg0: i32) -> (i32, i32) {
    %c0_i32 = arith.constant 0 : i32
    %c0_i32_0 = arith.constant 0 : i32
    return %arg0, %c0_i32 : i32, i32
  }
}

module attributes {stable_mosaic.version = 14 : i64} {
  func.func @_tc2_body(%arg0: i32, %arg1: memref<128x128xf32, #tpu.memory_space<vmem>>, %arg2: memref<128x128xf32, #tpu.memory_space<vmem>>, %arg3: memref<128x16xf32, #tpu.memory_space<vmem>>, %arg4: memref<128x16xf32, #tpu.memory_space<vmem>>, %arg5: memref<128x128xf32, #tpu.memory_space<vmem>>, %arg6: memref<128x128xf32, #tpu.memory_space<vmem>>) attributes {dimension_semantics = [#tpu.dimension_semantics<arbitrary>], iteration_bounds = array<i64: 79>, scalar_prefetch = 0 : i64, scratch_operands = 0 : i64, tpu.core_type = #tpu.core_type<tc>, window_params = [{transform_indices = @transform_0, window_bounds = array<i64: 128, 128>}, {transform_indices = @transform_1, window_bounds = array<i64: 128, 128>}, {transform_indices = @transform_2, window_bounds = array<i64: 128, 16>}, {transform_indices = @transform_3, window_bounds = array<i64: 128, 16>}, {transform_indices = @transform_4, window_bounds = array<i64: 128, 128>}, {transform_indices = @transform_5, window_bounds = array<i64: 128, 128>}]} {
    %get3A = arith.constant 0 : index
    %get3A_0 = arith.constant 0 : index
    %get3A_1 = vector.load %arg3[%get3A, %get3A_0] : memref<128x16xf32, #tpu.memory_space<vmem>>, vector<128x1xf32>
    %get3A_2 = arith.constant 0 : index
    %get3A_3 = arith.constant 0 : index
    %get3A_4 = vector.load %arg4[%get3A_2, %get3A_3] : memref<128x16xf32, #tpu.memory_space<vmem>>, vector<128x1xf32>
    %add3A = arith.addf %get3A_1, %get3A_4 : vector<128x1xf32>
    %max3A = arith.constant 1.000000e+00 : f32
    %max3A_5 = vector.broadcast %max3A : f32 to vector<128x1xf32>
    %max3A_6 = arith.maximumf %add3A, %max3A_5 : vector<128x1xf32>
    %div3A = arith.constant 1.000000e+00 : f32
    %div3A_7 = vector.broadcast %div3A : f32 to vector<128x1xf32>
    %div3A_8 = arith.divf %div3A_7, %max3A_6 : vector<128x1xf32>
    %get3A_9 = arith.constant 0 : index
    %get3A_10 = arith.constant 0 : index
    %get3A_11 = vector.load %arg1[%get3A_9, %get3A_10] : memref<128x128xf32, #tpu.memory_space<vmem>>, vector<128x128xf32>
    %get3A_12 = arith.constant 0 : index
    %get3A_13 = arith.constant 0 : index
    %get3A_14 = vector.load %arg2[%get3A_12, %get3A_13] : memref<128x128xf32, #tpu.memory_space<vmem>>, vector<128x128xf32>
    %add3A_15 = arith.addf %get3A_11, %get3A_14 : vector<128x128xf32>
    %mul3A = vector.broadcast %div3A_8 : vector<128x1xf32> to vector<128x128xf32>
    %mul3A_16 = arith.mulf %add3A_15, %mul3A : vector<128x128xf32>
    %get3A_17 = arith.constant 0 : index
    %get3A_18 = arith.constant 0 : index
    %get3A_19 = vector.load %arg5[%get3A_17, %get3A_18] : memref<128x128xf32, #tpu.memory_space<vmem>>, vector<128x128xf32>
    %add3A_20 = arith.addf %mul3A_16, %get3A_19 : vector<128x128xf32>
    %swap3A = arith.constant 0 : index
    %swap3A_21 = arith.constant 0 : index
    %swap3A_22 = vector.load %arg6[%swap3A, %swap3A_21] : memref<128x128xf32, #tpu.memory_space<vmem>>, vector<128x128xf32>
    tpu.vector_store %arg6[%swap3A, %swap3A_21], %add3A_20 {strides = array<i32>} : memref<128x128xf32, #tpu.memory_space<vmem>>, vector<128x128xf32>,
    return
  }
  func.func @transform_0(%arg0: i32) -> (i32, i32) {
    %c0_i32 = arith.constant 0 : i32
    %c0_i32_0 = arith.constant 0 : i32
    return %arg0, %c0_i32 : i32, i32
  }
  func.func @transform_1(%arg0: i32) -> (i32, i32) {
    %c0_i32 = arith.constant 0 : i32
    %c0_i32_0 = arith.constant 0 : i32
    return %arg0, %c0_i32 : i32, i32
  }
  func.func @transform_2(%arg0: i32) -> (i32, i32) {
    %c0_i32 = arith.constant 0 : i32
    %c0_i32_0 = arith.constant 0 : i32
    return %arg0, %c0_i32 : i32, i32
  }
  func.func @transform_3(%arg0: i32) -> (i32, i32) {
    %c0_i32 = arith.constant 0 : i32
    %c0_i32_0 = arith.constant 0 : i32
    return %arg0, %c0_i32 : i32, i32
  }
  func.func @transform_4(%arg0: i32) -> (i32, i32) {
    %c0_i32 = arith.constant 0 : i32
    %c0_i32_0 = arith.constant 0 : i32
    return %arg0, %c0_i32 : i32, i32
  }
  func.func @transform_5(%arg0: i32) -> (i32, i32) {
    %c0_i32 = arith.constant 0 : i32
    %c0_i32_0 = arith.constant 0 : i32
    return %arg0, %c0_i32 : i32, i32
  }
}

</mosaic_0001>

<sc_bundles>
// kernel: kernel.10.cloned.1.call-start
scs
__scs_entry_jumppad:
0x0: {  	(pc) =	sbr.rel $0x88, $3  }
0x1: {  	(tag) =	ssettag $0x0;
	lr =	simm.s32 $0x1  }
0x2: {  	[smem:$0x3F99] =	sst lr;
	_ =	strace $0xD0000000  }
0x3: {  	_ = 	snop  }
0x4: {  	_ = 	snop  }
0x5: {  	_ = 	snop  }
0x6: {  	_ = 	snop  }
0x7: {  	_ = 	snop  }
__scs_overlays_trampoline_lowered:
0x8: {  	[smem:$0x3FA8] =	sst s0  }
0x9: {  	[smem:$0x3FA9] =	sst s1  }
0xa: {  	[smem:$0x3FAA] =	sst s2  }
0xb: {  	[smem:$0x3FAB] =	sst s3  }
0xc: {  	[smem:$0x3FAC] =	sst s4  }
0xd: {  	[smem:$0x3FAD] =	sst s5  }
0xe: {  	[smem:$0x3FAE] =	sst s6  }
0xf: {  	[smem:$0x3FAF] =	sst s7  }
0x10: {  	[smem:$0x3FB0] =	sst s8  }
0x11: {  	[smem:$0x3FB1] =	sst s9;
	s0 =	simm.s32 @!p0 $0x0  }
0x12: {  	s1 =	sld [smem:$0x3F97];
	s0 =	simm.s32 @p0 $0x1  }
0x13: {  	[smem:$0x3FB2] =	sst s0;
	s0 =	simm.s32 @!p1 $0x0  }
0x14: {  	s2 =	sld [smem:$0x3F96];
	s0 =	simm.s32 @p1 $0x1  }
0x15: {  	[smem:$0x3FB3] =	sst s0;
	s0 =	simm.s32 @!p2 $0x0  }
0x16: {  	s3 =	sld [smem:$0x3FDB];
	s0 =	simm.s32 @p2 $0x1  }
0x17: {  	s4 =	simm.s32 $0x1BF5;
	[smem:$0x3FB5] =	sst s0  }
0x18: {  	s0 =	sld [smem:$0x3F98];
	_ =	swait.ge [sflag:s4], $0x0  }
0x19: {  	s7 =	sld [smem:$0x3F99]  }
0x1a: {  	s8 =	sadd.s32 $0xFFFFE003, lr  }
0x1b: {  	s9 =	sadd.s32 $0xFFFFFEF7, lr;
	s5 =	simm.s32 $0xFFFFFFFF;
	p2 =	slt.u32 s8, $0xFFFFF086  }
0x1c: {  	p1 =	slt.u32 s9, $0xF7A;
	s5 =	simm.s32 @!p2 $0x0  }
0x1d: {  	s5 =	simm.s32 @p1 $0x1;
	p0 =	seq.s32 s7, s2  }
0x1e: {  	s7 =	smul.u32 @!p0 $0xF7A, s2;
	p2 =	seq.s32 @!p0 s5, $0x0  }
0x1f: {  	s9 =	smul.u32 $0xF7A, s1;
	s8 =	simm.s32 @!p0 $0x1BF5;
	p2 =	por !p2, p0  }
0x20: {  	[sflag:s8] =	ssyncset.s32 @!p0 $0xFFFFF086;
	s6 =	sadd.s32 @!p0 s3, s7;
	s7 =	simm.s32 @!p0 $0x108  }
0x21: {  	s3 =	sadd.s32 s3, s9;
	s6 =	sadd.s32 @!p0 $0x88, s6;
	s7 =	simm.s32 @p2 $0x1082  }
0x22: {  	[simem:s7], [sflag:s8] =	dma.local @!p0 [hbm:s6], $0xF7A  }
0x23: {  	s9 =	sor.u32 $0xD0000000, s2;
	s6 =	simm.s32 $0x108;
	_ =	swait.ge @!p0 [sflag:s8], $0x0  }
0x24: {  	s3 =	sadd.s32 $0x88, s3;
	s6 =	simm.s32 @!p1 $0x1082;
	[sflag:s4] =	ssyncset.s32 $0xFFFFF086  }
0x25: {  	[simem:s6], [sflag:s4] =	dma.local [hbm:s3], $0xF7A  }
0x26: {  	[smem:$0x3F99] =	sst s1;
	(tag) =	ssettag s2;
	_ =	strace s9  }
0x27: {  	s1 =	sld [smem:$0x3FA9]  }
0x28: {  	s2 =	sld [smem:$0x3FAA]  }
0x29: {  	s4 =	sld [smem:$0x3FAC]  }
0x2a: {  	p0 =	seq.s32 s5, $0x0;
	s5 =	sld [smem:$0x3FAD]  }
0x2b: {  	s6 =	sld [smem:$0x3FAE]  }
0x2c: {  	s7 =	sld [smem:$0x3FAF]  }
0x2d: {  	s3 =	simm.s32 $0x108;
	s8 =	sld [smem:$0x3FB0]  }
0x2e: {  	s3 =	simm.s32 @!p0 $0x1082;
	s9 =	sld [smem:$0x3FB1]  }
0x2f: {  	lr =	sadd.s32 s0, s3;
	s0 =	sld [smem:$0x3FA8]  }
0x30: {  	s3 =	sld [smem:$0x3FAB]  }
0x31: {  	[smem:$0x3FB4] =	sst s10  }
0x32: {  	s10 =	sld [smem:$0x3FB2];
	_ =	sdelay $0x3  }
0x33: {  	p0 =	seq.s32 s10, $0x1;
	s10 =	sld [smem:$0x3FB4];
	_ =	sdelay $0x3  }
0x34: {  	[smem:$0x3FB4] =	sst s10  }
0x35: {  	s10 =	sld [smem:$0x3FB3];
	_ =	sdelay $0x3  }
0x36: {  	p1 =	seq.s32 s10, $0x1;
	s10 =	sld [smem:$0x3FB4];
	_ =	sdelay $0x3  }
0x37: {  	[smem:$0x3FB4] =	sst s10  }
0x38: {  	s10 =	sld [smem:$0x3FB5]  }
0x39: {  	_ = 	snop;
	(pc) =	sbr.ind lr, $3  }
0x3a: {  	_ = 	snop  }
0x3b: {  	_ = 	snop  }
0x3c: {  	p2 =	seq.s32 s10, $0x1;
	s10 =	sld [smem:$0x3FB4]  }
0x3d: {  	_ =	shalt  }
0x3e: {  	_ =	shalt  }
0x3f: {  	_ =	shalt  }
0x40: {  	_ =	shalt  }
0x41: {  	_ =	shalt  }
0x42: {  	_ =	shalt  }
0x43: {  	_ =	shalt  }
0x44: {  	_ =	shalt  }
0x45: {  	_ =	shalt  }
0x46: {  	_ =	shalt  }
0x47: {  	_ =	shalt  }
0x48: {  	_ =	shalt  }
0x49: {  	_ =	shalt  }
0x4a: {  	_ =	shalt  }
0x4b: {  	_ =	shalt  }
0x4c: {  	_ =	shalt  }
0x4d: {  	_ =	shalt  }
0x4e: {  	_ =	shalt  }
0x4f: {  	_ =	shalt  }
0x50: {  	_ =	shalt  }
0x51: {  	_ =	shalt  }
0x52: {  	_ =	shalt  }
0x53: {  	_ =	shalt  }
0x54: {  	_ =	shalt  }
0x55: {  	_ =	shalt  }
0x56: {  	_ =	shalt  }
0x57: {  	_ =	shalt  }
0x58: {  	_ =	shalt  }
0x59: {  	_ =	shalt  }
0x5a: {  	_ =	shalt  }
0x5b: {  	_ =	shalt  }
0x5c: {  	_ =	shalt  }
0x5d: {  	_ =	shalt  }
0x5e: {  	_ =	shalt  }
0x5f: {  	_ =	shalt  }
0x60: {  	_ =	shalt  }
0x61: {  	_ =	shalt  }
0x62: {  	_ =	shalt  }
0x63: {  	_ =	shalt  }
0x64: {  	_ =	shalt  }
0x65: {  	_ =	shalt  }
0x66: {  	_ =	shalt  }
0x67: {  	_ =	shalt  }
0x68: {  	_ =	shalt  }
0x69: {  	_ =	shalt  }
0x6a: {  	_ =	shalt  }
0x6b: {  	_ =	shalt  }
0x6c: {  	_ =	shalt  }
0x6d: {  	_ =	shalt  }
0x6e: {  	_ =	shalt  }
0x6f: {  	_ =	shalt  }
0x70: {  	_ =	shalt  }
0x71: {  	_ =	shalt  }
0x72: {  	_ =	shalt  }
0x73: {  	_ =	shalt  }
0x74: {  	_ =	shalt  }
0x75: {  	_ =	shalt  }
0x76: {  	_ =	shalt  }
0x77: {  	_ =	shalt  }
0x78: {  	_ =	shalt  }
0x79: {  	_ =	shalt  }
0x7a: {  	_ =	shalt  }
0x7b: {  	_ =	shalt  }
0x7c: {  	_ =	shalt  }
0x7d: {  	_ =	shalt  }
0x7e: {  	_ =	shalt  }
0x7f: {  	_ =	shalt  }
0x80: {  	_ =	shalt  }
0x81: {  	_ =	shalt  }
0x82: {  	_ =	shalt  }
0x83: {  	_ =	shalt  }
0x84: {  	_ =	shalt  }
0x85: {  	_ =	shalt  }
0x86: {  	_ =	shalt  }
0x87: {  	_ =	shalt  }
.Lfunc_end0:
.L_simem_size_0:
called_computation.1_lowered:
.L_overlay_start_0:
0x88: {  	s2 =	sld [smem:$0x3FD9]  }
0x89: {  	s3 =	sld [smem:$0x3FFE];
	_ =	sdelay $0x1  }
0x8a: {  	s1 =	srdreg.scid  }
0x8b: {  	s0 =	sand.u32 $0x1, s1  }
0x8c: {  	s17 =	sshll.u32 s0, $0xA;
	s2 =	sadd.s32 s3, s2  }
0x8d: {  	s2 =	sadd.s32 s2, s17  }
0x8e: {  	[smem:$0x3FC0] =	sst s2  }
0x8f: {  	_ = 	snop  }
0x90: {  	s18 =	sld [smem:$0x3FD0];
	(tm) =	ssettm $0x1  }
0x91: {  	s19 =	sld [smem:$0x3FFB];
	_ =	sdelay $0x3  }
0x92: {  	_ =	strace s19  }
0x93: {  	s2 =	sld [smem:$0x3FFC];
	_ =	sdelay $0x3  }
0x94: {  	_ =	strace s2  }
0x95: {  	s2 =	sld [smem:$0x3FFD];
	_ =	sdelay $0x3  }
0x96: {  	_ =	strace s2  }
0x97: {  	_ =	strace $0x8FFFFFFF  }
0x98: {  	s20 =	sld [smem:$0x3FDB];
	_ =	sdelay $0x1  }
0x99: {  	s4 =	simm.s32 $_scs_section_size  }
0x9a: {  	s5 =	simm.s32 $_size__tile_overlayer_lowered;
	s6 =	simm.s32 $_tile_overlayer_lowered  }
0x9b: {  	s7 =	simm.s32 $0x1BFF;
	s21 =	sshll.u32 s6, $0x1;
	s4 =	sadd.s32 s4, s20  }
0x9c: {  	s22 =	simm.s32 $0x0;
	s5 =	sshll.u32 s5, $0x1;
	s6 =	sadd.s32 s21, s4  }
0x9d: {  	[timem:s22], [sflag:s7] =	dma.local [hbm:s6], s5  }
0x9e: {  	_ =	swait.ge [sflag:s7], s5  }
0x9f: {  	s5 =	ssub.s32 $0x0, s5;
	[sflag:s7] =	ssyncset.done $0x0  }
0xa0: {  	[sflag:s7] =	ssyncadd.s32 s5;
	_ =	sdelay $0x1  }
0xa1: {  	s23 =	simm.s32 $0x1B8B  }
0xa2: {  	_ =	swait.ge [sflag:s23], $0x1  }
0xa3: {  	[sflag:s23] =	ssyncset.done $0x0  }
0xa4: {  	[sflag:s23] =	ssyncadd.s32 $0xFFFFFFFF  }
0xa5: {  	s5 =	sld [smem:$0x0]  }
0xa6: {  	s6 =	sand.u32 $0xFFFFFFFE, s1  }
0xa7: {  	p0 =	sne.s32 s1, s6  }
0xa8: {  	s6 =	sshll.u32 @p0 s6, $0xE  }
0xa9: {  	s6 =	sadd.s32 @p0 $0x11B8D, s6;
	s7 =	sshll.u32 @p0 s5, $0x11  }
0xaa: {  	s6 =	sor.u32 @p0 s7, s6  }
0xab: {  	[sflag:s6] =	ssyncadd.remote.s32 @p0 $0x1;
	_ =	sdelay $0x1  }
0xac: {  	s6 =	simm.s32 @p0 $0x1B8D  }
0xad: {  	_ =	swait.eq @p0 [sflag:s6], $0x1  }
0xae: {  	[sflag:s6] =	ssyncadd.s32 @p0 $0xFFFFFFFF  }
0xaf: {  	s7 =	sshll.u32 @!p0 s1, $0xE  }
0xb0: {  	s7 =	sor.u32 @!p0 $0x4000, s7;
	s6 =	simm.s32 @!p0 $0x1B8D  }
0xb1: {  	s5 =	sshll.u32 @!p0 s5, $0x11;
	s7 =	sadd.s32 @!p0 $0x11B8D, s7;
	_ =	swait.eq @!p0 [sflag:s6], $0x1  }
0xb2: {  	s5 =	sor.u32 @!p0 s5, s7;
	[sflag:s6] =	ssyncadd.s32 @!p0 $0xFFFFFFFF  }
0xb3: {  	s25 =	simm.s32 $0x1B8E;
	s24 =	sld [smem:$0x3FFE];
	[sflag:s5] =	ssyncadd.remote.s32 @!p0 $0x1  }
0xb4: {  	s26 =	simm.s32 $execute0_lowered;
	[smem:$0x3FD2] =	sst s25  }
0xb5: {  	s6 =	sshll.u32 s26, $0x1;
	_ =	strace $0x80000049;
	[dreg:$0x1] =	wrdreg $0xFFFFFFFF  }
0xb6: {  	s28 =	simm.s32 $_size_execute0_lowered;
	s4 =	sadd.s32 s4, s6;
	[dreg:$0x0] =	wrdreg $0x0  }
0xb7: {  	s6 =	sshll.u32 s28, $0x1;
	[dreg:$0x2] =	wrdreg s4  }
0xb8: {  	[dreg:$0x3] =	wrdreg s6  }
0xb9: {  	[dreg:$0x4] =	wrdreg $0xC0  }
0xba: {  	_ =	task [dreg:s22], $0x5FFFF  }
0xbb: {  	[dreg:$0x1] =	wrdreg $0xFFFFFFFF  }
0xbc: {  	[dreg:$0x0] =	wrdreg $0x60  }
0xbd: {  	[dreg:$0x2] =	wrdreg s18  }
0xbe: {  	[dreg:$0x3] =	wrdreg s24  }
0xbf: {  	[dreg:$0x4] =	wrdreg $0x44000  }
0xc0: {  	[dreg:$0x5] =	wrdreg $0xA  }
0xc1: {  	_ =	task.clear_ibuf [dreg:s22], $0x6FFFF;
	_ =	strace $0x90000049  }
0xc2: {  	s29 =	simm.s32 $0xA;
	_ =	strace $0x8000004B  }
0xc3: {  	_ =	swait.ge [sflag:s29], $0x1  }
0xc4: {  	[sflag:s29] =	ssyncadd.s32 $0xFFFFFFFF  }
0xc5: {  	_ =	strace $0x9000004B  }
0xc6: {  	_ =	sfence  }
0xc7: {  	s30 =	sld [smem:$0x0];
	_ =	sdelay $0x2  }
0xc8: {  	s31 =	sshll.u32 s1, $0xD;
	s1 =	sshrl.u32 s1, $0x2  }
0xc9: {  	s4 =	sand.u32 $0x4000, s31;
	s1 =	sadd.s32 s1, s30  }
0xca: {  	s0 =	sor.u32 s4, s0;
	s1 =	sshll.u32 s1, $0x11  }
0xcb: {  	s0 =	sor.u32 s1, s0  }
0xcc: {  	s0 =	sadd.s32 $0x8F2B, s0  }
0xcd: {  	[sflag:s0] =	ssyncadd.remote.s32 $0x1  }
0xce: {  	_ =	sfence.sel $0xFFFF  }
0xcf: {  	[dreg:$0x0] =	wrdreg $0xFFFFFFFF;
	(pc) =	sbr.abs _section_cstart, $3  }
0xd0: {  	[dreg:$0x1] =	wrdreg $0xFFFFFFFF  }
0xd1: {  	_ =	task.clear_ibuf [dreg:s22], $0x2FFFF;
	_ =	strace $0x9FFFFFFF  }
0xd2: {  	(tm) =	ssettm $0x7FFFFFFF  }
0xd3: {  	_ =	shalt  }
tec
execute0_lowered:
.L_overlay_start_1:
0x0: {  	(tag) =	ssettag $0x1  }
0x1: {  	s0 =	rddreg [dreg:$0x0]  }
0x2: {  	s2 =	rddreg [dreg:$0x1]  }
0x3: {  	s1 =	rddreg [dreg:$0x2]  }
0x4: {  	s3 =	simm.s32 $0x0;
	s4 =	srdreg.scid;
	s23 =	stileid.u32  }
0x5: {  	s28 =	simm.s32 $0x100;
	s29 =	simm.s32 $0x180;
	s30 =	simm.s32 $0x200  }
0x6: {  	s31 =	simm.s32 $0x280;
	[smem:$0x7FF] =	sst s3;
	s5 =	smul.u32 $0x13C00, s23  }
0x7: {  	s4 =	sand.u32 $0x1, s4;
	s6 =	sadd.s32 $0x83800, s2;
	s10 =	smul.u32 $0x4F000, s23  }
0x8: {  	s22 =	sadd.s32 $0x84600, s2;
	s2 =	sadd.s32 $0x84000, s2;
	_ =	strace $0x8000004A  }
0x9: {  	[dreg:$0x4] =	wrdreg s6;
	s18 =	ssub.s32 $0x2, s4;
	s7 =	smul.u32 $0x13C000, s4  }
0xa: {  	[dreg:$0x5] =	wrdreg s2;
	s4 =	smul.u32 $0x5000, s4;
	s8 =	sshrl.u32 s18, $0x1  }
0xb: {  	s9 =	sadd.s32 $0x11800, s5;
	s21 =	sshrl.u32 s10, $0x2;
	s25 =	sadd.s32 $0x2800, s5  }
0xc: {  	s26 =	sadd.s32 $0x5000, s5;
	s15 =	sadd.s32 $0x7800, s5;
	s16 =	sadd.s32 $0xA000, s5  }
0xd: {  	s17 =	sadd.s32 $0xC800, s5;
	s11 =	ssub.s32 s18, s8;
	s19 =	sadd.s32 s7, s9  }
0xe: {  	s6 =	sadd.s32 s9, s1;
	s8 =	sadd.s32 s21, s1;
	s10 =	sadd.s32 s25, s1  }
0xf: {  	s12 =	sadd.s32 s15, s1;
	s13 =	sadd.s32 s16, s1;
	s14 =	sadd.s32 s17, s1  }
0x10: {  	s18 =	sadd.s32 s7, s5;
	s5 =	sadd.s32 $0xF000, s5;
	s9 =	sadd.s32 s7, s26  }
0x11: {  	s21 =	sadd.s32 s7, s17;
	s0 =	sadd.s32 s4, s0;
	s4 =	simm.s32 $0x0  }
0x12: {  	s20 =	sshrl.u32 s19, $0x3;
	s24 =	smax.u32 s11, $0x1;
	s11 =	sadd.s32 s26, s1  }
0x13: {  	s18 =	sshrl.u32 s18, $0x3;
	s19 =	sadd.s32 s7, s15;
	s15 =	sadd.s32 s5, s1  }
0x14: {  	s2 =	sadd.s32 s22, s20;
	[dreg:$0x7] =	wrdreg s24;
	s20 =	sadd.s32 s7, s16  }
0x15: {  	s17 =	sadd.s32 s22, s18;
	s18 =	sshrl.u32 s9, $0x3;
	s19 =	sshrl.u32 s19, $0x3  }
0x16: {  	s24 =	sshrl.u32 s21, $0x3;
	[dreg:$0x6] =	wrdreg s2;
	s2 =	sadd.s32 s7, s25  }
0x17: {  	s7 =	sadd.s32 s7, s5;
	[dreg:$0x8] =	wrdreg s17;
	s18 =	sadd.s32 s22, s18  }
0x18: {  	s19 =	sadd.s32 s22, s19;
	s20 =	sshrl.u32 s20, $0x3;
	s25 =	smul.u32 $0x500, s23  }
0x19: {  	s21 =	sadd.s32 s22, s24;
	s24 =	simm.s32 $0x400;
	s2 =	sshrl.u32 s2, $0x3  }
0x1a: {  	s20 =	sadd.s32 s22, s20;
	s26 =	sshrl.u32 s7, $0x3;
	s17 =	sadd.s32 s22, s2  }
0x1b: {  	s22 =	sadd.s32 s22, s26;
	s23 =	sadd.s32 s25, s0;
	s25 =	simm.s32 $0x1  }
0x1c: {  	s26 =	simm.s32 $0x80;
	s0 =	simm.s32 $0x300;
	s2 =	simm.s32 $0x380  }
.LBB2_1:
0x1d: {  	s5 =	rddreg [dreg:$0x5]  }
0x1e: {  	[tilespmem:s24], [sflag:$0x1] =	stream.linear.gather [hbm4b:s5+s3], $0x2800, $0x38;
	[tilespmem:$0x6B80] =	vst v63  }
0x1f: {  	_ =	swait.ge [sflag:s25], $0x2800  }
0x20: {  	[sflag:s25] =	ssyncset.done $0x0  }
0x21: {  	[sflag:s25] =	ssyncadd.s32 $0xFFFFD800  }
0x22: {  	[spmem:s8] =	stream.linear.scatter [tilespmem:s24], [sflag:$0x1], $0x2800, $0x38;
	[tilespmem:$0x6B80] =	vst v63  }
0x23: {  	_ =	swait.ge [sflag:s25], $0x2800  }
0x24: {  	[sflag:s25] =	ssyncset.done $0x0  }
0x25: {  	[sflag:s25] =	ssyncadd.s32 $0xFFFFD800  }
0x26: {  	[spmem:s10] =	stream.linear.scatter [tilespmem:s24], [sflag:$0x1], $0x2800, $0x38;
	[tilespmem:$0x6B80] =	vst v63  }
0x27: {  	_ =	swait.ge [sflag:s25], $0x2800  }
0x28: {  	[sflag:s25] =	ssyncset.done $0x0  }
0x29: {  	[sflag:s25] =	ssyncadd.s32 $0xFFFFD800  }
0x2a: {  	[spmem:s11] =	stream.linear.scatter [tilespmem:s24], [sflag:$0x1], $0x2800, $0x38;
	[tilespmem:$0x6B80] =	vst v63  }
0x2b: {  	_ =	swait.ge [sflag:s25], $0x2800  }
0x2c: {  	[sflag:s25] =	ssyncset.done $0x0  }
0x2d: {  	[sflag:s25] =	ssyncadd.s32 $0xFFFFD800  }
0x2e: {  	[spmem:s12] =	stream.linear.scatter [tilespmem:s24], [sflag:$0x1], $0x2800, $0x38;
	[tilespmem:$0x6B80] =	vst v63  }
0x2f: {  	_ =	swait.ge [sflag:s25], $0x2800  }
0x30: {  	[sflag:s25] =	ssyncset.done $0x0  }
0x31: {  	[sflag:s25] =	ssyncadd.s32 $0xFFFFD800  }
0x32: {  	[spmem:s13] =	stream.linear.scatter [tilespmem:s24], [sflag:$0x1], $0x2800, $0x38;
	[tilespmem:$0x6B80] =	vst v63  }
0x33: {  	_ =	swait.ge [sflag:s25], $0x2800  }
0x34: {  	[sflag:s25] =	ssyncset.done $0x0  }
0x35: {  	[sflag:s25] =	ssyncadd.s32 $0xFFFFD800  }
0x36: {  	[spmem:s14] =	stream.linear.scatter [tilespmem:s24], [sflag:$0x1], $0x2800, $0x38;
	[tilespmem:$0x6B80] =	vst v63  }
0x37: {  	_ =	swait.ge [sflag:s25], $0x2800  }
0x38: {  	[sflag:s25] =	ssyncset.done $0x0  }
0x39: {  	[sflag:s25] =	ssyncadd.s32 $0xFFFFD800  }
0x3a: {  	[spmem:s15] =	stream.linear.scatter [tilespmem:s24], [sflag:$0x1], $0x2800, $0x38;
	[tilespmem:$0x6B80] =	vst v63  }
0x3b: {  	_ =	swait.ge [sflag:s25], $0x2800  }
0x3c: {  	[sflag:s25] =	ssyncset.done $0x0  }
0x3d: {  	[sflag:s25] =	ssyncadd.s32 $0xFFFFD800  }
0x3e: {  	[spmem:s6] =	stream.linear.scatter [tilespmem:s24], [sflag:$0x1], $0x2400, $0x38;
	[tilespmem:$0x6B80] =	vst v63  }
0x3f: {  	_ =	swait.ge [sflag:s25], $0x2400  }
0x40: {  	[sflag:s25] =	ssyncset.done $0x0  }
0x41: {  	s9 =	rddreg [dreg:$0x4];
	[sflag:s25] =	ssyncadd.s32 $0xFFFFDC00  }
0x42: {  	[tilespmem:s24], [sflag:$0x1] =	stream.linear.gather [hbm4b:s9+s3], $0x4000, $0x38;
	[tilespmem:$0x6B80] =	vst v63  }
0x43: {  	_ =	swait.ge [sflag:s25], $0x4000  }
0x44: {  	[sflag:s25] =	ssyncset.done $0x0  }
0x45: {  	[sflag:s25] =	ssyncadd.s32 $0xFFFFC000  }
0x46: {  	s16 =	sadd.s32 $0x0, s23;
	[bflag:$0x0] =	sbarrier.arrive $0xFFFF  }
0x47: {  	[tilespmem:s3], [sflag:$0x1] =	stream.linear.gather [hbm4b:s16+s3], $0x400, $0x38;
	[tilespmem:$0x6B80] =	vst v63  }
0x48: {  	_ =	swait.ge [sflag:s25], $0x400  }
0x49: {  	[sflag:s25] =	ssyncset.done $0x0  }
0x4a: {  	[sflag:s25] =	ssyncadd.s32 $0xFFFFFC00  }
0x4b: {  	[spmem:s1] =	stream.indirect.scatter.add.f32 [tilespmem:s24], [sflag:$0x1], $0x10, s3, s26, $0xb8;
	[tilespmem:$0x6B80] =	vst v63  }
0x4c: {  	_ =	swait.ge [sflag:s25], $0x800  }
0x4d: {  	[sflag:s25] =	ssyncset.done $0x0  }
0x4e: {  	[sflag:s25] =	ssyncadd.s32 $0xFFFFF800  }
0x4f: {  	[spmem:s1] =	stream.indirect.scatter.add.f32 [tilespmem:s24], [sflag:$0x1], $0x10, s26, s26, $0xb8;
	[tilespmem:$0x6B80] =	vst v63  }
0x50: {  	_ =	swait.ge [sflag:s25], $0x800  }
0x51: {  	[sflag:s25] =	ssyncset.done $0x0  }
0x52: {  	[sflag:s25] =	ssyncadd.s32 $0xFFFFF800  }
0x53: {  	[spmem:s1] =	stream.indirect.scatter.add.f32 [tilespmem:s24], [sflag:$0x1], $0x10, s28, s26, $0xb8;
	[tilespmem:$0x6B80] =	vst v63  }
0x54: {  	_ =	swait.ge [sflag:s25], $0x800  }
0x55: {  	[sflag:s25] =	ssyncset.done $0x0  }
0x56: {  	[sflag:s25] =	ssyncadd.s32 $0xFFFFF800  }
0x57: {  	[spmem:s1] =	stream.indirect.scatter.add.f32 [tilespmem:s24], [sflag:$0x1], $0x10, s29, s26, $0xb8;
	[tilespmem:$0x6B80] =	vst v63  }
0x58: {  	_ =	swait.ge [sflag:s25], $0x800  }
0x59: {  	[sflag:s25] =	ssyncset.done $0x0  }
0x5a: {  	[sflag:s25] =	ssyncadd.s32 $0xFFFFF800  }
0x5b: {  	[spmem:s1] =	stream.indirect.scatter.add.f32 [tilespmem:s24], [sflag:$0x1], $0x10, s30, s26, $0xb8;
	[tilespmem:$0x6B80] =	vst v63  }
0x5c: {  	_ =	swait.ge [sflag:s25], $0x800  }
0x5d: {  	[sflag:s25] =	ssyncset.done $0x0  }
0x5e: {  	[sflag:s25] =	ssyncadd.s32 $0xFFFFF800  }
0x5f: {  	[spmem:s1] =	stream.indirect.scatter.add.f32 [tilespmem:s24], [sflag:$0x1], $0x10, s31, s26, $0xb8;
	[tilespmem:$0x6B80] =	vst v63  }
0x60: {  	_ =	swait.ge [sflag:s25], $0x800  }
0x61: {  	[sflag:s25] =	ssyncset.done $0x0  }
0x62: {  	[sflag:s25] =	ssyncadd.s32 $0xFFFFF800  }
0x63: {  	[spmem:s1] =	stream.indirect.scatter.add.f32 [tilespmem:s24], [sflag:$0x1], $0x10, s0, s26, $0xb8;
	[tilespmem:$0x6B80] =	vst v63  }
0x64: {  	_ =	swait.ge [sflag:s25], $0x800  }
0x65: {  	[sflag:s25] =	ssyncset.done $0x0  }
0x66: {  	[sflag:s25] =	ssyncadd.s32 $0xFFFFF800  }
0x67: {  	[spmem:s1] =	stream.indirect.scatter.add.f32 [tilespmem:s24], [sflag:$0x1], $0x10, s2, s26, $0xb8;
	[tilespmem:$0x6B80] =	vst v63  }
0x68: {  	_ =	swait.ge [sflag:s25], $0x800  }
0x69: {  	s7 =	simm.s32 $0x100;
	s5 =	simm.s32 $0x80;
	[sflag:s25] =	ssyncset.done $0x0  }
.LBB2_2:
0x6a: {  	s16 =	sadd.s32 s5, s23  }
0x6b: {  	[sflag:s25] =	ssyncadd.s32 $0xFFFFF800;
	s5 =	smov.u32 s7;
	s9 =	sadd.s32 $0x80, s7  }
0x6c: {  	[tilespmem:s3], [sflag:$0x1] =	stream.linear.gather [hbm4b:s16+s3], $0x400, $0x38;
	[tilespmem:$0x6B80] =	vst v63  }
0x6d: {  	p0 =	sne.s32 s7, $0x480;
	_ =	swait.ge [sflag:s25], $0x400  }
0x6e: {  	[sflag:s25] =	ssyncset.done $0x0  }
0x6f: {  	[sflag:s25] =	ssyncadd.s32 $0xFFFFFC00  }
0x70: {  	[spmem:s1] =	stream.indirect.scatter.add.f32 [tilespmem:s24], [sflag:$0x1], $0x10, s3, s26, $0xb8;
	[tilespmem:$0x6B80] =	vst v63  }
0x71: {  	_ =	swait.ge [sflag:s25], $0x800  }
0x72: {  	[sflag:s25] =	ssyncset.done $0x0  }
0x73: {  	[sflag:s25] =	ssyncadd.s32 $0xFFFFF800  }
0x74: {  	[spmem:s1] =	stream.indirect.scatter.add.f32 [tilespmem:s24], [sflag:$0x1], $0x10, s26, s26, $0xb8;
	[tilespmem:$0x6B80] =	vst v63  }
0x75: {  	_ =	swait.ge [sflag:s25], $0x800  }
0x76: {  	[sflag:s25] =	ssyncset.done $0x0  }
0x77: {  	[sflag:s25] =	ssyncadd.s32 $0xFFFFF800  }
0x78: {  	[spmem:s1] =	stream.indirect.scatter.add.f32 [tilespmem:s24], [sflag:$0x1], $0x10, s28, s26, $0xb8;
	[tilespmem:$0x6B80] =	vst v63  }
0x79: {  	_ =	swait.ge [sflag:s25], $0x800  }
0x7a: {  	[sflag:s25] =	ssyncset.done $0x0  }
0x7b: {  	[sflag:s25] =	ssyncadd.s32 $0xFFFFF800  }
0x7c: {  	[spmem:s1] =	stream.indirect.scatter.add.f32 [tilespmem:s24], [sflag:$0x1], $0x10, s29, s26, $0xb8;
	[tilespmem:$0x6B80] =	vst v63  }
0x7d: {  	_ =	swait.ge [sflag:s25], $0x800  }
0x7e: {  	[sflag:s25] =	ssyncset.done $0x0  }
0x7f: {  	[sflag:s25] =	ssyncadd.s32 $0xFFFFF800  }
0x80: {  	[spmem:s1] =	stream.indirect.scatter.add.f32 [tilespmem:s24], [sflag:$0x1], $0x10, s30, s26, $0xb8;
	[tilespmem:$0x6B80] =	vst v63  }
0x81: {  	_ =	swait.ge [sflag:s25], $0x800  }
0x82: {  	[sflag:s25] =	ssyncset.done $0x0  }
0x83: {  	[sflag:s25] =	ssyncadd.s32 $0xFFFFF800  }
0x84: {  	[spmem:s1] =	stream.indirect.scatter.add.f32 [tilespmem:s24], [sflag:$0x1], $0x10, s31, s26, $0xb8;
	[tilespmem:$0x6B80] =	vst v63  }
0x85: {  	_ =	swait.ge [sflag:s25], $0x800  }
0x86: {  	[sflag:s25] =	ssyncset.done $0x0  }
0x87: {  	[sflag:s25] =	ssyncadd.s32 $0xFFFFF800  }
0x88: {  	[spmem:s1] =	stream.indirect.scatter.add.f32 [tilespmem:s24], [sflag:$0x1], $0x10, s0, s26, $0xb8;
	[tilespmem:$0x6B80] =	vst v63  }
0x89: {  	_ =	swait.ge [sflag:s25], $0x800  }
.Ltmp0:
0x8a: {  	[sflag:s25] =	ssyncset.done $0x0;
	(pc) =	sbr.rel @p0 .LBB2_2-.Ltmp0, $4  }
0x8b: {  	[sflag:s25] =	ssyncadd.s32 $0xFFFFF800  }
0x8c: {  	[spmem:s1] =	stream.indirect.scatter.add.f32 [tilespmem:s24], [sflag:$0x1], $0x10, s2, s26, $0xb8;
	[tilespmem:$0x6B80] =	vst v63  }
0x8d: {  	_ =	swait.ge [sflag:s25], $0x800  }
0x8e: {  	s7 =	smov.u32 s9;
	[sflag:s25] =	ssyncset.done $0x0  }
0x8f: {  	s5 =	sadd.s32 s5, s23;
	[sflag:s25] =	ssyncadd.s32 $0xFFFFF800  }
0x90: {  	[tilespmem:s3], [sflag:$0x1] =	stream.linear.gather [hbm4b:s5+s3], $0x400, $0x38;
	[tilespmem:$0x6B80] =	vst v63  }
0x91: {  	_ =	swait.ge [sflag:s25], $0x400  }
0x92: {  	[sflag:s25] =	ssyncset.done $0x0  }
0x93: {  	[sflag:s25] =	ssyncadd.s32 $0xFFFFFC00  }
0x94: {  	[spmem:s1] =	stream.indirect.scatter.add.f32 [tilespmem:s24], [sflag:$0x1], $0x10, s3, s26, $0xb8;
	[tilespmem:$0x6B80] =	vst v63  }
0x95: {  	_ =	swait.ge [sflag:s25], $0x800  }
0x96: {  	[sflag:s25] =	ssyncset.done $0x0  }
0x97: {  	[sflag:s25] =	ssyncadd.s32 $0xFFFFF800  }
0x98: {  	[spmem:s1] =	stream.indirect.scatter.add.f32 [tilespmem:s24], [sflag:$0x1], $0x10, s26, s26, $0xb8;
	[tilespmem:$0x6B80] =	vst v63  }
0x99: {  	_ =	swait.ge [sflag:s25], $0x800  }
0x9a: {  	[sflag:s25] =	ssyncset.done $0x0  }
0x9b: {  	[sflag:s25] =	ssyncadd.s32 $0xFFFFF800  }
0x9c: {  	[spmem:s1] =	stream.indirect.scatter.add.f32 [tilespmem:s24], [sflag:$0x1], $0x10, s28, s26, $0xb8;
	[tilespmem:$0x6B80] =	vst v63  }
0x9d: {  	_ =	swait.ge [sflag:s25], $0x800  }
0x9e: {  	[sflag:s25] =	ssyncset.done $0x0  }
0x9f: {  	[sflag:s25] =	ssyncadd.s32 $0xFFFFF800  }
0xa0: {  	[spmem:s1] =	stream.indirect.scatter.add.f32 [tilespmem:s24], [sflag:$0x1], $0x10, s29, s26, $0xb8;
	[tilespmem:$0x6B80] =	vst v63  }
0xa1: {  	_ =	swait.ge [sflag:s25], $0x800  }
0xa2: {  	[sflag:s25] =	ssyncset.done $0x0  }
0xa3: {  	[sflag:s25] =	ssyncadd.s32 $0xFFFFF800  }
0xa4: {  	[spmem:s1] =	stream.indirect.scatter.add.f32 [tilespmem:s24], [sflag:$0x1], $0x10, s30, s26, $0xb8;
	[tilespmem:$0x6B80] =	vst v63  }
0xa5: {  	_ =	swait.ge [sflag:s25], $0x800  }
0xa6: {  	[sflag:s25] =	ssyncset.done $0x0  }
0xa7: {  	[sflag:s25] =	ssyncadd.s32 $0xFFFFF800  }
0xa8: {  	[spmem:s1] =	stream.indirect.scatter.add.f32 [tilespmem:s24], [sflag:$0x1], $0x10, s31, s26, $0xb8;
	[tilespmem:$0x6B80] =	vst v63  }
0xa9: {  	_ =	swait.ge [sflag:s25], $0x800  }
0xaa: {  	[sflag:s25] =	ssyncset.done $0x0  }
0xab: {  	[sflag:s25] =	ssyncadd.s32 $0xFFFFF800  }
0xac: {  	[spmem:s1] =	stream.indirect.scatter.add.f32 [tilespmem:s24], [sflag:$0x1], $0x10, s0, s26, $0xb8;
	[tilespmem:$0x6B80] =	vst v63  }
0xad: {  	_ =	swait.ge [sflag:s25], $0x800  }
0xae: {  	[sflag:s25] =	ssyncset.done $0x0  }
0xaf: {  	[sflag:s25] =	ssyncadd.s32 $0xFFFFF800  }
0xb0: {  	[spmem:s1] =	stream.indirect.scatter.add.f32 [tilespmem:s24], [sflag:$0x1], $0x10, s2, s26, $0xb8;
	[tilespmem:$0x6B80] =	vst v63  }
0xb1: {  	_ =	swait.ge [sflag:s25], $0x800  }
0xb2: {  	[sflag:s25] =	ssyncset.done $0x0  }
0xb3: {  	[sflag:s25] =	ssyncadd.s32 $0xFFFFF800  }
0xb4: {  	[bflag:$0x0] =	sbarrier.arrive $0xFFFF  }
0xb5: {  	[tilespmem:s24], [sflag:$0x1] =	stream.linear.gather [spmem:s8], $0x2800, $0x38;
	[tilespmem:$0x6B80] =	vst v63  }
0xb6: {  	_ =	swait.ge [sflag:s25], $0x2800  }
0xb7: {  	[sflag:s25] =	ssyncset.done $0x0  }
0xb8: {  	s7 =	rddreg [dreg:$0x8];
	[sflag:s25] =	ssyncadd.s32 $0xFFFFD800  }
0xb9: {  	[hbm4b:s7+s3] =	stream.linear.scatter [tilespmem:s24], [sflag:$0x1], $0x2800, $0x38;
	[tilespmem:$0x6B80] =	vst v63  }
0xba: {  	_ =	swait.ge [sflag:s25], $0x2800  }
0xbb: {  	[sflag:s25] =	ssyncset.done $0x0  }
0xbc: {  	[sflag:s25] =	ssyncadd.s32 $0xFFFFD800  }
0xbd: {  	[tilespmem:s24], [sflag:$0x1] =	stream.linear.gather [spmem:s10], $0x2800, $0x38;
	[tilespmem:$0x6B80] =	vst v63  }
0xbe: {  	_ =	swait.ge [sflag:s25], $0x2800  }
0xbf: {  	[sflag:s25] =	ssyncset.done $0x0  }
0xc0: {  	[sflag:s25] =	ssyncadd.s32 $0xFFFFD800  }
0xc1: {  	[hbm4b:s17+s3] =	stream.linear.scatter [tilespmem:s24], [sflag:$0x1], $0x2800, $0x38;
	[tilespmem:$0x6B80] =	vst v63  }
0xc2: {  	_ =	swait.ge [sflag:s25], $0x2800  }
0xc3: {  	[sflag:s25] =	ssyncset.done $0x0  }
0xc4: {  	[sflag:s25] =	ssyncadd.s32 $0xFFFFD800  }
0xc5: {  	[tilespmem:s24], [sflag:$0x1] =	stream.linear.gather [spmem:s11], $0x2800, $0x38;
	[tilespmem:$0x6B80] =	vst v63  }
0xc6: {  	_ =	swait.ge [sflag:s25], $0x2800  }
0xc7: {  	[sflag:s25] =	ssyncset.done $0x0  }
0xc8: {  	[sflag:s25] =	ssyncadd.s32 $0xFFFFD800  }
0xc9: {  	[hbm4b:s18+s3] =	stream.linear.scatter [tilespmem:s24], [sflag:$0x1], $0x2800, $0x38;
	[tilespmem:$0x6B80] =	vst v63  }
0xca: {  	_ =	swait.ge [sflag:s25], $0x2800  }
0xcb: {  	[sflag:s25] =	ssyncset.done $0x0  }
0xcc: {  	[sflag:s25] =	ssyncadd.s32 $0xFFFFD800  }
0xcd: {  	[tilespmem:s24], [sflag:$0x1] =	stream.linear.gather [spmem:s12], $0x2800, $0x38;
	[tilespmem:$0x6B80] =	vst v63  }
0xce: {  	_ =	swait.ge [sflag:s25], $0x2800  }
0xcf: {  	[sflag:s25] =	ssyncset.done $0x0  }
0xd0: {  	[sflag:s25] =	ssyncadd.s32 $0xFFFFD800  }
0xd1: {  	[hbm4b:s19+s3] =	stream.linear.scatter [tilespmem:s24], [sflag:$0x1], $0x2800, $0x38;
	[tilespmem:$0x6B80] =	vst v63  }
0xd2: {  	_ =	swait.ge [sflag:s25], $0x2800  }
0xd3: {  	[sflag:s25] =	ssyncset.done $0x0  }
0xd4: {  	[sflag:s25] =	ssyncadd.s32 $0xFFFFD800  }
0xd5: {  	[tilespmem:s24], [sflag:$0x1] =	stream.linear.gather [spmem:s13], $0x2800, $0x38;
	[tilespmem:$0x6B80] =	vst v63  }
0xd6: {  	_ =	swait.ge [sflag:s25], $0x2800  }
0xd7: {  	[sflag:s25] =	ssyncset.done $0x0  }
0xd8: {  	[sflag:s25] =	ssyncadd.s32 $0xFFFFD800  }
0xd9: {  	[hbm4b:s20+s3] =	stream.linear.scatter [tilespmem:s24], [sflag:$0x1], $0x2800, $0x38;
	[tilespmem:$0x6B80] =	vst v63  }
0xda: {  	_ =	swait.ge [sflag:s25], $0x2800  }
0xdb: {  	[sflag:s25] =	ssyncset.done $0x0  }
0xdc: {  	[sflag:s25] =	ssyncadd.s32 $0xFFFFD800  }
0xdd: {  	[tilespmem:s24], [sflag:$0x1] =	stream.linear.gather [spmem:s14], $0x2800, $0x38;
	[tilespmem:$0x6B80] =	vst v63  }
0xde: {  	_ =	swait.ge [sflag:s25], $0x2800  }
0xdf: {  	[sflag:s25] =	ssyncset.done $0x0  }
0xe0: {  	[sflag:s25] =	ssyncadd.s32 $0xFFFFD800  }
0xe1: {  	[hbm4b:s21+s3] =	stream.linear.scatter [tilespmem:s24], [sflag:$0x1], $0x2800, $0x38;
	[tilespmem:$0x6B80] =	vst v63  }
0xe2: {  	_ =	swait.ge [sflag:s25], $0x2800  }
0xe3: {  	[sflag:s25] =	ssyncset.done $0x0  }
0xe4: {  	[sflag:s25] =	ssyncadd.s32 $0xFFFFD800  }
0xe5: {  	[tilespmem:s24], [sflag:$0x1] =	stream.linear.gather [spmem:s15], $0x2800, $0x38;
	[tilespmem:$0x6B80] =	vst v63  }
0xe6: {  	_ =	swait.ge [sflag:s25], $0x2800  }
0xe7: {  	[sflag:s25] =	ssyncset.done $0x0  }
0xe8: {  	[sflag:s25] =	ssyncadd.s32 $0xFFFFD800  }
0xe9: {  	[hbm4b:s22+s3] =	stream.linear.scatter [tilespmem:s24], [sflag:$0x1], $0x2800, $0x38;
	[tilespmem:$0x6B80] =	vst v63  }
0xea: {  	_ =	swait.ge [sflag:s25], $0x2800  }
0xeb: {  	[sflag:s25] =	ssyncset.done $0x0  }
0xec: {  	[sflag:s25] =	ssyncadd.s32 $0xFFFFD800  }
0xed: {  	[tilespmem:s24], [sflag:$0x1] =	stream.linear.gather [spmem:s6], $0x2400, $0x38;
	[tilespmem:$0x6B80] =	vst v63  }
0xee: {  	_ =	swait.ge [sflag:s25], $0x2400  }
0xef: {  	[sflag:s25] =	ssyncset.done $0x0  }
0xf0: {  	s9 =	rddreg [dreg:$0x6];
	[sflag:s25] =	ssyncadd.s32 $0xFFFFDC00  }
0xf1: {  	[hbm4b:s9+s3] =	stream.linear.scatter [tilespmem:s24], [sflag:$0x1], $0x2400, $0x38;
	[tilespmem:$0x6B80] =	vst v63  }
0xf2: {  	_ =	swait.ge [sflag:s25], $0x2400  }
0xf3: {  	s4 =	sadd.s32 $0x1, s4;
	s16 =	rddreg [dreg:$0x7]  }
0xf4: {  	p0 =	sne.s32 s4, s16  }
.Ltmp1:
0xf5: {  	_ = 	snop;
	(pc) =	sbr.rel @p0 .LBB2_1-.Ltmp1, $3  }
0xf6: {  	_ =	sdelay $0x1  }
0xf7: {  	[sflag:s25] =	ssyncset.done $0x0  }
0xf8: {  	[sflag:s25] =	ssyncadd.s32 $0xFFFFDC00  }
0xf9: {  	_ =	sfence.sel $0x180000  }
0xfa: {  	[bflag:$0x0] =	sbarrier.arrive $0xFFFF  }
0xfb: {  	_ =	strace $0x9000004A  }
0xfc: {  	s0 =	stileid.u32;
	[bflag:$0x2] =	sbarrier.arrive $0xFFFF  }
0xfd: {  	p0 =	sne.s32 s0, $0x0;
	s0 =	rddreg [dreg:$0x3]  }
0xfe: {  	s0 =	sadd.s32 @!p0 $0x100000, s0  }
0xff: {  	[sflag:s0] =	ssyncadd.tile.s32 @!p0 $0x1;
	_ =	shalt  }
.Lfunc_end2:
_tile_overlayer_lowered:
.L_overlay_start_2:
0x100: {  	(tag) =	ssettag $0x2  }
0x101: {  	s0 =	rddreg [dreg:$0x0];
	s2 =	stileid.u32  }
0x102: {  	s1 =	rddreg [dreg:$0x1];
	p0 =	sne.s32 s2, $0x0  }
0x103: {  	s3 =	rddreg [dreg:$0x2];
	[bflag:$0x3] =	sbarrier.arrive $0xFFFF;
	s2 =	simm.s32 @!p0 $0x1C01  }
0x104: {  	[timem:s3], [sflag:s2] =	dma.local @!p0 [hbm:s0], s1  }
0x105: {  	s0 =	simm.s32 @!p0 $0x1  }
0x106: {  	_ =	swait.ge @!p0 [sflag:s0], s1  }
0x107: {  	s1 =	ssub.s32 @!p0 $0x0, s1;
	[sflag:s0] =	ssyncset.done @!p0 $0x0  }
0x108: {  	[sflag:s0] =	ssyncadd.s32 @!p0 s1  }
0x109: {  	[bflag:$0x3] =	sbarrier.arrive $0xFFFF  }
0x10a: {  	_ =	shalt  }

// kernel: kernel.13.cloned.1.call-start
scs
__scs_entry_jumppad:
0x0: {  	(pc) =	sbr.rel $0x88, $3  }
0x1: {  	(tag) =	ssettag $0x0;
	lr =	simm.s32 $0x1  }
0x2: {  	[smem:$0x3F99] =	sst lr;
	_ =	strace $0xD0000000  }
0x3: {  	_ = 	snop  }
0x4: {  	_ = 	snop  }
0x5: {  	_ = 	snop  }
0x6: {  	_ = 	snop  }
0x7: {  	_ = 	snop  }
__scs_overlays_trampoline_lowered:
0x8: {  	[smem:$0x3FA8] =	sst s0  }
0x9: {  	[smem:$0x3FA9] =	sst s1  }
0xa: {  	[smem:$0x3FAA] =	sst s2  }
0xb: {  	[smem:$0x3FAB] =	sst s3  }
0xc: {  	[smem:$0x3FAC] =	sst s4  }
0xd: {  	[smem:$0x3FAD] =	sst s5  }
0xe: {  	[smem:$0x3FAE] =	sst s6  }
0xf: {  	[smem:$0x3FAF] =	sst s7  }
0x10: {  	[smem:$0x3FB0] =	sst s8  }
0x11: {  	[smem:$0x3FB1] =	sst s9;
	s0 =	simm.s32 @!p0 $0x0  }
0x12: {  	s1 =	sld [smem:$0x3F97];
	s0 =	simm.s32 @p0 $0x1  }
0x13: {  	[smem:$0x3FB2] =	sst s0;
	s0 =	simm.s32 @!p1 $0x0  }
0x14: {  	s2 =	sld [smem:$0x3F96];
	s0 =	simm.s32 @p1 $0x1  }
0x15: {  	[smem:$0x3FB3] =	sst s0;
	s0 =	simm.s32 @!p2 $0x0  }
0x16: {  	s3 =	sld [smem:$0x3FDB];
	s0 =	simm.s32 @p2 $0x1  }
0x17: {  	s4 =	simm.s32 $0x1BF5;
	[smem:$0x3FB5] =	sst s0  }
0x18: {  	s0 =	sld [smem:$0x3F98];
	_ =	swait.ge [sflag:s4], $0x0  }
0x19: {  	s7 =	sld [smem:$0x3F99]  }
0x1a: {  	s8 =	sadd.s32 $0xFFFFE003, lr  }
0x1b: {  	s9 =	sadd.s32 $0xFFFFFEF7, lr;
	s5 =	simm.s32 $0xFFFFFFFF;
	p2 =	slt.u32 s8, $0xFFFFF086  }
0x1c: {  	p1 =	slt.u32 s9, $0xF7A;
	s5 =	simm.s32 @!p2 $0x0  }
0x1d: {  	s5 =	simm.s32 @p1 $0x1;
	p0 =	seq.s32 s7, s2  }
0x1e: {  	s7 =	smul.u32 @!p0 $0xF7A, s2;
	p2 =	seq.s32 @!p0 s5, $0x0  }
0x1f: {  	s9 =	smul.u32 $0xF7A, s1;
	s8 =	simm.s32 @!p0 $0x1BF5;
	p2 =	por !p2, p0  }
0x20: {  	[sflag:s8] =	ssyncset.s32 @!p0 $0xFFFFF086;
	s6 =	sadd.s32 @!p0 s3, s7;
	s7 =	simm.s32 @!p0 $0x108  }
0x21: {  	s3 =	sadd.s32 s3, s9;
	s6 =	sadd.s32 @!p0 $0x88, s6;
	s7 =	simm.s32 @p2 $0x1082  }
0x22: {  	[simem:s7], [sflag:s8] =	dma.local @!p0 [hbm:s6], $0xF7A  }
0x23: {  	s9 =	sor.u32 $0xD0000000, s2;
	s6 =	simm.s32 $0x108;
	_ =	swait.ge @!p0 [sflag:s8], $0x0  }
0x24: {  	s3 =	sadd.s32 $0x88, s3;
	s6 =	simm.s32 @!p1 $0x1082;
	[sflag:s4] =	ssyncset.s32 $0xFFFFF086  }
0x25: {  	[simem:s6], [sflag:s4] =	dma.local [hbm:s3], $0xF7A  }
0x26: {  	[smem:$0x3F99] =	sst s1;
	(tag) =	ssettag s2;
	_ =	strace s9  }
0x27: {  	s1 =	sld [smem:$0x3FA9]  }
0x28: {  	s2 =	sld [smem:$0x3FAA]  }
0x29: {  	s4 =	sld [smem:$0x3FAC]  }
0x2a: {  	p0 =	seq.s32 s5, $0x0;
	s5 =	sld [smem:$0x3FAD]  }
0x2b: {  	s6 =	sld [smem:$0x3FAE]  }
0x2c: {  	s7 =	sld [smem:$0x3FAF]  }
0x2d: {  	s3 =	simm.s32 $0x108;
	s8 =	sld [smem:$0x3FB0]  }
0x2e: {  	s3 =	simm.s32 @!p0 $0x1082;
	s9 =	sld [smem:$0x3FB1]  }
0x2f: {  	lr =	sadd.s32 s0, s3;
	s0 =	sld [smem:$0x3FA8]  }
0x30: {  	s3 =	sld [smem:$0x3FAB]  }
0x31: {  	[smem:$0x3FB4] =	sst s10  }
0x32: {  	s10 =	sld [smem:$0x3FB2];
	_ =	sdelay $0x3  }
0x33: {  	p0 =	seq.s32 s10, $0x1;
	s10 =	sld [smem:$0x3FB4];
	_ =	sdelay $0x3  }
0x34: {  	[smem:$0x3FB4] =	sst s10  }
0x35: {  	s10 =	sld [smem:$0x3FB3];
	_ =	sdelay $0x3  }
0x36: {  	p1 =	seq.s32 s10, $0x1;
	s10 =	sld [smem:$0x3FB4];
	_ =	sdelay $0x3  }
0x37: {  	[smem:$0x3FB4] =	sst s10  }
0x38: {  	s10 =	sld [smem:$0x3FB5]  }
0x39: {  	_ = 	snop;
	(pc) =	sbr.ind lr, $3  }
0x3a: {  	_ = 	snop  }
0x3b: {  	_ = 	snop  }
0x3c: {  	p2 =	seq.s32 s10, $0x1;
	s10 =	sld [smem:$0x3FB4]  }
0x3d: {  	_ =	shalt  }
0x3e: {  	_ =	shalt  }
0x3f: {  	_ =	shalt  }
0x40: {  	_ =	shalt  }
0x41: {  	_ =	shalt  }
0x42: {  	_ =	shalt  }
0x43: {  	_ =	shalt  }
0x44: {  	_ =	shalt  }
0x45: {  	_ =	shalt  }
0x46: {  	_ =	shalt  }
0x47: {  	_ =	shalt  }
0x48: {  	_ =	shalt  }
0x49: {  	_ =	shalt  }
0x4a: {  	_ =	shalt  }
0x4b: {  	_ =	shalt  }
0x4c: {  	_ =	shalt  }
0x4d: {  	_ =	shalt  }
0x4e: {  	_ =	shalt  }
0x4f: {  	_ =	shalt  }
0x50: {  	_ =	shalt  }
0x51: {  	_ =	shalt  }
0x52: {  	_ =	shalt  }
0x53: {  	_ =	shalt  }
0x54: {  	_ =	shalt  }
0x55: {  	_ =	shalt  }
0x56: {  	_ =	shalt  }
0x57: {  	_ =	shalt  }
0x58: {  	_ =	shalt  }
0x59: {  	_ =	shalt  }
0x5a: {  	_ =	shalt  }
0x5b: {  	_ =	shalt  }
0x5c: {  	_ =	shalt  }
0x5d: {  	_ =	shalt  }
0x5e: {  	_ =	shalt  }
0x5f: {  	_ =	shalt  }
0x60: {  	_ =	shalt  }
0x61: {  	_ =	shalt  }
0x62: {  	_ =	shalt  }
0x63: {  	_ =	shalt  }
0x64: {  	_ =	shalt  }
0x65: {  	_ =	shalt  }
0x66: {  	_ =	shalt  }
0x67: {  	_ =	shalt  }
0x68: {  	_ =	shalt  }
0x69: {  	_ =	shalt  }
0x6a: {  	_ =	shalt  }
0x6b: {  	_ =	shalt  }
0x6c: {  	_ =	shalt  }
0x6d: {  	_ =	shalt  }
0x6e: {  	_ =	shalt  }
0x6f: {  	_ =	shalt  }
0x70: {  	_ =	shalt  }
0x71: {  	_ =	shalt  }
0x72: {  	_ =	shalt  }
0x73: {  	_ =	shalt  }
0x74: {  	_ =	shalt  }
0x75: {  	_ =	shalt  }
0x76: {  	_ =	shalt  }
0x77: {  	_ =	shalt  }
0x78: {  	_ =	shalt  }
0x79: {  	_ =	shalt  }
0x7a: {  	_ =	shalt  }
0x7b: {  	_ =	shalt  }
0x7c: {  	_ =	shalt  }
0x7d: {  	_ =	shalt  }
0x7e: {  	_ =	shalt  }
0x7f: {  	_ =	shalt  }
0x80: {  	_ =	shalt  }
0x81: {  	_ =	shalt  }
0x82: {  	_ =	shalt  }
0x83: {  	_ =	shalt  }
0x84: {  	_ =	shalt  }
0x85: {  	_ =	shalt  }
0x86: {  	_ =	shalt  }
0x87: {  	_ =	shalt  }
.Lfunc_end0:
.L_simem_size_0:
called_computation.2_lowered:
.L_overlay_start_0:
0x88: {  	s2 =	sld [smem:$0x3FD9]  }
0x89: {  	s3 =	sld [smem:$0x3FFE];
	_ =	sdelay $0x1  }
0x8a: {  	s1 =	srdreg.scid  }
0x8b: {  	s0 =	sand.u32 $0x1, s1  }
0x8c: {  	s17 =	sshll.u32 s0, $0xA;
	s2 =	sadd.s32 s3, s2  }
0x8d: {  	s2 =	sadd.s32 s2, s17  }
0x8e: {  	[smem:$0x3FC0] =	sst s2  }
0x8f: {  	_ = 	snop  }
0x90: {  	s2 =	sld [smem:$0x3FD0];
	(tm) =	ssettm $0x1  }
0x91: {  	s18 =	sld [smem:$0x3FFB];
	_ =	sdelay $0x3  }
0x92: {  	_ =	strace s18  }
0x93: {  	s3 =	sld [smem:$0x3FFC];
	_ =	sdelay $0x3  }
0x94: {  	_ =	strace s3  }
0x95: {  	s3 =	sld [smem:$0x3FFD];
	_ =	sdelay $0x3  }
0x96: {  	_ =	strace s3  }
0x97: {  	_ =	strace $0x8FFFFFFF  }
0x98: {  	s19 =	sld [smem:$0x3FDB];
	_ =	sdelay $0x1  }
0x99: {  	s4 =	simm.s32 $_scs_section_size  }
0x9a: {  	s5 =	simm.s32 $_size__tile_overlayer_lowered;
	s6 =	simm.s32 $_tile_overlayer_lowered  }
0x9b: {  	s22 =	simm.s32 $0x1BFF;
	s21 =	sshll.u32 s6, $0x1;
	s3 =	sadd.s32 s4, s19  }
0x9c: {  	s7 =	simm.s32 $0x0;
	s20 =	sshll.u32 s5, $0x1;
	s5 =	sadd.s32 s21, s3  }
0x9d: {  	[timem:s7], [sflag:s22] =	dma.local [hbm:s5], s20  }
0x9e: {  	_ =	swait.ge [sflag:s22], s20  }
0x9f: {  	s4 =	ssub.s32 $0x0, s20;
	[sflag:s22] =	ssyncset.done $0x0  }
0xa0: {  	[sflag:s22] =	ssyncadd.s32 s4;
	_ =	sdelay $0x1  }
0xa1: {  	s23 =	simm.s32 $0x1B8B  }
0xa2: {  	_ =	swait.ge [sflag:s23], $0x1  }
0xa3: {  	[sflag:s23] =	ssyncset.done $0x0  }
0xa4: {  	s25 =	simm.s32 $0x1B8E;
	s24 =	sld [smem:$0x3FFE];
	[sflag:s23] =	ssyncadd.s32 $0xFFFFFFFF  }
0xa5: {  	s26 =	simm.s32 $execute0_lowered;
	[smem:$0x3FD2] =	sst s25  }
0xa6: {  	s5 =	sshll.u32 s26, $0x1;
	_ =	strace $0x8000004C;
	[dreg:$0x1] =	wrdreg $0xFFFFFFFF  }
0xa7: {  	s28 =	simm.s32 $_size_execute0_lowered;
	s3 =	sadd.s32 s3, s5;
	[dreg:$0x0] =	wrdreg $0x0  }
0xa8: {  	s5 =	sshll.u32 s28, $0x1;
	[dreg:$0x2] =	wrdreg s3  }
0xa9: {  	[dreg:$0x3] =	wrdreg s5  }
0xaa: {  	[dreg:$0x4] =	wrdreg $0xC0  }
0xab: {  	_ =	task [dreg:s7], $0x5FFFF  }
0xac: {  	[dreg:$0x1] =	wrdreg $0xFFFFFFFF  }
0xad: {  	[dreg:$0x0] =	wrdreg $0x60  }
0xae: {  	[dreg:$0x2] =	wrdreg s24  }
0xaf: {  	[dreg:$0x3] =	wrdreg s2  }
0xb0: {  	[dreg:$0x4] =	wrdreg $0x88000  }
0xb1: {  	[dreg:$0x5] =	wrdreg $0x9  }
0xb2: {  	_ =	task.clear_ibuf [dreg:s7], $0x6FFFF;
	_ =	strace $0x9000004C  }
0xb3: {  	s29 =	simm.s32 $0x9;
	_ =	strace $0x8000004E  }
0xb4: {  	_ =	swait.ge [sflag:s29], $0x1  }
0xb5: {  	[sflag:s29] =	ssyncadd.s32 $0xFFFFFFFF  }
0xb6: {  	_ =	strace $0x9000004E  }
0xb7: {  	_ =	sfence  }
0xb8: {  	s30 =	sld [smem:$0x0];
	_ =	sdelay $0x2  }
0xb9: {  	s31 =	sshll.u32 s1, $0xD;
	s1 =	sshrl.u32 s1, $0x2  }
0xba: {  	s3 =	sand.u32 $0x4000, s31;
	s1 =	sadd.s32 s1, s30  }
0xbb: {  	s0 =	sor.u32 s3, s0;
	s1 =	sshll.u32 s1, $0x11  }
0xbc: {  	s0 =	sor.u32 s1, s0  }
0xbd: {  	s0 =	sadd.s32 $0x8F2B, s0  }
0xbe: {  	[sflag:s0] =	ssyncadd.remote.s32 $0x1  }
0xbf: {  	_ =	sfence.sel $0xFFFF  }
0xc0: {  	[dreg:$0x0] =	wrdreg $0xFFFFFFFF;
	(pc) =	sbr.abs _section_cstart, $3  }
0xc1: {  	[dreg:$0x1] =	wrdreg $0xFFFFFFFF  }
0xc2: {  	_ =	task.clear_ibuf [dreg:s7], $0x2FFFF;
	_ =	strace $0x9FFFFFFF  }
0xc3: {  	(tm) =	ssettm $0x7FFFFFFF  }
tec
execute0_lowered:
.L_overlay_start_1:
0x0: {  	(tag) =	ssettag $0x1  }
0x1: {  	s0 =	rddreg [dreg:$0x0]  }
0x2: {  	s3 =	rddreg [dreg:$0x1]  }
0x3: {  	s1 =	rddreg [dreg:$0x2];
	s4 =	srdreg.scid;
	s2 =	simm.s32 $0x0  }
0x4: {  	s13 =	stileid.u32;
	s28 =	simm.s32 $0x1;
	s29 =	simm.s32 $0x4800  }
0x5: {  	s30 =	simm.s32 $0x2;
	s31 =	simm.s32 $0x480;
	s8 =	smul.u32 $0x13C00, s13  }
0x6: {  	s5 =	sand.u32 $0x1, s4;
	[smem:$0x7FF] =	sst s2;
	s12 =	smul.u32 $0x4F000, s13  }
0x7: {  	s4 =	sadd.s32 $0x2A00, s0;
	s9 =	sadd.s32 $0x34200, s0;
	s16 =	smul.u32 $0x500, s13  }
0x8: {  	s6 =	smul.u32 $0x5000, s5;
	_ =	strace $0x8000004D;
	s24 =	ssub.s32 $0x2, s5  }
0x9: {  	[dreg:$0x6] =	wrdreg s9;
	s5 =	smul.u32 $0x13C000, s5;
	s10 =	sshrl.u32 s24, $0x1  }
0xa: {  	s11 =	sadd.s32 $0x11800, s8;
	s26 =	sshrl.u32 s12, $0x2;
	s12 =	sadd.s32 $0x2800, s8  }
0xb: {  	s20 =	sadd.s32 $0x5000, s8;
	s14 =	sadd.s32 $0x7800, s8;
	s22 =	sadd.s32 $0xA000, s8  }
0xc: {  	s15 =	sadd.s32 $0xC800, s8;
	s7 =	sadd.s32 s6, s0;
	s0 =	sadd.s32 $0xAB000, s0  }
0xd: {  	s9 =	ssub.s32 s24, s10;
	s25 =	sadd.s32 s5, s11;
	s11 =	sadd.s32 s11, s1  }
0xe: {  	s17 =	sadd.s32 s26, s1;
	s18 =	sadd.s32 s12, s1;
	s19 =	sadd.s32 s20, s1  }
0xf: {  	s21 =	sadd.s32 s14, s1;
	s23 =	sadd.s32 s22, s1;
	s3 =	sadd.s32 s6, s3  }
0x10: {  	s24 =	sadd.s32 $0xF000, s8;
	s8 =	sadd.s32 s5, s8;
	[dreg:$0x7] =	wrdreg s11  }
0x11: {  	s26 =	sadd.s32 s5, s15;
	s10 =	sshrl.u32 s25, $0x3;
	[dreg:$0xd] =	wrdreg s21  }
0x12: {  	s9 =	smax.u32 s9, $0x1;
	s13 =	smov.u32 s18;
	[dreg:$0xe] =	wrdreg s23  }
0x13: {  	s3 =	sadd.s32 s16, s3;
	s6 =	sadd.s32 s16, s7;
	s25 =	sadd.s32 s5, s20  }
0x14: {  	s11 =	sadd.s32 s5, s14;
	s14 =	sadd.s32 s24, s1;
	s8 =	sshrl.u32 s8, $0x3  }
0x15: {  	s16 =	simm.s32 $0x580;
	s18 =	simm.s32 $0x600;
	s10 =	sadd.s32 s0, s10  }
0x16: {  	[dreg:$0xa] =	wrdreg s9;
	s9 =	sadd.s32 s5, s12;
	s12 =	sadd.s32 s5, s22  }
0x17: {  	s5 =	sadd.s32 s5, s24;
	s7 =	sadd.s32 s0, s8;
	s20 =	sshrl.u32 s25, $0x3  }
0x18: {  	s22 =	sshrl.u32 s11, $0x3;
	s24 =	sshrl.u32 s26, $0x3;
	[dreg:$0x4] =	wrdreg s3  }
0x19: {  	s26 =	sadd.s32 $0x2A200, s6;
	s3 =	simm.s32 $0x100;
	[dreg:$0xb] =	wrdreg s13  }
0x1a: {  	s6 =	simm.s32 $0x380;
	s8 =	simm.s32 $0x780;
	[dreg:$0x10] =	wrdreg s14  }
0x1b: {  	s11 =	simm.s32 $0x0;
	[dreg:$0x8] =	wrdreg s10;
	s10 =	sadd.s32 s15, s1  }
0x1c: {  	s15 =	smov.u32 s19;
	[dreg:$0x11] =	wrdreg s7;
	s19 =	sshrl.u32 s9, $0x3  }
0x1d: {  	s21 =	sadd.s32 s0, s20;
	s23 =	sshrl.u32 s12, $0x3;
	[dreg:$0x5] =	wrdreg s26  }
0x1e: {  	s12 =	smov.u32 s17;
	s25 =	sadd.s32 s0, s24;
	[dreg:$0x18] =	wrdreg s11  }
0x1f: {  	s5 =	sshrl.u32 s5, $0x3;
	s24 =	simm.s32 $0x5;
	[dreg:$0x13] =	wrdreg s21  }
0x20: {  	s26 =	simm.s32 $0x80;
	s9 =	simm.s32 $0x180;
	[dreg:$0x16] =	wrdreg s25  }
0x21: {  	s17 =	simm.s32 $0x200;
	s20 =	simm.s32 $0x680;
	[dreg:$0x9] =	wrdreg s12  }
0x22: {  	s7 =	sadd.s32 s0, s19;
	s25 =	simm.s32 $0x400;
	[dreg:$0xc] =	wrdreg s15  }
0x23: {  	s19 =	simm.s32 $0x280;
	s21 =	simm.s32 $0x300;
	[dreg:$0xf] =	wrdreg s10  }
0x24: {  	[dreg:$0x12] =	wrdreg s7;
	s7 =	sadd.s32 s0, s22;
	s22 =	simm.s32 $0x700  }
0x25: {  	[dreg:$0x14] =	wrdreg s7;
	s7 =	sadd.s32 s0, s23;
	s0 =	sadd.s32 s0, s5  }
0x26: {  	s23 =	simm.s32 $0x800;
	s5 =	simm.s32 $0x500;
	[dreg:$0x15] =	wrdreg s7  }
0x27: {  	[dreg:$0x17] =	wrdreg s0;
	s0 =	simm.s32 $0x3;
	s7 =	simm.s32 $0x4  }
.LBB2_1:
0x28: {  	s11 =	rddreg [dreg:$0x6]  }
0x29: {  	[tilespmem:s23], [sflag:$0x5] =	stream.linear.gather [hbm4b:s11+s2], $0x2800, $0x38;
	[tilespmem:$0x1C400] =	vst v63  }
0x2a: {  	_ =	swait.ge [sflag:s24], $0x2800  }
0x2b: {  	[sflag:s24] =	ssyncset.done $0x0  }
0x2c: {  	[sflag:s24] =	ssyncadd.s32 $0xFFFFD800  }
0x2d: {  	[spmem:s12] =	stream.linear.scatter [tilespmem:s23], [sflag:$0x5], $0x2800, $0x38;
	[tilespmem:$0x1C400] =	vst v63  }
0x2e: {  	_ =	swait.ge [sflag:s24], $0x2800  }
0x2f: {  	[sflag:s24] =	ssyncset.done $0x0  }
0x30: {  	[sflag:s24] =	ssyncadd.s32 $0xFFFFD800  }
0x31: {  	[spmem:s13] =	stream.linear.scatter [tilespmem:s23], [sflag:$0x5], $0x2800, $0x38;
	[tilespmem:$0x1C400] =	vst v63  }
0x32: {  	_ =	swait.ge [sflag:s24], $0x2800  }
0x33: {  	[sflag:s24] =	ssyncset.done $0x0  }
0x34: {  	[sflag:s24] =	ssyncadd.s32 $0xFFFFD800  }
0x35: {  	[spmem:s15] =	stream.linear.scatter [tilespmem:s23], [sflag:$0x5], $0x2800, $0x38;
	[tilespmem:$0x1C400] =	vst v63  }
0x36: {  	_ =	swait.ge [sflag:s24], $0x2800  }
0x37: {  	[sflag:s24] =	ssyncset.done $0x0  }
0x38: {  	s13 =	rddreg [dreg:$0xd];
	[sflag:s24] =	ssyncadd.s32 $0xFFFFD800  }
0x39: {  	[spmem:s13] =	stream.linear.scatter [tilespmem:s23], [sflag:$0x5], $0x2800, $0x38;
	[tilespmem:$0x1C400] =	vst v63  }
0x3a: {  	_ =	swait.ge [sflag:s24], $0x2800  }
0x3b: {  	[sflag:s24] =	ssyncset.done $0x0  }
0x3c: {  	s15 =	rddreg [dreg:$0xe];
	[sflag:s24] =	ssyncadd.s32 $0xFFFFD800  }
0x3d: {  	[spmem:s15] =	stream.linear.scatter [tilespmem:s23], [sflag:$0x5], $0x2800, $0x38;
	[tilespmem:$0x1C400] =	vst v63  }
0x3e: {  	_ =	swait.ge [sflag:s24], $0x2800  }
0x3f: {  	[sflag:s24] =	ssyncset.done $0x0  }
0x40: {  	[sflag:s24] =	ssyncadd.s32 $0xFFFFD800  }
0x41: {  	[spmem:s10] =	stream.linear.scatter [tilespmem:s23], [sflag:$0x5], $0x2800, $0x38;
	[tilespmem:$0x1C400] =	vst v63  }
0x42: {  	_ =	swait.ge [sflag:s24], $0x2800  }
0x43: {  	[sflag:s24] =	ssyncset.done $0x0  }
0x44: {  	[sflag:s24] =	ssyncadd.s32 $0xFFFFD800  }
0x45: {  	[spmem:s14] =	stream.linear.scatter [tilespmem:s23], [sflag:$0x5], $0x2800, $0x38;
	[tilespmem:$0x1C400] =	vst v63  }
0x46: {  	_ =	swait.ge [sflag:s24], $0x2800  }
0x47: {  	[sflag:s24] =	ssyncset.done $0x0  }
0x48: {  	s12 =	rddreg [dreg:$0x7];
	[sflag:s24] =	ssyncadd.s32 $0xFFFFD800  }
0x49: {  	[spmem:s12] =	stream.linear.scatter [tilespmem:s23], [sflag:$0x5], $0x2400, $0x38;
	[tilespmem:$0x1C400] =	vst v63  }
0x4a: {  	_ =	swait.ge [sflag:s24], $0x2400  }
0x4b: {  	[sflag:s24] =	ssyncset.done $0x0  }
0x4c: {  	p0 =	por $0x1, $0x1;
	[sflag:s24] =	ssyncadd.s32 $0xFFFFDC00  }
0x4d: {  	s11 =	simm.s32 @!p0 $0x3;
	[bflag:$0x0] =	sbarrier.arrive $0xFFFF  }
0x4e: {  	_ =	swait.ge @!p0 [sflag:s11], $0x4000  }
0x4f: {  	[sflag:s11] =	ssyncset.done @!p0 $0x0  }
0x50: {  	[sflag:s11] =	ssyncadd.s32 @!p0 $0xFFFFC000;
	s11 =	simm.s32 @!p0 $0x4  }
0x51: {  	_ =	swait.ge @!p0 [sflag:s11], $0x4000  }
0x52: {  	s13 =	rddreg [dreg:$0x5];
	[sflag:s11] =	ssyncset.done @!p0 $0x0  }
0x53: {  	[sflag:s11] =	ssyncadd.s32 @!p0 $0xFFFFC000;
	s14 =	sadd.s32 $0x0, s13  }
0x54: {  	[tilespmem:s2], [sflag:$0x5] =	stream.linear.gather [hbm4b:s14+s2], $0x400, $0x38;
	[tilespmem:$0x1C400] =	vst v63  }
0x55: {  	_ =	swait.ge [sflag:s24], $0x400  }
0x56: {  	s15 =	rddreg [dreg:$0x4];
	[sflag:s24] =	ssyncset.done $0x0  }
0x57: {  	[sflag:s24] =	ssyncadd.s32 $0xFFFFFC00;
	s11 =	sadd.s32 $0x0, s15  }
0x58: {  	[tilespmem:s25], [sflag:$0x5] =	stream.linear.gather [hbm4b:s11+s2], $0x400, $0x38;
	[tilespmem:$0x1C400] =	vst v63  }
0x59: {  	_ =	swait.ge [sflag:s24], $0x400  }
0x5a: {  	[sflag:s24] =	ssyncset.done $0x0  }
0x5b: {  	[sflag:s24] =	ssyncadd.s32 $0xFFFFFC00  }
0x5c: {  	[tilespmem:s23], [sflag:$0x1] =	stream.indirect.gather [hbm4b:s4+s26], $0x80, s2, s26, $0xb8;
	[tilespmem:$0x1C400] =	vst v63  }
0x5d: {  	_ =	swait.ge [sflag:s28], $0x4000  }
0x5e: {  	[sflag:s28] =	ssyncset.done $0x0  }
0x5f: {  	[sflag:s28] =	ssyncadd.s32 $0xFFFFC000  }
0x60: {  	[spmem:s1] =	stream.indirect.scatter.add.f32 [tilespmem:s23], [sflag:$0x3], $0x80, s25, s26, $0xb8;
	[tilespmem:$0x1C400] =	vst v63  }
0x61: {  	_ = 	snop  }
0x62: {  	[tilespmem:s29], [sflag:$0x2] =	stream.indirect.gather [hbm4b:s4+s26], $0x80, s26, s26, $0xb8;
	[tilespmem:$0x1C400] =	vst v63  }
0x63: {  	_ =	swait.ge [sflag:s30], $0x4000  }
0x64: {  	[sflag:s30] =	ssyncset.done $0x0  }
0x65: {  	[sflag:s30] =	ssyncadd.s32 $0xFFFFC000  }
0x66: {  	[spmem:s1] =	stream.indirect.scatter.add.f32 [tilespmem:s29], [sflag:$0x4], $0x80, s31, s26, $0xb8;
	[tilespmem:$0x1C400] =	vst v63  }
0x67: {  	_ =	swait.ge [sflag:s0], $0x4000  }
0x68: {  	[sflag:s0] =	ssyncset.done $0x0  }
0x69: {  	[sflag:s0] =	ssyncadd.s32 $0xFFFFC000  }
0x6a: {  	[tilespmem:s23], [sflag:$0x1] =	stream.indirect.gather [hbm4b:s4+s26], $0x80, s3, s26, $0xb8;
	[tilespmem:$0x1C400] =	vst v63  }
0x6b: {  	_ =	swait.ge [sflag:s28], $0x4000  }
0x6c: {  	[sflag:s28] =	ssyncset.done $0x0  }
0x6d: {  	[sflag:s28] =	ssyncadd.s32 $0xFFFFC000  }
0x6e: {  	[spmem:s1] =	stream.indirect.scatter.add.f32 [tilespmem:s23], [sflag:$0x3], $0x80, s5, s26, $0xb8;
	[tilespmem:$0x1C400] =	vst v63  }
0x6f: {  	_ =	swait.ge [sflag:s7], $0x4000  }
0x70: {  	[sflag:s7] =	ssyncset.done $0x0  }
0x71: {  	[sflag:s7] =	ssyncadd.s32 $0xFFFFC000  }
0x72: {  	[tilespmem:s29], [sflag:$0x2] =	stream.indirect.gather [hbm4b:s4+s26], $0x80, s9, s26, $0xb8;
	[tilespmem:$0x1C400] =	vst v63  }
0x73: {  	_ =	swait.ge [sflag:s30], $0x4000  }
0x74: {  	[sflag:s30] =	ssyncset.done $0x0  }
0x75: {  	[sflag:s30] =	ssyncadd.s32 $0xFFFFC000  }
0x76: {  	[spmem:s1] =	stream.indirect.scatter.add.f32 [tilespmem:s29], [sflag:$0x4], $0x80, s16, s26, $0xb8;
	[tilespmem:$0x1C400] =	vst v63  }
0x77: {  	_ =	swait.ge [sflag:s0], $0x4000  }
0x78: {  	[sflag:s0] =	ssyncset.done $0x0  }
0x79: {  	[sflag:s0] =	ssyncadd.s32 $0xFFFFC000  }
0x7a: {  	[tilespmem:s23], [sflag:$0x1] =	stream.indirect.gather [hbm4b:s4+s26], $0x80, s17, s26, $0xb8;
	[tilespmem:$0x1C400] =	vst v63  }
0x7b: {  	_ =	swait.ge [sflag:s28], $0x4000  }
0x7c: {  	[sflag:s28] =	ssyncset.done $0x0  }
0x7d: {  	[sflag:s28] =	ssyncadd.s32 $0xFFFFC000  }
0x7e: {  	[spmem:s1] =	stream.indirect.scatter.add.f32 [tilespmem:s23], [sflag:$0x3], $0x80, s18, s26, $0xb8;
	[tilespmem:$0x1C400] =	vst v63  }
0x7f: {  	_ =	swait.ge [sflag:s7], $0x4000  }
0x80: {  	[sflag:s7] =	ssyncset.done $0x0  }
0x81: {  	[sflag:s7] =	ssyncadd.s32 $0xFFFFC000  }
0x82: {  	[tilespmem:s29], [sflag:$0x2] =	stream.indirect.gather [hbm4b:s4+s26], $0x80, s19, s26, $0xb8;
	[tilespmem:$0x1C400] =	vst v63  }
0x83: {  	_ =	swait.ge [sflag:s30], $0x4000  }
0x84: {  	[sflag:s30] =	ssyncset.done $0x0  }
0x85: {  	[sflag:s30] =	ssyncadd.s32 $0xFFFFC000  }
0x86: {  	[spmem:s1] =	stream.indirect.scatter.add.f32 [tilespmem:s29], [sflag:$0x4], $0x80, s20, s26, $0xb8;
	[tilespmem:$0x1C400] =	vst v63  }
0x87: {  	_ =	swait.ge [sflag:s0], $0x4000  }
0x88: {  	[sflag:s0] =	ssyncset.done $0x0  }
0x89: {  	[sflag:s0] =	ssyncadd.s32 $0xFFFFC000  }
0x8a: {  	[tilespmem:s23], [sflag:$0x1] =	stream.indirect.gather [hbm4b:s4+s26], $0x80, s21, s26, $0xb8;
	[tilespmem:$0x1C400] =	vst v63  }
0x8b: {  	_ =	swait.ge [sflag:s28], $0x4000  }
0x8c: {  	[sflag:s28] =	ssyncset.done $0x0  }
0x8d: {  	[sflag:s28] =	ssyncadd.s32 $0xFFFFC000  }
0x8e: {  	[spmem:s1] =	stream.indirect.scatter.add.f32 [tilespmem:s23], [sflag:$0x3], $0x80, s22, s26, $0xb8;
	[tilespmem:$0x1C400] =	vst v63  }
0x8f: {  	_ =	swait.ge [sflag:s7], $0x4000  }
0x90: {  	[sflag:s7] =	ssyncset.done $0x0  }
0x91: {  	[sflag:s7] =	ssyncadd.s32 $0xFFFFC000  }
0x92: {  	[tilespmem:s29], [sflag:$0x2] =	stream.indirect.gather [hbm4b:s4+s26], $0x80, s6, s26, $0xb8;
	[tilespmem:$0x1C400] =	vst v63  }
0x93: {  	p1 =	por $0x0, $0x0;
	_ =	swait.ge [sflag:s30], $0x4000  }
0x94: {  	s12 =	simm.s32 $0x100;
	s11 =	simm.s32 $0x80;
	[sflag:s30] =	ssyncset.done $0x0  }
.LBB2_2:
0x95: {  	s13 =	simm.s32 @!p1 $0x3;
	[sflag:s30] =	ssyncadd.s32 $0xFFFFC000  }
0x96: {  	[spmem:s1] =	stream.indirect.scatter.add.f32 [tilespmem:s29], [sflag:$0x4], $0x80, s8, s26, $0xb8;
	[tilespmem:$0x1C400] =	vst v63  }
0x97: {  	_ =	swait.ge @!p1 [sflag:s13], $0x4000  }
0x98: {  	[sflag:s13] =	ssyncset.done @!p1 $0x0  }
0x99: {  	[sflag:s13] =	ssyncadd.s32 @!p1 $0xFFFFC000;
	s13 =	simm.s32 @!p1 $0x4  }
0x9a: {  	_ =	swait.ge @!p1 [sflag:s13], $0x4000  }
0x9b: {  	[sflag:s13] =	ssyncset.done @!p1 $0x0;
	s15 =	rddreg [dreg:$0x5]  }
0x9c: {  	[sflag:s13] =	ssyncadd.s32 @!p1 $0xFFFFC000;
	s10 =	sadd.s32 s11, s15  }
0x9d: {  	[tilespmem:s2], [sflag:$0x5] =	stream.linear.gather [hbm4b:s10+s2], $0x400, $0x38;
	[tilespmem:$0x1C400] =	vst v63  }
0x9e: {  	_ =	swait.ge [sflag:s24], $0x400  }
0x9f: {  	s15 =	rddreg [dreg:$0x4];
	[sflag:s24] =	ssyncset.done $0x0  }
0xa0: {  	[sflag:s24] =	ssyncadd.s32 $0xFFFFFC00;
	s13 =	sadd.s32 s11, s15  }
0xa1: {  	[tilespmem:s25], [sflag:$0x5] =	stream.linear.gather [hbm4b:s13+s2], $0x400, $0x38;
	[tilespmem:$0x1C400] =	vst v63  }
0xa2: {  	_ =	swait.ge [sflag:s24], $0x400  }
0xa3: {  	[sflag:s24] =	ssyncset.done $0x0  }
0xa4: {  	[sflag:s24] =	ssyncadd.s32 $0xFFFFFC00  }
0xa5: {  	[tilespmem:s23], [sflag:$0x1] =	stream.indirect.gather [hbm4b:s4+s26], $0x80, s2, s26, $0xb8;
	[tilespmem:$0x1C400] =	vst v63  }
0xa6: {  	_ =	swait.ge [sflag:s28], $0x4000  }
0xa7: {  	[sflag:s28] =	ssyncset.done $0x0  }
0xa8: {  	[sflag:s28] =	ssyncadd.s32 $0xFFFFC000  }
0xa9: {  	[spmem:s1] =	stream.indirect.scatter.add.f32 [tilespmem:s23], [sflag:$0x3], $0x80, s25, s26, $0xb8;
	[tilespmem:$0x1C400] =	vst v63  }
0xaa: {  	_ = 	snop  }
0xab: {  	[tilespmem:s29], [sflag:$0x2] =	stream.indirect.gather [hbm4b:s4+s26], $0x80, s26, s26, $0xb8;
	[tilespmem:$0x1C400] =	vst v63  }
0xac: {  	_ =	swait.ge [sflag:s30], $0x4000  }
0xad: {  	[sflag:s30] =	ssyncset.done $0x0  }
0xae: {  	[sflag:s30] =	ssyncadd.s32 $0xFFFFC000  }
0xaf: {  	[spmem:s1] =	stream.indirect.scatter.add.f32 [tilespmem:s29], [sflag:$0x4], $0x80, s31, s26, $0xb8;
	[tilespmem:$0x1C400] =	vst v63  }
0xb0: {  	_ =	swait.ge [sflag:s0], $0x4000  }
0xb1: {  	[sflag:s0] =	ssyncset.done $0x0  }
0xb2: {  	[sflag:s0] =	ssyncadd.s32 $0xFFFFC000  }
0xb3: {  	[tilespmem:s23], [sflag:$0x1] =	stream.indirect.gather [hbm4b:s4+s26], $0x80, s3, s26, $0xb8;
	[tilespmem:$0x1C400] =	vst v63  }
0xb4: {  	_ =	swait.ge [sflag:s28], $0x4000  }
0xb5: {  	[sflag:s28] =	ssyncset.done $0x0  }
0xb6: {  	[sflag:s28] =	ssyncadd.s32 $0xFFFFC000  }
0xb7: {  	[spmem:s1] =	stream.indirect.scatter.add.f32 [tilespmem:s23], [sflag:$0x3], $0x80, s5, s26, $0xb8;
	[tilespmem:$0x1C400] =	vst v63  }
0xb8: {  	_ =	swait.ge [sflag:s7], $0x4000  }
0xb9: {  	[sflag:s7] =	ssyncset.done $0x0  }
0xba: {  	[sflag:s7] =	ssyncadd.s32 $0xFFFFC000  }
0xbb: {  	[tilespmem:s29], [sflag:$0x2] =	stream.indirect.gather [hbm4b:s4+s26], $0x80, s9, s26, $0xb8;
	[tilespmem:$0x1C400] =	vst v63  }
0xbc: {  	_ =	swait.ge [sflag:s30], $0x4000  }
0xbd: {  	[sflag:s30] =	ssyncset.done $0x0  }
0xbe: {  	[sflag:s30] =	ssyncadd.s32 $0xFFFFC000  }
0xbf: {  	[spmem:s1] =	stream.indirect.scatter.add.f32 [tilespmem:s29], [sflag:$0x4], $0x80, s16, s26, $0xb8;
	[tilespmem:$0x1C400] =	vst v63  }
0xc0: {  	_ =	swait.ge [sflag:s0], $0x4000  }
0xc1: {  	[sflag:s0] =	ssyncset.done $0x0  }
0xc2: {  	[sflag:s0] =	ssyncadd.s32 $0xFFFFC000  }
0xc3: {  	[tilespmem:s23], [sflag:$0x1] =	stream.indirect.gather [hbm4b:s4+s26], $0x80, s17, s26, $0xb8;
	[tilespmem:$0x1C400] =	vst v63  }
0xc4: {  	_ =	swait.ge [sflag:s28], $0x4000  }
0xc5: {  	[sflag:s28] =	ssyncset.done $0x0  }
0xc6: {  	[sflag:s28] =	ssyncadd.s32 $0xFFFFC000  }
0xc7: {  	[spmem:s1] =	stream.indirect.scatter.add.f32 [tilespmem:s23], [sflag:$0x3], $0x80, s18, s26, $0xb8;
	[tilespmem:$0x1C400] =	vst v63  }
0xc8: {  	_ =	swait.ge [sflag:s7], $0x4000  }
0xc9: {  	[sflag:s7] =	ssyncset.done $0x0  }
0xca: {  	[sflag:s7] =	ssyncadd.s32 $0xFFFFC000  }
0xcb: {  	[tilespmem:s29], [sflag:$0x2] =	stream.indirect.gather [hbm4b:s4+s26], $0x80, s19, s26, $0xb8;
	[tilespmem:$0x1C400] =	vst v63  }
0xcc: {  	_ =	swait.ge [sflag:s30], $0x4000  }
0xcd: {  	[sflag:s30] =	ssyncset.done $0x0  }
0xce: {  	[sflag:s30] =	ssyncadd.s32 $0xFFFFC000  }
0xcf: {  	[spmem:s1] =	stream.indirect.scatter.add.f32 [tilespmem:s29], [sflag:$0x4], $0x80, s20, s26, $0xb8;
	[tilespmem:$0x1C400] =	vst v63  }
0xd0: {  	_ =	swait.ge [sflag:s0], $0x4000  }
0xd1: {  	[sflag:s0] =	ssyncset.done $0x0  }
0xd2: {  	[sflag:s0] =	ssyncadd.s32 $0xFFFFC000  }
0xd3: {  	[tilespmem:s23], [sflag:$0x1] =	stream.indirect.gather [hbm4b:s4+s26], $0x80, s21, s26, $0xb8;
	[tilespmem:$0x1C400] =	vst v63  }
0xd4: {  	_ =	swait.ge [sflag:s28], $0x4000  }
0xd5: {  	[sflag:s28] =	ssyncset.done $0x0  }
0xd6: {  	s14 =	smov.u32 s12;
	s12 =	sadd.s32 $0x80, s12;
	[sflag:s28] =	ssyncadd.s32 $0xFFFFC000  }
0xd7: {  	[spmem:s1] =	stream.indirect.scatter.add.f32 [tilespmem:s23], [sflag:$0x3], $0x80, s22, s26, $0xb8;
	[tilespmem:$0x1C400] =	vst v63  }
0xd8: {  	p0 =	sne.s32 s12, $0x500;
	_ =	swait.ge [sflag:s7], $0x4000  }
.Ltmp0:
0xd9: {  	[sflag:s7] =	ssyncset.done $0x0;
	(pc) =	sbr.rel @p0 .LBB2_2-.Ltmp0, $4  }
0xda: {  	[sflag:s7] =	ssyncadd.s32 $0xFFFFC000  }
0xdb: {  	[tilespmem:s29], [sflag:$0x2] =	stream.indirect.gather [hbm4b:s4+s26], $0x80, s6, s26, $0xb8;
	[tilespmem:$0x1C400] =	vst v63  }
0xdc: {  	s11 =	smov.u32 s14;
	_ =	swait.ge [sflag:s30], $0x4000  }
0xdd: {  	p1 =	seq.s32 s11, $0x0;
	[sflag:s30] =	ssyncset.done $0x0  }
0xde: {  	s12 =	simm.s32 @!p1 $0x3;
	[sflag:s30] =	ssyncadd.s32 $0xFFFFC000  }
0xdf: {  	[spmem:s1] =	stream.indirect.scatter.add.f32 [tilespmem:s29], [sflag:$0x4], $0x80, s8, s26, $0xb8;
	[tilespmem:$0x1C400] =	vst v63  }
0xe0: {  	_ =	swait.ge @!p1 [sflag:s12], $0x4000  }
0xe1: {  	[sflag:s12] =	ssyncset.done @!p1 $0x0  }
0xe2: {  	[sflag:s12] =	ssyncadd.s32 @!p1 $0xFFFFC000;
	s12 =	simm.s32 @!p1 $0x4  }
0xe3: {  	_ =	swait.ge @!p1 [sflag:s12], $0x4000  }
0xe4: {  	s13 =	rddreg [dreg:$0x5];
	[sflag:s12] =	ssyncset.done @!p1 $0x0  }
0xe5: {  	[sflag:s12] =	ssyncadd.s32 @!p1 $0xFFFFC000;
	s15 =	sadd.s32 s11, s13  }
0xe6: {  	[tilespmem:s2], [sflag:$0x5] =	stream.linear.gather [hbm4b:s15+s2], $0x400, $0x38;
	[tilespmem:$0x1C400] =	vst v63  }
0xe7: {  	_ =	swait.ge [sflag:s24], $0x400  }
0xe8: {  	s10 =	rddreg [dreg:$0x4];
	[sflag:s24] =	ssyncset.done $0x0  }
0xe9: {  	s13 =	sadd.s32 s11, s10;
	[sflag:s24] =	ssyncadd.s32 $0xFFFFFC00  }
0xea: {  	[tilespmem:s25], [sflag:$0x5] =	stream.linear.gather [hbm4b:s13+s2], $0x400, $0x38;
	[tilespmem:$0x1C400] =	vst v63  }
0xeb: {  	_ =	swait.ge [sflag:s24], $0x400  }
0xec: {  	[sflag:s24] =	ssyncset.done $0x0  }
0xed: {  	[sflag:s24] =	ssyncadd.s32 $0xFFFFFC00  }
0xee: {  	[tilespmem:s23], [sflag:$0x1] =	stream.indirect.gather [hbm4b:s4+s26], $0x80, s2, s26, $0xb8;
	[tilespmem:$0x1C400] =	vst v63  }
0xef: {  	_ =	swait.ge [sflag:s28], $0x4000  }
0xf0: {  	[sflag:s28] =	ssyncset.done $0x0  }
0xf1: {  	[sflag:s28] =	ssyncadd.s32 $0xFFFFC000  }
0xf2: {  	[spmem:s1] =	stream.indirect.scatter.add.f32 [tilespmem:s23], [sflag:$0x3], $0x80, s25, s26, $0xb8;
	[tilespmem:$0x1C400] =	vst v63  }
0xf3: {  	_ = 	snop  }
0xf4: {  	[tilespmem:s29], [sflag:$0x2] =	stream.indirect.gather [hbm4b:s4+s26], $0x80, s26, s26, $0xb8;
	[tilespmem:$0x1C400] =	vst v63  }
0xf5: {  	_ =	swait.ge [sflag:s30], $0x4000  }
0xf6: {  	[sflag:s30] =	ssyncset.done $0x0  }
0xf7: {  	[sflag:s30] =	ssyncadd.s32 $0xFFFFC000  }
0xf8: {  	[spmem:s1] =	stream.indirect.scatter.add.f32 [tilespmem:s29], [sflag:$0x4], $0x80, s31, s26, $0xb8;
	[tilespmem:$0x1C400] =	vst v63  }
0xf9: {  	_ =	swait.ge [sflag:s0], $0x4000  }
0xfa: {  	[sflag:s0] =	ssyncset.done $0x0  }
0xfb: {  	[sflag:s0] =	ssyncadd.s32 $0xFFFFC000  }
0xfc: {  	[tilespmem:s23], [sflag:$0x1] =	stream.indirect.gather [hbm4b:s4+s26], $0x80, s3, s26, $0xb8;
	[tilespmem:$0x1C400] =	vst v63  }
0xfd: {  	_ =	swait.ge [sflag:s28], $0x4000  }
0xfe: {  	[sflag:s28] =	ssyncset.done $0x0  }
0xff: {  	[sflag:s28] =	ssyncadd.s32 $0xFFFFC000  }
0x100: {  	[spmem:s1] =	stream.indirect.scatter.add.f32 [tilespmem:s23], [sflag:$0x3], $0x80, s5, s26, $0xb8;
	[tilespmem:$0x1C400] =	vst v63  }
0x101: {  	_ =	swait.ge [sflag:s7], $0x4000  }
0x102: {  	[sflag:s7] =	ssyncset.done $0x0  }
0x103: {  	[sflag:s7] =	ssyncadd.s32 $0xFFFFC000  }
0x104: {  	[tilespmem:s29], [sflag:$0x2] =	stream.indirect.gather [hbm4b:s4+s26], $0x80, s9, s26, $0xb8;
	[tilespmem:$0x1C400] =	vst v63  }
0x105: {  	_ =	swait.ge [sflag:s30], $0x4000  }
0x106: {  	[sflag:s30] =	ssyncset.done $0x0  }
0x107: {  	[sflag:s30] =	ssyncadd.s32 $0xFFFFC000  }
0x108: {  	[spmem:s1] =	stream.indirect.scatter.add.f32 [tilespmem:s29], [sflag:$0x4], $0x80, s16, s26, $0xb8;
	[tilespmem:$0x1C400] =	vst v63  }
0x109: {  	_ =	swait.ge [sflag:s0], $0x4000  }
0x10a: {  	[sflag:s0] =	ssyncset.done $0x0  }
0x10b: {  	[sflag:s0] =	ssyncadd.s32 $0xFFFFC000  }
0x10c: {  	[tilespmem:s23], [sflag:$0x1] =	stream.indirect.gather [hbm4b:s4+s26], $0x80, s17, s26, $0xb8;
	[tilespmem:$0x1C400] =	vst v63  }
0x10d: {  	_ =	swait.ge [sflag:s28], $0x4000  }
0x10e: {  	[sflag:s28] =	ssyncset.done $0x0  }
0x10f: {  	[sflag:s28] =	ssyncadd.s32 $0xFFFFC000  }
0x110: {  	[spmem:s1] =	stream.indirect.scatter.add.f32 [tilespmem:s23], [sflag:$0x3], $0x80, s18, s26, $0xb8;
	[tilespmem:$0x1C400] =	vst v63  }
0x111: {  	_ =	swait.ge [sflag:s7], $0x4000  }
0x112: {  	[sflag:s7] =	ssyncset.done $0x0  }
0x113: {  	[sflag:s7] =	ssyncadd.s32 $0xFFFFC000  }
0x114: {  	[tilespmem:s29], [sflag:$0x2] =	stream.indirect.gather [hbm4b:s4+s26], $0x80, s19, s26, $0xb8;
	[tilespmem:$0x1C400] =	vst v63  }
0x115: {  	_ =	swait.ge [sflag:s30], $0x4000  }
0x116: {  	[sflag:s30] =	ssyncset.done $0x0  }
0x117: {  	[sflag:s30] =	ssyncadd.s32 $0xFFFFC000  }
0x118: {  	[spmem:s1] =	stream.indirect.scatter.add.f32 [tilespmem:s29], [sflag:$0x4], $0x80, s20, s26, $0xb8;
	[tilespmem:$0x1C400] =	vst v63  }
0x119: {  	_ =	swait.ge [sflag:s0], $0x4000  }
0x11a: {  	[sflag:s0] =	ssyncset.done $0x0  }
0x11b: {  	[sflag:s0] =	ssyncadd.s32 $0xFFFFC000  }
0x11c: {  	[tilespmem:s23], [sflag:$0x1] =	stream.indirect.gather [hbm4b:s4+s26], $0x80, s21, s26, $0xb8;
	[tilespmem:$0x1C400] =	vst v63  }
0x11d: {  	_ =	swait.ge [sflag:s28], $0x4000  }
0x11e: {  	[sflag:s28] =	ssyncset.done $0x0  }
0x11f: {  	[sflag:s28] =	ssyncadd.s32 $0xFFFFC000  }
0x120: {  	[spmem:s1] =	stream.indirect.scatter.add.f32 [tilespmem:s23], [sflag:$0x3], $0x80, s22, s26, $0xb8;
	[tilespmem:$0x1C400] =	vst v63  }
0x121: {  	_ =	swait.ge [sflag:s7], $0x4000  }
0x122: {  	[sflag:s7] =	ssyncset.done $0x0  }
0x123: {  	[sflag:s7] =	ssyncadd.s32 $0xFFFFC000  }
0x124: {  	[tilespmem:s29], [sflag:$0x2] =	stream.indirect.gather [hbm4b:s4+s26], $0x80, s6, s26, $0xb8;
	[tilespmem:$0x1C400] =	vst v63  }
0x125: {  	_ =	swait.ge [sflag:s30], $0x4000  }
0x126: {  	[sflag:s30] =	ssyncset.done $0x0  }
0x127: {  	[sflag:s30] =	ssyncadd.s32 $0xFFFFC000  }
0x128: {  	[spmem:s1] =	stream.indirect.scatter.add.f32 [tilespmem:s29], [sflag:$0x4], $0x80, s8, s26, $0xb8;
	[tilespmem:$0x1C400] =	vst v63  }
0x129: {  	_ =	swait.ge [sflag:s0], $0x4000  }
0x12a: {  	[sflag:s0] =	ssyncset.done $0x0  }
0x12b: {  	[sflag:s0] =	ssyncadd.s32 $0xFFFFC000  }
0x12c: {  	_ =	swait.ge [sflag:s7], $0x4000  }
0x12d: {  	[sflag:s7] =	ssyncset.done $0x0  }
0x12e: {  	[sflag:s7] =	ssyncadd.s32 $0xFFFFC000  }
0x12f: {  	[bflag:$0x0] =	sbarrier.arrive $0xFFFF  }
0x130: {  	s12 =	rddreg [dreg:$0x9]  }
0x131: {  	[tilespmem:s23], [sflag:$0x5] =	stream.linear.gather [spmem:s12], $0x2800, $0x38;
	[tilespmem:$0x1C400] =	vst v63  }
0x132: {  	_ =	swait.ge [sflag:s24], $0x2800  }
0x133: {  	[sflag:s24] =	ssyncset.done $0x0  }
0x134: {  	s10 =	rddreg [dreg:$0x11];
	[sflag:s24] =	ssyncadd.s32 $0xFFFFD800  }
0x135: {  	[hbm4b:s10+s2] =	stream.linear.scatter [tilespmem:s23], [sflag:$0x5], $0x2800, $0x38;
	[tilespmem:$0x1C400] =	vst v63  }
0x136: {  	_ =	swait.ge [sflag:s24], $0x2800  }
0x137: {  	[sflag:s24] =	ssyncset.done $0x0  }
0x138: {  	s14 =	rddreg [dreg:$0xb];
	[sflag:s24] =	ssyncadd.s32 $0xFFFFD800  }
0x139: {  	[tilespmem:s23], [sflag:$0x5] =	stream.linear.gather [spmem:s14], $0x2800, $0x38;
	[tilespmem:$0x1C400] =	vst v63  }
0x13a: {  	_ =	swait.ge [sflag:s24], $0x2800  }
0x13b: {  	[sflag:s24] =	ssyncset.done $0x0  }
0x13c: {  	s15 =	rddreg [dreg:$0x12];
	[sflag:s24] =	ssyncadd.s32 $0xFFFFD800  }
0x13d: {  	[hbm4b:s15+s2] =	stream.linear.scatter [tilespmem:s23], [sflag:$0x5], $0x2800, $0x38;
	[tilespmem:$0x1C400] =	vst v63  }
0x13e: {  	_ =	swait.ge [sflag:s24], $0x2800  }
0x13f: {  	[sflag:s24] =	ssyncset.done $0x0  }
0x140: {  	s15 =	rddreg [dreg:$0xc];
	[sflag:s24] =	ssyncadd.s32 $0xFFFFD800  }
0x141: {  	[tilespmem:s23], [sflag:$0x5] =	stream.linear.gather [spmem:s15], $0x2800, $0x38;
	[tilespmem:$0x1C400] =	vst v63  }
0x142: {  	_ =	swait.ge [sflag:s24], $0x2800  }
0x143: {  	[sflag:s24] =	ssyncset.done $0x0  }
0x144: {  	s11 =	rddreg [dreg:$0x13];
	[sflag:s24] =	ssyncadd.s32 $0xFFFFD800  }
0x145: {  	[hbm4b:s11+s2] =	stream.linear.scatter [tilespmem:s23], [sflag:$0x5], $0x2800, $0x38;
	[tilespmem:$0x1C400] =	vst v63  }
0x146: {  	_ =	swait.ge [sflag:s24], $0x2800  }
0x147: {  	[sflag:s24] =	ssyncset.done $0x0  }
0x148: {  	s13 =	rddreg [dreg:$0xd];
	[sflag:s24] =	ssyncadd.s32 $0xFFFFD800  }
0x149: {  	[tilespmem:s23], [sflag:$0x5] =	stream.linear.gather [spmem:s13], $0x2800, $0x38;
	[tilespmem:$0x1C400] =	vst v63  }
0x14a: {  	_ =	swait.ge [sflag:s24], $0x2800  }
0x14b: {  	[sflag:s24] =	ssyncset.done $0x0  }
0x14c: {  	s14 =	rddreg [dreg:$0x14];
	[sflag:s24] =	ssyncadd.s32 $0xFFFFD800  }
0x14d: {  	[hbm4b:s14+s2] =	stream.linear.scatter [tilespmem:s23], [sflag:$0x5], $0x2800, $0x38;
	[tilespmem:$0x1C400] =	vst v63  }
0x14e: {  	_ =	swait.ge [sflag:s24], $0x2800  }
0x14f: {  	[sflag:s24] =	ssyncset.done $0x0  }
0x150: {  	s11 =	rddreg [dreg:$0xe];
	[sflag:s24] =	ssyncadd.s32 $0xFFFFD800  }
0x151: {  	[tilespmem:s23], [sflag:$0x5] =	stream.linear.gather [spmem:s11], $0x2800, $0x38;
	[tilespmem:$0x1C400] =	vst v63  }
0x152: {  	_ =	swait.ge [sflag:s24], $0x2800  }
0x153: {  	[sflag:s24] =	ssyncset.done $0x0  }
0x154: {  	s13 =	rddreg [dreg:$0x15];
	[sflag:s24] =	ssyncadd.s32 $0xFFFFD800  }
0x155: {  	[hbm4b:s13+s2] =	stream.linear.scatter [tilespmem:s23], [sflag:$0x5], $0x2800, $0x38;
	[tilespmem:$0x1C400] =	vst v63  }
0x156: {  	_ =	swait.ge [sflag:s24], $0x2800  }
0x157: {  	[sflag:s24] =	ssyncset.done $0x0  }
0x158: {  	s10 =	rddreg [dreg:$0xf];
	[sflag:s24] =	ssyncadd.s32 $0xFFFFD800  }
0x159: {  	[tilespmem:s23], [sflag:$0x5] =	stream.linear.gather [spmem:s10], $0x2800, $0x38;
	[tilespmem:$0x1C400] =	vst v63  }
0x15a: {  	_ =	swait.ge [sflag:s24], $0x2800  }
0x15b: {  	[sflag:s24] =	ssyncset.done $0x0  }
0x15c: {  	s14 =	rddreg [dreg:$0x16];
	[sflag:s24] =	ssyncadd.s32 $0xFFFFD800  }
0x15d: {  	[hbm4b:s14+s2] =	stream.linear.scatter [tilespmem:s23], [sflag:$0x5], $0x2800, $0x38;
	[tilespmem:$0x1C400] =	vst v63  }
0x15e: {  	_ =	swait.ge [sflag:s24], $0x2800  }
0x15f: {  	[sflag:s24] =	ssyncset.done $0x0  }
0x160: {  	s14 =	rddreg [dreg:$0x10];
	[sflag:s24] =	ssyncadd.s32 $0xFFFFD800  }
0x161: {  	[tilespmem:s23], [sflag:$0x5] =	stream.linear.gather [spmem:s14], $0x2800, $0x38;
	[tilespmem:$0x1C400] =	vst v63  }
0x162: {  	_ =	swait.ge [sflag:s24], $0x2800  }
0x163: {  	[sflag:s24] =	ssyncset.done $0x0  }
0x164: {  	s13 =	rddreg [dreg:$0x17];
	[sflag:s24] =	ssyncadd.s32 $0xFFFFD800  }
0x165: {  	[hbm4b:s13+s2] =	stream.linear.scatter [tilespmem:s23], [sflag:$0x5], $0x2800, $0x38;
	[tilespmem:$0x1C400] =	vst v63  }
0x166: {  	_ =	swait.ge [sflag:s24], $0x2800  }
0x167: {  	[sflag:s24] =	ssyncset.done $0x0  }
0x168: {  	s13 =	rddreg [dreg:$0x7];
	[sflag:s24] =	ssyncadd.s32 $0xFFFFD800  }
0x169: {  	[tilespmem:s23], [sflag:$0x5] =	stream.linear.gather [spmem:s13], $0x2400, $0x38;
	[tilespmem:$0x1C400] =	vst v63  }
0x16a: {  	_ =	swait.ge [sflag:s24], $0x2400  }
0x16b: {  	[sflag:s24] =	ssyncset.done $0x0  }
0x16c: {  	s13 =	rddreg [dreg:$0x8];
	[sflag:s24] =	ssyncadd.s32 $0xFFFFDC00  }
0x16d: {  	[hbm4b:s13+s2] =	stream.linear.scatter [tilespmem:s23], [sflag:$0x5], $0x2400, $0x38;
	[tilespmem:$0x1C400] =	vst v63  }
0x16e: {  	_ =	swait.ge [sflag:s24], $0x2400  }
0x16f: {  	s11 =	rddreg [dreg:$0x18]  }
0x170: {  	s13 =	sadd.s32 $0x1, s11;
	s11 =	rddreg [dreg:$0xa]  }
0x171: {  	p0 =	sne.s32 s13, s11  }
.Ltmp1:
0x172: {  	_ = 	snop;
	(pc) =	sbr.rel @p0 .LBB2_1-.Ltmp1, $3  }
0x173: {  	_ =	sdelay $0x1  }
0x174: {  	[sflag:s24] =	ssyncset.done $0x0;
	[dreg:$0x18] =	wrdreg s13  }
0x175: {  	[sflag:s24] =	ssyncadd.s32 $0xFFFFDC00;
	s13 =	rddreg [dreg:$0xb]  }
0x176: {  	_ =	sfence.sel $0x180000  }
0x177: {  	[bflag:$0x0] =	sbarrier.arrive $0xFFFF  }
0x178: {  	_ =	strace $0x9000004D  }
0x179: {  	s0 =	stileid.u32;
	[bflag:$0x2] =	sbarrier.arrive $0xFFFF  }
0x17a: {  	p0 =	sne.s32 s0, $0x0;
	s0 =	rddreg [dreg:$0x3]  }
0x17b: {  	s0 =	sadd.s32 @!p0 $0x100000, s0  }
0x17c: {  	[sflag:s0] =	ssyncadd.tile.s32 @!p0 $0x1;
	_ =	shalt  }
.Lfunc_end2:
_tile_overlayer_lowered:
.L_overlay_start_2:
0x17d: {  	(tag) =	ssettag $0x2  }
0x17e: {  	s0 =	rddreg [dreg:$0x0];
	s2 =	stileid.u32  }
0x17f: {  	s1 =	rddreg [dreg:$0x1];
	p0 =	sne.s32 s2, $0x0  }
0x180: {  	s3 =	rddreg [dreg:$0x2];
	[bflag:$0x3] =	sbarrier.arrive $0xFFFF;
	s2 =	simm.s32 @!p0 $0x1C05  }
0x181: {  	[timem:s3], [sflag:s2] =	dma.local @!p0 [hbm:s0], s1  }
0x182: {  	s0 =	simm.s32 @!p0 $0x5  }
0x183: {  	_ =	swait.ge @!p0 [sflag:s0], s1  }
0x184: {  	s1 =	ssub.s32 @!p0 $0x0, s1;
	[sflag:s0] =	ssyncset.done @!p0 $0x0  }
0x185: {  	[sflag:s0] =	ssyncadd.s32 @!p0 s1  }
0x186: {  	[bflag:$0x3] =	sbarrier.arrive $0xFFFF  }
0x187: {  	_ =	shalt  }

// kernel: kernel.7.cloned.1.call-start
scs
__scs_entry_jumppad:
0x0: {  	(pc) =	sbr.rel $0x88, $3  }
0x1: {  	(tag) =	ssettag $0x0;
	lr =	simm.s32 $0x1  }
0x2: {  	[smem:$0x3F99] =	sst lr;
	_ =	strace $0xD0000000  }
0x3: {  	_ = 	snop  }
0x4: {  	_ = 	snop  }
0x5: {  	_ = 	snop  }
0x6: {  	_ = 	snop  }
0x7: {  	_ = 	snop  }
__scs_overlays_trampoline_lowered:
0x8: {  	[smem:$0x3FA8] =	sst s0  }
0x9: {  	[smem:$0x3FA9] =	sst s1  }
0xa: {  	[smem:$0x3FAA] =	sst s2  }
0xb: {  	[smem:$0x3FAB] =	sst s3  }
0xc: {  	[smem:$0x3FAC] =	sst s4  }
0xd: {  	[smem:$0x3FAD] =	sst s5  }
0xe: {  	[smem:$0x3FAE] =	sst s6  }
0xf: {  	[smem:$0x3FAF] =	sst s7  }
0x10: {  	[smem:$0x3FB0] =	sst s8  }
0x11: {  	[smem:$0x3FB1] =	sst s9;
	s0 =	simm.s32 @!p0 $0x0  }
0x12: {  	s1 =	sld [smem:$0x3F97];
	s0 =	simm.s32 @p0 $0x1  }
0x13: {  	[smem:$0x3FB2] =	sst s0;
	s0 =	simm.s32 @!p1 $0x0  }
0x14: {  	s2 =	sld [smem:$0x3F96];
	s0 =	simm.s32 @p1 $0x1  }
0x15: {  	[smem:$0x3FB3] =	sst s0;
	s0 =	simm.s32 @!p2 $0x0  }
0x16: {  	s3 =	sld [smem:$0x3FDB];
	s0 =	simm.s32 @p2 $0x1  }
0x17: {  	s4 =	simm.s32 $0x1BF5;
	[smem:$0x3FB5] =	sst s0  }
0x18: {  	s0 =	sld [smem:$0x3F98];
	_ =	swait.ge [sflag:s4], $0x0  }
0x19: {  	s7 =	sld [smem:$0x3F99]  }
0x1a: {  	s8 =	sadd.s32 $0xFFFFE003, lr  }
0x1b: {  	s9 =	sadd.s32 $0xFFFFFEF7, lr;
	s5 =	simm.s32 $0xFFFFFFFF;
	p2 =	slt.u32 s8, $0xFFFFF086  }
0x1c: {  	p1 =	slt.u32 s9, $0xF7A;
	s5 =	simm.s32 @!p2 $0x0  }
0x1d: {  	s5 =	simm.s32 @p1 $0x1;
	p0 =	seq.s32 s7, s2  }
0x1e: {  	s7 =	smul.u32 @!p0 $0xF7A, s2;
	p2 =	seq.s32 @!p0 s5, $0x0  }
0x1f: {  	s9 =	smul.u32 $0xF7A, s1;
	s8 =	simm.s32 @!p0 $0x1BF5;
	p2 =	por !p2, p0  }
0x20: {  	[sflag:s8] =	ssyncset.s32 @!p0 $0xFFFFF086;
	s6 =	sadd.s32 @!p0 s3, s7;
	s7 =	simm.s32 @!p0 $0x108  }
0x21: {  	s3 =	sadd.s32 s3, s9;
	s6 =	sadd.s32 @!p0 $0x88, s6;
	s7 =	simm.s32 @p2 $0x1082  }
0x22: {  	[simem:s7], [sflag:s8] =	dma.local @!p0 [hbm:s6], $0xF7A  }
0x23: {  	s9 =	sor.u32 $0xD0000000, s2;
	s6 =	simm.s32 $0x108;
	_ =	swait.ge @!p0 [sflag:s8], $0x0  }
0x24: {  	s3 =	sadd.s32 $0x88, s3;
	s6 =	simm.s32 @!p1 $0x1082;
	[sflag:s4] =	ssyncset.s32 $0xFFFFF086  }
0x25: {  	[simem:s6], [sflag:s4] =	dma.local [hbm:s3], $0xF7A  }
0x26: {  	[smem:$0x3F99] =	sst s1;
	(tag) =	ssettag s2;
	_ =	strace s9  }
0x27: {  	s1 =	sld [smem:$0x3FA9]  }
0x28: {  	s2 =	sld [smem:$0x3FAA]  }
0x29: {  	s4 =	sld [smem:$0x3FAC]  }
0x2a: {  	p0 =	seq.s32 s5, $0x0;
	s5 =	sld [smem:$0x3FAD]  }
0x2b: {  	s6 =	sld [smem:$0x3FAE]  }
0x2c: {  	s7 =	sld [smem:$0x3FAF]  }
0x2d: {  	s3 =	simm.s32 $0x108;
	s8 =	sld [smem:$0x3FB0]  }
0x2e: {  	s3 =	simm.s32 @!p0 $0x1082;
	s9 =	sld [smem:$0x3FB1]  }
0x2f: {  	lr =	sadd.s32 s0, s3;
	s0 =	sld [smem:$0x3FA8]  }
0x30: {  	s3 =	sld [smem:$0x3FAB]  }
0x31: {  	[smem:$0x3FB4] =	sst s10  }
0x32: {  	s10 =	sld [smem:$0x3FB2];
	_ =	sdelay $0x3  }
0x33: {  	p0 =	seq.s32 s10, $0x1;
	s10 =	sld [smem:$0x3FB4];
	_ =	sdelay $0x3  }
0x34: {  	[smem:$0x3FB4] =	sst s10  }
0x35: {  	s10 =	sld [smem:$0x3FB3];
	_ =	sdelay $0x3  }
0x36: {  	p1 =	seq.s32 s10, $0x1;
	s10 =	sld [smem:$0x3FB4];
	_ =	sdelay $0x3  }
0x37: {  	[smem:$0x3FB4] =	sst s10  }
0x38: {  	s10 =	sld [smem:$0x3FB5]  }
0x39: {  	_ = 	snop;
	(pc) =	sbr.ind lr, $3  }
0x3a: {  	_ = 	snop  }
0x3b: {  	_ = 	snop  }
0x3c: {  	p2 =	seq.s32 s10, $0x1;
	s10 =	sld [smem:$0x3FB4]  }
0x3d: {  	_ =	shalt  }
0x3e: {  	_ =	shalt  }
0x3f: {  	_ =	shalt  }
0x40: {  	_ =	shalt  }
0x41: {  	_ =	shalt  }
0x42: {  	_ =	shalt  }
0x43: {  	_ =	shalt  }
0x44: {  	_ =	shalt  }
0x45: {  	_ =	shalt  }
0x46: {  	_ =	shalt  }
0x47: {  	_ =	shalt  }
0x48: {  	_ =	shalt  }
0x49: {  	_ =	shalt  }
0x4a: {  	_ =	shalt  }
0x4b: {  	_ =	shalt  }
0x4c: {  	_ =	shalt  }
0x4d: {  	_ =	shalt  }
0x4e: {  	_ =	shalt  }
0x4f: {  	_ =	shalt  }
0x50: {  	_ =	shalt  }
0x51: {  	_ =	shalt  }
0x52: {  	_ =	shalt  }
0x53: {  	_ =	shalt  }
0x54: {  	_ =	shalt  }
0x55: {  	_ =	shalt  }
0x56: {  	_ =	shalt  }
0x57: {  	_ =	shalt  }
0x58: {  	_ =	shalt  }
0x59: {  	_ =	shalt  }
0x5a: {  	_ =	shalt  }
0x5b: {  	_ =	shalt  }
0x5c: {  	_ =	shalt  }
0x5d: {  	_ =	shalt  }
0x5e: {  	_ =	shalt  }
0x5f: {  	_ =	shalt  }
0x60: {  	_ =	shalt  }
0x61: {  	_ =	shalt  }
0x62: {  	_ =	shalt  }
0x63: {  	_ =	shalt  }
0x64: {  	_ =	shalt  }
0x65: {  	_ =	shalt  }
0x66: {  	_ =	shalt  }
0x67: {  	_ =	shalt  }
0x68: {  	_ =	shalt  }
0x69: {  	_ =	shalt  }
0x6a: {  	_ =	shalt  }
0x6b: {  	_ =	shalt  }
0x6c: {  	_ =	shalt  }
0x6d: {  	_ =	shalt  }
0x6e: {  	_ =	shalt  }
0x6f: {  	_ =	shalt  }
0x70: {  	_ =	shalt  }
0x71: {  	_ =	shalt  }
0x72: {  	_ =	shalt  }
0x73: {  	_ =	shalt  }
0x74: {  	_ =	shalt  }
0x75: {  	_ =	shalt  }
0x76: {  	_ =	shalt  }
0x77: {  	_ =	shalt  }
0x78: {  	_ =	shalt  }
0x79: {  	_ =	shalt  }
0x7a: {  	_ =	shalt  }
0x7b: {  	_ =	shalt  }
0x7c: {  	_ =	shalt  }
0x7d: {  	_ =	shalt  }
0x7e: {  	_ =	shalt  }
0x7f: {  	_ =	shalt  }
0x80: {  	_ =	shalt  }
0x81: {  	_ =	shalt  }
0x82: {  	_ =	shalt  }
0x83: {  	_ =	shalt  }
0x84: {  	_ =	shalt  }
0x85: {  	_ =	shalt  }
0x86: {  	_ =	shalt  }
0x87: {  	_ =	shalt  }
.Lfunc_end0:
.L_simem_size_0:
called_computation_lowered:
.L_overlay_start_0:
0x88: {  	s2 =	sld [smem:$0x3FD9]  }
0x89: {  	s3 =	sld [smem:$0x3FFE];
	_ =	sdelay $0x1  }
0x8a: {  	s1 =	srdreg.scid  }
0x8b: {  	s0 =	sand.u32 $0x1, s1  }
0x8c: {  	s17 =	sshll.u32 s0, $0xA;
	s2 =	sadd.s32 s3, s2  }
0x8d: {  	s2 =	sadd.s32 s2, s17  }
0x8e: {  	[smem:$0x3FC0] =	sst s2  }
0x8f: {  	_ = 	snop  }
0x90: {  	s2 =	sld [smem:$0x3FD0];
	(tm) =	ssettm $0x1  }
0x91: {  	s18 =	sld [smem:$0x3FFB];
	_ =	sdelay $0x3  }
0x92: {  	_ =	strace s18  }
0x93: {  	s3 =	sld [smem:$0x3FFC];
	_ =	sdelay $0x3  }
0x94: {  	_ =	strace s3  }
0x95: {  	s3 =	sld [smem:$0x3FFD];
	_ =	sdelay $0x3  }
0x96: {  	_ =	strace s3  }
0x97: {  	_ =	strace $0x8FFFFFFF  }
0x98: {  	s19 =	sld [smem:$0x3FDB];
	_ =	sdelay $0x1  }
0x99: {  	s4 =	simm.s32 $_scs_section_size  }
0x9a: {  	s5 =	simm.s32 $_size__tile_overlayer_lowered;
	s6 =	simm.s32 $_tile_overlayer_lowered  }
0x9b: {  	s22 =	simm.s32 $0x1BFF;
	s21 =	sshll.u32 s6, $0x1;
	s3 =	sadd.s32 s4, s19  }
0x9c: {  	s7 =	simm.s32 $0x0;
	s20 =	sshll.u32 s5, $0x1;
	s5 =	sadd.s32 s21, s3  }
0x9d: {  	[timem:s7], [sflag:s22] =	dma.local [hbm:s5], s20  }
0x9e: {  	_ =	swait.ge [sflag:s22], s20  }
0x9f: {  	s4 =	ssub.s32 $0x0, s20;
	[sflag:s22] =	ssyncset.done $0x0  }
0xa0: {  	[sflag:s22] =	ssyncadd.s32 s4;
	_ =	sdelay $0x1  }
0xa1: {  	s23 =	simm.s32 $0x1B8B  }
0xa2: {  	_ =	swait.ge [sflag:s23], $0x1  }
0xa3: {  	[sflag:s23] =	ssyncset.done $0x0  }
0xa4: {  	s25 =	simm.s32 $0x1B8E;
	s24 =	sld [smem:$0x3FFE];
	[sflag:s23] =	ssyncadd.s32 $0xFFFFFFFF  }
0xa5: {  	s26 =	simm.s32 $execute0_lowered;
	[smem:$0x3FD2] =	sst s25  }
0xa6: {  	s5 =	sshll.u32 s26, $0x1;
	_ =	strace $0x80000046;
	[dreg:$0x1] =	wrdreg $0xFFFFFFFF  }
0xa7: {  	s28 =	simm.s32 $_size_execute0_lowered;
	s3 =	sadd.s32 s3, s5;
	[dreg:$0x0] =	wrdreg $0x0  }
0xa8: {  	s5 =	sshll.u32 s28, $0x1;
	[dreg:$0x2] =	wrdreg s3  }
0xa9: {  	[dreg:$0x3] =	wrdreg s5  }
0xaa: {  	[dreg:$0x4] =	wrdreg $0xC0  }
0xab: {  	_ =	task [dreg:s7], $0x5FFFF  }
0xac: {  	[dreg:$0x1] =	wrdreg $0xFFFFFFFF  }
0xad: {  	[dreg:$0x0] =	wrdreg $0x60  }
0xae: {  	[dreg:$0x2] =	wrdreg s24  }
0xaf: {  	[dreg:$0x3] =	wrdreg s2  }
0xb0: {  	[dreg:$0x4] =	wrdreg $0x88000  }
0xb1: {  	[dreg:$0x5] =	wrdreg $0x9  }
0xb2: {  	_ =	task.clear_ibuf [dreg:s7], $0x6FFFF;
	_ =	strace $0x90000046  }
0xb3: {  	s29 =	simm.s32 $0x9;
	_ =	strace $0x80000048  }
0xb4: {  	_ =	swait.ge [sflag:s29], $0x1  }
0xb5: {  	[sflag:s29] =	ssyncadd.s32 $0xFFFFFFFF  }
0xb6: {  	_ =	strace $0x90000048  }
0xb7: {  	_ =	sfence  }
0xb8: {  	s30 =	sld [smem:$0x0];
	_ =	sdelay $0x2  }
0xb9: {  	s31 =	sshll.u32 s1, $0xD;
	s1 =	sshrl.u32 s1, $0x2  }
0xba: {  	s3 =	sand.u32 $0x4000, s31;
	s1 =	sadd.s32 s1, s30  }
0xbb: {  	s0 =	sor.u32 s3, s0;
	s1 =	sshll.u32 s1, $0x11  }
0xbc: {  	s0 =	sor.u32 s1, s0  }
0xbd: {  	s0 =	sadd.s32 $0x8F2B, s0  }
0xbe: {  	[sflag:s0] =	ssyncadd.remote.s32 $0x1  }
0xbf: {  	_ =	sfence.sel $0xFFFF  }
0xc0: {  	[dreg:$0x0] =	wrdreg $0xFFFFFFFF;
	(pc) =	sbr.abs _section_cstart, $3  }
0xc1: {  	[dreg:$0x1] =	wrdreg $0xFFFFFFFF  }
0xc2: {  	_ =	task.clear_ibuf [dreg:s7], $0x2FFFF;
	_ =	strace $0x9FFFFFFF  }
0xc3: {  	(tm) =	ssettm $0x7FFFFFFF  }
tec
execute0_lowered:
.L_overlay_start_1:
0x0: {  	(tag) =	ssettag $0x1  }
0x1: {  	s0 =	rddreg [dreg:$0x0]  }
0x2: {  	s3 =	rddreg [dreg:$0x1]  }
0x3: {  	s1 =	rddreg [dreg:$0x2];
	s4 =	srdreg.scid;
	s2 =	simm.s32 $0x0  }
0x4: {  	s13 =	stileid.u32;
	s28 =	simm.s32 $0x1;
	s29 =	simm.s32 $0x4800  }
0x5: {  	s30 =	simm.s32 $0x2;
	s31 =	simm.s32 $0x480;
	s8 =	smul.u32 $0x13C00, s13  }
0x6: {  	s5 =	sand.u32 $0x1, s4;
	[smem:$0x7FF] =	sst s2;
	s12 =	smul.u32 $0x4F000, s13  }
0x7: {  	s4 =	sadd.s32 $0x2A00, s0;
	s9 =	sadd.s32 $0x34200, s0;
	s16 =	smul.u32 $0x500, s13  }
0x8: {  	s6 =	smul.u32 $0x5000, s5;
	_ =	strace $0x80000047;
	s24 =	ssub.s32 $0x2, s5  }
0x9: {  	[dreg:$0x6] =	wrdreg s9;
	s5 =	smul.u32 $0x13C000, s5;
	s10 =	sshrl.u32 s24, $0x1  }
0xa: {  	s11 =	sadd.s32 $0x11800, s8;
	s26 =	sshrl.u32 s12, $0x2;
	s12 =	sadd.s32 $0x2800, s8  }
0xb: {  	s20 =	sadd.s32 $0x5000, s8;
	s14 =	sadd.s32 $0x7800, s8;
	s22 =	sadd.s32 $0xA000, s8  }
0xc: {  	s15 =	sadd.s32 $0xC800, s8;
	s7 =	sadd.s32 s6, s0;
	s0 =	sadd.s32 $0x34800, s0  }
0xd: {  	s9 =	ssub.s32 s24, s10;
	s25 =	sadd.s32 s5, s11;
	s11 =	sadd.s32 s11, s1  }
0xe: {  	s17 =	sadd.s32 s26, s1;
	s18 =	sadd.s32 s12, s1;
	s19 =	sadd.s32 s20, s1  }
0xf: {  	s21 =	sadd.s32 s14, s1;
	s23 =	sadd.s32 s22, s1;
	s3 =	sadd.s32 s6, s3  }
0x10: {  	s24 =	sadd.s32 $0xF000, s8;
	s8 =	sadd.s32 s5, s8;
	[dreg:$0x7] =	wrdreg s11  }
0x11: {  	s26 =	sadd.s32 s5, s15;
	s10 =	sshrl.u32 s25, $0x3;
	[dreg:$0xd] =	wrdreg s21  }
0x12: {  	s9 =	smax.u32 s9, $0x1;
	s13 =	smov.u32 s18;
	[dreg:$0xe] =	wrdreg s23  }
0x13: {  	s3 =	sadd.s32 s16, s3;
	s6 =	sadd.s32 s16, s7;
	s25 =	sadd.s32 s5, s20  }
0x14: {  	s11 =	sadd.s32 s5, s14;
	s14 =	sadd.s32 s24, s1;
	s8 =	sshrl.u32 s8, $0x3  }
0x15: {  	s16 =	simm.s32 $0x580;
	s18 =	simm.s32 $0x600;
	s10 =	sadd.s32 s0, s10  }
0x16: {  	[dreg:$0xa] =	wrdreg s9;
	s9 =	sadd.s32 s5, s12;
	s12 =	sadd.s32 s5, s22  }
0x17: {  	s5 =	sadd.s32 s5, s24;
	s7 =	sadd.s32 s0, s8;
	s20 =	sshrl.u32 s25, $0x3  }
0x18: {  	s22 =	sshrl.u32 s11, $0x3;
	s24 =	sshrl.u32 s26, $0x3;
	[dreg:$0x4] =	wrdreg s3  }
0x19: {  	s26 =	sadd.s32 $0x2A200, s6;
	s3 =	simm.s32 $0x100;
	[dreg:$0xb] =	wrdreg s13  }
0x1a: {  	s6 =	simm.s32 $0x380;
	s8 =	simm.s32 $0x780;
	[dreg:$0x10] =	wrdreg s14  }
0x1b: {  	s11 =	simm.s32 $0x0;
	[dreg:$0x8] =	wrdreg s10;
	s10 =	sadd.s32 s15, s1  }
0x1c: {  	s15 =	smov.u32 s19;
	[dreg:$0x11] =	wrdreg s7;
	s19 =	sshrl.u32 s9, $0x3  }
0x1d: {  	s21 =	sadd.s32 s0, s20;
	s23 =	sshrl.u32 s12, $0x3;
	[dreg:$0x5] =	wrdreg s26  }
0x1e: {  	s12 =	smov.u32 s17;
	s25 =	sadd.s32 s0, s24;
	[dreg:$0x18] =	wrdreg s11  }
0x1f: {  	s5 =	sshrl.u32 s5, $0x3;
	s24 =	simm.s32 $0x5;
	[dreg:$0x13] =	wrdreg s21  }
0x20: {  	s26 =	simm.s32 $0x80;
	s9 =	simm.s32 $0x180;
	[dreg:$0x16] =	wrdreg s25  }
0x21: {  	s17 =	simm.s32 $0x200;
	s20 =	simm.s32 $0x680;
	[dreg:$0x9] =	wrdreg s12  }
0x22: {  	s7 =	sadd.s32 s0, s19;
	s25 =	simm.s32 $0x400;
	[dreg:$0xc] =	wrdreg s15  }
0x23: {  	s19 =	simm.s32 $0x280;
	s21 =	simm.s32 $0x300;
	[dreg:$0xf] =	wrdreg s10  }
0x24: {  	[dreg:$0x12] =	wrdreg s7;
	s7 =	sadd.s32 s0, s22;
	s22 =	simm.s32 $0x700  }
0x25: {  	[dreg:$0x14] =	wrdreg s7;
	s7 =	sadd.s32 s0, s23;
	s0 =	sadd.s32 s0, s5  }
0x26: {  	s23 =	simm.s32 $0x800;
	s5 =	simm.s32 $0x500;
	[dreg:$0x15] =	wrdreg s7  }
0x27: {  	[dreg:$0x17] =	wrdreg s0;
	s0 =	simm.s32 $0x3;
	s7 =	simm.s32 $0x4  }
.LBB2_1:
0x28: {  	s11 =	rddreg [dreg:$0x6]  }
0x29: {  	[tilespmem:s23], [sflag:$0x5] =	stream.linear.gather [hbm4b:s11+s2], $0x2800, $0x38;
	[tilespmem:$0x1C400] =	vst v63  }
0x2a: {  	_ =	swait.ge [sflag:s24], $0x2800  }
0x2b: {  	[sflag:s24] =	ssyncset.done $0x0  }
0x2c: {  	[sflag:s24] =	ssyncadd.s32 $0xFFFFD800  }
0x2d: {  	[spmem:s12] =	stream.linear.scatter [tilespmem:s23], [sflag:$0x5], $0x2800, $0x38;
	[tilespmem:$0x1C400] =	vst v63  }
0x2e: {  	_ =	swait.ge [sflag:s24], $0x2800  }
0x2f: {  	[sflag:s24] =	ssyncset.done $0x0  }
0x30: {  	[sflag:s24] =	ssyncadd.s32 $0xFFFFD800  }
0x31: {  	[spmem:s13] =	stream.linear.scatter [tilespmem:s23], [sflag:$0x5], $0x2800, $0x38;
	[tilespmem:$0x1C400] =	vst v63  }
0x32: {  	_ =	swait.ge [sflag:s24], $0x2800  }
0x33: {  	[sflag:s24] =	ssyncset.done $0x0  }
0x34: {  	[sflag:s24] =	ssyncadd.s32 $0xFFFFD800  }
0x35: {  	[spmem:s15] =	stream.linear.scatter [tilespmem:s23], [sflag:$0x5], $0x2800, $0x38;
	[tilespmem:$0x1C400] =	vst v63  }
0x36: {  	_ =	swait.ge [sflag:s24], $0x2800  }
0x37: {  	[sflag:s24] =	ssyncset.done $0x0  }
0x38: {  	s13 =	rddreg [dreg:$0xd];
	[sflag:s24] =	ssyncadd.s32 $0xFFFFD800  }
0x39: {  	[spmem:s13] =	stream.linear.scatter [tilespmem:s23], [sflag:$0x5], $0x2800, $0x38;
	[tilespmem:$0x1C400] =	vst v63  }
0x3a: {  	_ =	swait.ge [sflag:s24], $0x2800  }
0x3b: {  	[sflag:s24] =	ssyncset.done $0x0  }
0x3c: {  	s15 =	rddreg [dreg:$0xe];
	[sflag:s24] =	ssyncadd.s32 $0xFFFFD800  }
0x3d: {  	[spmem:s15] =	stream.linear.scatter [tilespmem:s23], [sflag:$0x5], $0x2800, $0x38;
	[tilespmem:$0x1C400] =	vst v63  }
0x3e: {  	_ =	swait.ge [sflag:s24], $0x2800  }
0x3f: {  	[sflag:s24] =	ssyncset.done $0x0  }
0x40: {  	[sflag:s24] =	ssyncadd.s32 $0xFFFFD800  }
0x41: {  	[spmem:s10] =	stream.linear.scatter [tilespmem:s23], [sflag:$0x5], $0x2800, $0x38;
	[tilespmem:$0x1C400] =	vst v63  }
0x42: {  	_ =	swait.ge [sflag:s24], $0x2800  }
0x43: {  	[sflag:s24] =	ssyncset.done $0x0  }
0x44: {  	[sflag:s24] =	ssyncadd.s32 $0xFFFFD800  }
0x45: {  	[spmem:s14] =	stream.linear.scatter [tilespmem:s23], [sflag:$0x5], $0x2800, $0x38;
	[tilespmem:$0x1C400] =	vst v63  }
0x46: {  	_ =	swait.ge [sflag:s24], $0x2800  }
0x47: {  	[sflag:s24] =	ssyncset.done $0x0  }
0x48: {  	s12 =	rddreg [dreg:$0x7];
	[sflag:s24] =	ssyncadd.s32 $0xFFFFD800  }
0x49: {  	[spmem:s12] =	stream.linear.scatter [tilespmem:s23], [sflag:$0x5], $0x2400, $0x38;
	[tilespmem:$0x1C400] =	vst v63  }
0x4a: {  	_ =	swait.ge [sflag:s24], $0x2400  }
0x4b: {  	[sflag:s24] =	ssyncset.done $0x0  }
0x4c: {  	p0 =	por $0x1, $0x1;
	[sflag:s24] =	ssyncadd.s32 $0xFFFFDC00  }
0x4d: {  	s11 =	simm.s32 @!p0 $0x3;
	[bflag:$0x0] =	sbarrier.arrive $0xFFFF  }
0x4e: {  	_ =	swait.ge @!p0 [sflag:s11], $0x4000  }
0x4f: {  	[sflag:s11] =	ssyncset.done @!p0 $0x0  }
0x50: {  	[sflag:s11] =	ssyncadd.s32 @!p0 $0xFFFFC000;
	s11 =	simm.s32 @!p0 $0x4  }
0x51: {  	_ =	swait.ge @!p0 [sflag:s11], $0x4000  }
0x52: {  	s13 =	rddreg [dreg:$0x5];
	[sflag:s11] =	ssyncset.done @!p0 $0x0  }
0x53: {  	[sflag:s11] =	ssyncadd.s32 @!p0 $0xFFFFC000;
	s14 =	sadd.s32 $0x0, s13  }
0x54: {  	[tilespmem:s2], [sflag:$0x5] =	stream.linear.gather [hbm4b:s14+s2], $0x400, $0x38;
	[tilespmem:$0x1C400] =	vst v63  }
0x55: {  	_ =	swait.ge [sflag:s24], $0x400  }
0x56: {  	s15 =	rddreg [dreg:$0x4];
	[sflag:s24] =	ssyncset.done $0x0  }
0x57: {  	[sflag:s24] =	ssyncadd.s32 $0xFFFFFC00;
	s11 =	sadd.s32 $0x0, s15  }
0x58: {  	[tilespmem:s25], [sflag:$0x5] =	stream.linear.gather [hbm4b:s11+s2], $0x400, $0x38;
	[tilespmem:$0x1C400] =	vst v63  }
0x59: {  	_ =	swait.ge [sflag:s24], $0x400  }
0x5a: {  	[sflag:s24] =	ssyncset.done $0x0  }
0x5b: {  	[sflag:s24] =	ssyncadd.s32 $0xFFFFFC00  }
0x5c: {  	[tilespmem:s23], [sflag:$0x1] =	stream.indirect.gather [hbm4b:s4+s26], $0x80, s2, s26, $0xb8;
	[tilespmem:$0x1C400] =	vst v63  }
0x5d: {  	_ =	swait.ge [sflag:s28], $0x4000  }
0x5e: {  	[sflag:s28] =	ssyncset.done $0x0  }
0x5f: {  	[sflag:s28] =	ssyncadd.s32 $0xFFFFC000  }
0x60: {  	[spmem:s1] =	stream.indirect.scatter.add.f32 [tilespmem:s23], [sflag:$0x3], $0x80, s25, s26, $0xb8;
	[tilespmem:$0x1C400] =	vst v63  }
0x61: {  	_ = 	snop  }
0x62: {  	[tilespmem:s29], [sflag:$0x2] =	stream.indirect.gather [hbm4b:s4+s26], $0x80, s26, s26, $0xb8;
	[tilespmem:$0x1C400] =	vst v63  }
0x63: {  	_ =	swait.ge [sflag:s30], $0x4000  }
0x64: {  	[sflag:s30] =	ssyncset.done $0x0  }
0x65: {  	[sflag:s30] =	ssyncadd.s32 $0xFFFFC000  }
0x66: {  	[spmem:s1] =	stream.indirect.scatter.add.f32 [tilespmem:s29], [sflag:$0x4], $0x80, s31, s26, $0xb8;
	[tilespmem:$0x1C400] =	vst v63  }
0x67: {  	_ =	swait.ge [sflag:s0], $0x4000  }
0x68: {  	[sflag:s0] =	ssyncset.done $0x0  }
0x69: {  	[sflag:s0] =	ssyncadd.s32 $0xFFFFC000  }
0x6a: {  	[tilespmem:s23], [sflag:$0x1] =	stream.indirect.gather [hbm4b:s4+s26], $0x80, s3, s26, $0xb8;
	[tilespmem:$0x1C400] =	vst v63  }
0x6b: {  	_ =	swait.ge [sflag:s28], $0x4000  }
0x6c: {  	[sflag:s28] =	ssyncset.done $0x0  }
0x6d: {  	[sflag:s28] =	ssyncadd.s32 $0xFFFFC000  }
0x6e: {  	[spmem:s1] =	stream.indirect.scatter.add.f32 [tilespmem:s23], [sflag:$0x3], $0x80, s5, s26, $0xb8;
	[tilespmem:$0x1C400] =	vst v63  }
0x6f: {  	_ =	swait.ge [sflag:s7], $0x4000  }
0x70: {  	[sflag:s7] =	ssyncset.done $0x0  }
0x71: {  	[sflag:s7] =	ssyncadd.s32 $0xFFFFC000  }
0x72: {  	[tilespmem:s29], [sflag:$0x2] =	stream.indirect.gather [hbm4b:s4+s26], $0x80, s9, s26, $0xb8;
	[tilespmem:$0x1C400] =	vst v63  }
0x73: {  	_ =	swait.ge [sflag:s30], $0x4000  }
0x74: {  	[sflag:s30] =	ssyncset.done $0x0  }
0x75: {  	[sflag:s30] =	ssyncadd.s32 $0xFFFFC000  }
0x76: {  	[spmem:s1] =	stream.indirect.scatter.add.f32 [tilespmem:s29], [sflag:$0x4], $0x80, s16, s26, $0xb8;
	[tilespmem:$0x1C400] =	vst v63  }
0x77: {  	_ =	swait.ge [sflag:s0], $0x4000  }
0x78: {  	[sflag:s0] =	ssyncset.done $0x0  }
0x79: {  	[sflag:s0] =	ssyncadd.s32 $0xFFFFC000  }
0x7a: {  	[tilespmem:s23], [sflag:$0x1] =	stream.indirect.gather [hbm4b:s4+s26], $0x80, s17, s26, $0xb8;
	[tilespmem:$0x1C400] =	vst v63  }
0x7b: {  	_ =	swait.ge [sflag:s28], $0x4000  }
0x7c: {  	[sflag:s28] =	ssyncset.done $0x0  }
0x7d: {  	[sflag:s28] =	ssyncadd.s32 $0xFFFFC000  }
0x7e: {  	[spmem:s1] =	stream.indirect.scatter.add.f32 [tilespmem:s23], [sflag:$0x3], $0x80, s18, s26, $0xb8;
	[tilespmem:$0x1C400] =	vst v63  }
0x7f: {  	_ =	swait.ge [sflag:s7], $0x4000  }
0x80: {  	[sflag:s7] =	ssyncset.done $0x0  }
0x81: {  	[sflag:s7] =	ssyncadd.s32 $0xFFFFC000  }
0x82: {  	[tilespmem:s29], [sflag:$0x2] =	stream.indirect.gather [hbm4b:s4+s26], $0x80, s19, s26, $0xb8;
	[tilespmem:$0x1C400] =	vst v63  }
0x83: {  	_ =	swait.ge [sflag:s30], $0x4000  }
0x84: {  	[sflag:s30] =	ssyncset.done $0x0  }
0x85: {  	[sflag:s30] =	ssyncadd.s32 $0xFFFFC000  }
0x86: {  	[spmem:s1] =	stream.indirect.scatter.add.f32 [tilespmem:s29], [sflag:$0x4], $0x80, s20, s26, $0xb8;
	[tilespmem:$0x1C400] =	vst v63  }
0x87: {  	_ =	swait.ge [sflag:s0], $0x4000  }
0x88: {  	[sflag:s0] =	ssyncset.done $0x0  }
0x89: {  	[sflag:s0] =	ssyncadd.s32 $0xFFFFC000  }
0x8a: {  	[tilespmem:s23], [sflag:$0x1] =	stream.indirect.gather [hbm4b:s4+s26], $0x80, s21, s26, $0xb8;
	[tilespmem:$0x1C400] =	vst v63  }
0x8b: {  	_ =	swait.ge [sflag:s28], $0x4000  }
0x8c: {  	[sflag:s28] =	ssyncset.done $0x0  }
0x8d: {  	[sflag:s28] =	ssyncadd.s32 $0xFFFFC000  }
0x8e: {  	[spmem:s1] =	stream.indirect.scatter.add.f32 [tilespmem:s23], [sflag:$0x3], $0x80, s22, s26, $0xb8;
	[tilespmem:$0x1C400] =	vst v63  }
0x8f: {  	_ =	swait.ge [sflag:s7], $0x4000  }
0x90: {  	[sflag:s7] =	ssyncset.done $0x0  }
0x91: {  	[sflag:s7] =	ssyncadd.s32 $0xFFFFC000  }
0x92: {  	[tilespmem:s29], [sflag:$0x2] =	stream.indirect.gather [hbm4b:s4+s26], $0x80, s6, s26, $0xb8;
	[tilespmem:$0x1C400] =	vst v63  }
0x93: {  	p1 =	por $0x0, $0x0;
	_ =	swait.ge [sflag:s30], $0x4000  }
0x94: {  	s12 =	simm.s32 $0x100;
	s11 =	simm.s32 $0x80;
	[sflag:s30] =	ssyncset.done $0x0  }
.LBB2_2:
0x95: {  	s13 =	simm.s32 @!p1 $0x3;
	[sflag:s30] =	ssyncadd.s32 $0xFFFFC000  }
0x96: {  	[spmem:s1] =	stream.indirect.scatter.add.f32 [tilespmem:s29], [sflag:$0x4], $0x80, s8, s26, $0xb8;
	[tilespmem:$0x1C400] =	vst v63  }
0x97: {  	_ =	swait.ge @!p1 [sflag:s13], $0x4000  }
0x98: {  	[sflag:s13] =	ssyncset.done @!p1 $0x0  }
0x99: {  	[sflag:s13] =	ssyncadd.s32 @!p1 $0xFFFFC000;
	s13 =	simm.s32 @!p1 $0x4  }
0x9a: {  	_ =	swait.ge @!p1 [sflag:s13], $0x4000  }
0x9b: {  	[sflag:s13] =	ssyncset.done @!p1 $0x0;
	s15 =	rddreg [dreg:$0x5]  }
0x9c: {  	[sflag:s13] =	ssyncadd.s32 @!p1 $0xFFFFC000;
	s10 =	sadd.s32 s11, s15  }
0x9d: {  	[tilespmem:s2], [sflag:$0x5] =	stream.linear.gather [hbm4b:s10+s2], $0x400, $0x38;
	[tilespmem:$0x1C400] =	vst v63  }
0x9e: {  	_ =	swait.ge [sflag:s24], $0x400  }
0x9f: {  	s15 =	rddreg [dreg:$0x4];
	[sflag:s24] =	ssyncset.done $0x0  }
0xa0: {  	[sflag:s24] =	ssyncadd.s32 $0xFFFFFC00;
	s13 =	sadd.s32 s11, s15  }
0xa1: {  	[tilespmem:s25], [sflag:$0x5] =	stream.linear.gather [hbm4b:s13+s2], $0x400, $0x38;
	[tilespmem:$0x1C400] =	vst v63  }
0xa2: {  	_ =	swait.ge [sflag:s24], $0x400  }
0xa3: {  	[sflag:s24] =	ssyncset.done $0x0  }
0xa4: {  	[sflag:s24] =	ssyncadd.s32 $0xFFFFFC00  }
0xa5: {  	[tilespmem:s23], [sflag:$0x1] =	stream.indirect.gather [hbm4b:s4+s26], $0x80, s2, s26, $0xb8;
	[tilespmem:$0x1C400] =	vst v63  }
0xa6: {  	_ =	swait.ge [sflag:s28], $0x4000  }
0xa7: {  	[sflag:s28] =	ssyncset.done $0x0  }
0xa8: {  	[sflag:s28] =	ssyncadd.s32 $0xFFFFC000  }
0xa9: {  	[spmem:s1] =	stream.indirect.scatter.add.f32 [tilespmem:s23], [sflag:$0x3], $0x80, s25, s26, $0xb8;
	[tilespmem:$0x1C400] =	vst v63  }
0xaa: {  	_ = 	snop  }
0xab: {  	[tilespmem:s29], [sflag:$0x2] =	stream.indirect.gather [hbm4b:s4+s26], $0x80, s26, s26, $0xb8;
	[tilespmem:$0x1C400] =	vst v63  }
0xac: {  	_ =	swait.ge [sflag:s30], $0x4000  }
0xad: {  	[sflag:s30] =	ssyncset.done $0x0  }
0xae: {  	[sflag:s30] =	ssyncadd.s32 $0xFFFFC000  }
0xaf: {  	[spmem:s1] =	stream.indirect.scatter.add.f32 [tilespmem:s29], [sflag:$0x4], $0x80, s31, s26, $0xb8;
	[tilespmem:$0x1C400] =	vst v63  }
0xb0: {  	_ =	swait.ge [sflag:s0], $0x4000  }
0xb1: {  	[sflag:s0] =	ssyncset.done $0x0  }
0xb2: {  	[sflag:s0] =	ssyncadd.s32 $0xFFFFC000  }
0xb3: {  	[tilespmem:s23], [sflag:$0x1] =	stream.indirect.gather [hbm4b:s4+s26], $0x80, s3, s26, $0xb8;
	[tilespmem:$0x1C400] =	vst v63  }
0xb4: {  	_ =	swait.ge [sflag:s28], $0x4000  }
0xb5: {  	[sflag:s28] =	ssyncset.done $0x0  }
0xb6: {  	[sflag:s28] =	ssyncadd.s32 $0xFFFFC000  }
0xb7: {  	[spmem:s1] =	stream.indirect.scatter.add.f32 [tilespmem:s23], [sflag:$0x3], $0x80, s5, s26, $0xb8;
	[tilespmem:$0x1C400] =	vst v63  }
0xb8: {  	_ =	swait.ge [sflag:s7], $0x4000  }
0xb9: {  	[sflag:s7] =	ssyncset.done $0x0  }
0xba: {  	[sflag:s7] =	ssyncadd.s32 $0xFFFFC000  }
0xbb: {  	[tilespmem:s29], [sflag:$0x2] =	stream.indirect.gather [hbm4b:s4+s26], $0x80, s9, s26, $0xb8;
	[tilespmem:$0x1C400] =	vst v63  }
0xbc: {  	_ =	swait.ge [sflag:s30], $0x4000  }
0xbd: {  	[sflag:s30] =	ssyncset.done $0x0  }
0xbe: {  	[sflag:s30] =	ssyncadd.s32 $0xFFFFC000  }
0xbf: {  	[spmem:s1] =	stream.indirect.scatter.add.f32 [tilespmem:s29], [sflag:$0x4], $0x80, s16, s26, $0xb8;
	[tilespmem:$0x1C400] =	vst v63  }
0xc0: {  	_ =	swait.ge [sflag:s0], $0x4000  }
0xc1: {  	[sflag:s0] =	ssyncset.done $0x0  }
0xc2: {  	[sflag:s0] =	ssyncadd.s32 $0xFFFFC000  }
0xc3: {  	[tilespmem:s23], [sflag:$0x1] =	stream.indirect.gather [hbm4b:s4+s26], $0x80, s17, s26, $0xb8;
	[tilespmem:$0x1C400] =	vst v63  }
0xc4: {  	_ =	swait.ge [sflag:s28], $0x4000  }
0xc5: {  	[sflag:s28] =	ssyncset.done $0x0  }
0xc6: {  	[sflag:s28] =	ssyncadd.s32 $0xFFFFC000  }
0xc7: {  	[spmem:s1] =	stream.indirect.scatter.add.f32 [tilespmem:s23], [sflag:$0x3], $0x80, s18, s26, $0xb8;
	[tilespmem:$0x1C400] =	vst v63  }
0xc8: {  	_ =	swait.ge [sflag:s7], $0x4000  }
0xc9: {  	[sflag:s7] =	ssyncset.done $0x0  }
0xca: {  	[sflag:s7] =	ssyncadd.s32 $0xFFFFC000  }
0xcb: {  	[tilespmem:s29], [sflag:$0x2] =	stream.indirect.gather [hbm4b:s4+s26], $0x80, s19, s26, $0xb8;
	[tilespmem:$0x1C400] =	vst v63  }
0xcc: {  	_ =	swait.ge [sflag:s30], $0x4000  }
0xcd: {  	[sflag:s30] =	ssyncset.done $0x0  }
0xce: {  	[sflag:s30] =	ssyncadd.s32 $0xFFFFC000  }
0xcf: {  	[spmem:s1] =	stream.indirect.scatter.add.f32 [tilespmem:s29], [sflag:$0x4], $0x80, s20, s26, $0xb8;
	[tilespmem:$0x1C400] =	vst v63  }
0xd0: {  	_ =	swait.ge [sflag:s0], $0x4000  }
0xd1: {  	[sflag:s0] =	ssyncset.done $0x0  }
0xd2: {  	[sflag:s0] =	ssyncadd.s32 $0xFFFFC000  }
0xd3: {  	[tilespmem:s23], [sflag:$0x1] =	stream.indirect.gather [hbm4b:s4+s26], $0x80, s21, s26, $0xb8;
	[tilespmem:$0x1C400] =	vst v63  }
0xd4: {  	_ =	swait.ge [sflag:s28], $0x4000  }
0xd5: {  	[sflag:s28] =	ssyncset.done $0x0  }
0xd6: {  	s14 =	smov.u32 s12;
	s12 =	sadd.s32 $0x80, s12;
	[sflag:s28] =	ssyncadd.s32 $0xFFFFC000  }
0xd7: {  	[spmem:s1] =	stream.indirect.scatter.add.f32 [tilespmem:s23], [sflag:$0x3], $0x80, s22, s26, $0xb8;
	[tilespmem:$0x1C400] =	vst v63  }
0xd8: {  	p0 =	sne.s32 s12, $0x500;
	_ =	swait.ge [sflag:s7], $0x4000  }
.Ltmp0:
0xd9: {  	[sflag:s7] =	ssyncset.done $0x0;
	(pc) =	sbr.rel @p0 .LBB2_2-.Ltmp0, $4  }
0xda: {  	[sflag:s7] =	ssyncadd.s32 $0xFFFFC000  }
0xdb: {  	[tilespmem:s29], [sflag:$0x2] =	stream.indirect.gather [hbm4b:s4+s26], $0x80, s6, s26, $0xb8;
	[tilespmem:$0x1C400] =	vst v63  }
0xdc: {  	s11 =	smov.u32 s14;
	_ =	swait.ge [sflag:s30], $0x4000  }
0xdd: {  	p1 =	seq.s32 s11, $0x0;
	[sflag:s30] =	ssyncset.done $0x0  }
0xde: {  	s12 =	simm.s32 @!p1 $0x3;
	[sflag:s30] =	ssyncadd.s32 $0xFFFFC000  }
0xdf: {  	[spmem:s1] =	stream.indirect.scatter.add.f32 [tilespmem:s29], [sflag:$0x4], $0x80, s8, s26, $0xb8;
	[tilespmem:$0x1C400] =	vst v63  }
0xe0: {  	_ =	swait.ge @!p1 [sflag:s12], $0x4000  }
0xe1: {  	[sflag:s12] =	ssyncset.done @!p1 $0x0  }
0xe2: {  	[sflag:s12] =	ssyncadd.s32 @!p1 $0xFFFFC000;
	s12 =	simm.s32 @!p1 $0x4  }
0xe3: {  	_ =	swait.ge @!p1 [sflag:s12], $0x4000  }
0xe4: {  	s13 =	rddreg [dreg:$0x5];
	[sflag:s12] =	ssyncset.done @!p1 $0x0  }
0xe5: {  	[sflag:s12] =	ssyncadd.s32 @!p1 $0xFFFFC000;
	s15 =	sadd.s32 s11, s13  }
0xe6: {  	[tilespmem:s2], [sflag:$0x5] =	stream.linear.gather [hbm4b:s15+s2], $0x400, $0x38;
	[tilespmem:$0x1C400] =	vst v63  }
0xe7: {  	_ =	swait.ge [sflag:s24], $0x400  }
0xe8: {  	s10 =	rddreg [dreg:$0x4];
	[sflag:s24] =	ssyncset.done $0x0  }
0xe9: {  	s13 =	sadd.s32 s11, s10;
	[sflag:s24] =	ssyncadd.s32 $0xFFFFFC00  }
0xea: {  	[tilespmem:s25], [sflag:$0x5] =	stream.linear.gather [hbm4b:s13+s2], $0x400, $0x38;
	[tilespmem:$0x1C400] =	vst v63  }
0xeb: {  	_ =	swait.ge [sflag:s24], $0x400  }
0xec: {  	[sflag:s24] =	ssyncset.done $0x0  }
0xed: {  	[sflag:s24] =	ssyncadd.s32 $0xFFFFFC00  }
0xee: {  	[tilespmem:s23], [sflag:$0x1] =	stream.indirect.gather [hbm4b:s4+s26], $0x80, s2, s26, $0xb8;
	[tilespmem:$0x1C400] =	vst v63  }
0xef: {  	_ =	swait.ge [sflag:s28], $0x4000  }
0xf0: {  	[sflag:s28] =	ssyncset.done $0x0  }
0xf1: {  	[sflag:s28] =	ssyncadd.s32 $0xFFFFC000  }
0xf2: {  	[spmem:s1] =	stream.indirect.scatter.add.f32 [tilespmem:s23], [sflag:$0x3], $0x80, s25, s26, $0xb8;
	[tilespmem:$0x1C400] =	vst v63  }
0xf3: {  	_ = 	snop  }
0xf4: {  	[tilespmem:s29], [sflag:$0x2] =	stream.indirect.gather [hbm4b:s4+s26], $0x80, s26, s26, $0xb8;
	[tilespmem:$0x1C400] =	vst v63  }
0xf5: {  	_ =	swait.ge [sflag:s30], $0x4000  }
0xf6: {  	[sflag:s30] =	ssyncset.done $0x0  }
0xf7: {  	[sflag:s30] =	ssyncadd.s32 $0xFFFFC000  }
0xf8: {  	[spmem:s1] =	stream.indirect.scatter.add.f32 [tilespmem:s29], [sflag:$0x4], $0x80, s31, s26, $0xb8;
	[tilespmem:$0x1C400] =	vst v63  }
0xf9: {  	_ =	swait.ge [sflag:s0], $0x4000  }
0xfa: {  	[sflag:s0] =	ssyncset.done $0x0  }
0xfb: {  	[sflag:s0] =	ssyncadd.s32 $0xFFFFC000  }
0xfc: {  	[tilespmem:s23], [sflag:$0x1] =	stream.indirect.gather [hbm4b:s4+s26], $0x80, s3, s26, $0xb8;
	[tilespmem:$0x1C400] =	vst v63  }
0xfd: {  	_ =	swait.ge [sflag:s28], $0x4000  }
0xfe: {  	[sflag:s28] =	ssyncset.done $0x0  }
0xff: {  	[sflag:s28] =	ssyncadd.s32 $0xFFFFC000  }
0x100: {  	[spmem:s1] =	stream.indirect.scatter.add.f32 [tilespmem:s23], [sflag:$0x3], $0x80, s5, s26, $0xb8;
	[tilespmem:$0x1C400] =	vst v63  }
0x101: {  	_ =	swait.ge [sflag:s7], $0x4000  }
0x102: {  	[sflag:s7] =	ssyncset.done $0x0  }
0x103: {  	[sflag:s7] =	ssyncadd.s32 $0xFFFFC000  }
0x104: {  	[tilespmem:s29], [sflag:$0x2] =	stream.indirect.gather [hbm4b:s4+s26], $0x80, s9, s26, $0xb8;
	[tilespmem:$0x1C400] =	vst v63  }
0x105: {  	_ =	swait.ge [sflag:s30], $0x4000  }
0x106: {  	[sflag:s30] =	ssyncset.done $0x0  }
0x107: {  	[sflag:s30] =	ssyncadd.s32 $0xFFFFC000  }
0x108: {  	[spmem:s1] =	stream.indirect.scatter.add.f32 [tilespmem:s29], [sflag:$0x4], $0x80, s16, s26, $0xb8;
	[tilespmem:$0x1C400] =	vst v63  }
0x109: {  	_ =	swait.ge [sflag:s0], $0x4000  }
0x10a: {  	[sflag:s0] =	ssyncset.done $0x0  }
0x10b: {  	[sflag:s0] =	ssyncadd.s32 $0xFFFFC000  }
0x10c: {  	[tilespmem:s23], [sflag:$0x1] =	stream.indirect.gather [hbm4b:s4+s26], $0x80, s17, s26, $0xb8;
	[tilespmem:$0x1C400] =	vst v63  }
0x10d: {  	_ =	swait.ge [sflag:s28], $0x4000  }
0x10e: {  	[sflag:s28] =	ssyncset.done $0x0  }
0x10f: {  	[sflag:s28] =	ssyncadd.s32 $0xFFFFC000  }
0x110: {  	[spmem:s1] =	stream.indirect.scatter.add.f32 [tilespmem:s23], [sflag:$0x3], $0x80, s18, s26, $0xb8;
	[tilespmem:$0x1C400] =	vst v63  }
0x111: {  	_ =	swait.ge [sflag:s7], $0x4000  }
0x112: {  	[sflag:s7] =	ssyncset.done $0x0  }
0x113: {  	[sflag:s7] =	ssyncadd.s32 $0xFFFFC000  }
0x114: {  	[tilespmem:s29], [sflag:$0x2] =	stream.indirect.gather [hbm4b:s4+s26], $0x80, s19, s26, $0xb8;
	[tilespmem:$0x1C400] =	vst v63  }
0x115: {  	_ =	swait.ge [sflag:s30], $0x4000  }
0x116: {  	[sflag:s30] =	ssyncset.done $0x0  }
0x117: {  	[sflag:s30] =	ssyncadd.s32 $0xFFFFC000  }
0x118: {  	[spmem:s1] =	stream.indirect.scatter.add.f32 [tilespmem:s29], [sflag:$0x4], $0x80, s20, s26, $0xb8;
	[tilespmem:$0x1C400] =	vst v63  }
0x119: {  	_ =	swait.ge [sflag:s0], $0x4000  }
0x11a: {  	[sflag:s0] =	ssyncset.done $0x0  }
0x11b: {  	[sflag:s0] =	ssyncadd.s32 $0xFFFFC000  }
0x11c: {  	[tilespmem:s23], [sflag:$0x1] =	stream.indirect.gather [hbm4b:s4+s26], $0x80, s21, s26, $0xb8;
	[tilespmem:$0x1C400] =	vst v63  }
0x11d: {  	_ =	swait.ge [sflag:s28], $0x4000  }
0x11e: {  	[sflag:s28] =	ssyncset.done $0x0  }
0x11f: {  	[sflag:s28] =	ssyncadd.s32 $0xFFFFC000  }
0x120: {  	[spmem:s1] =	stream.indirect.scatter.add.f32 [tilespmem:s23], [sflag:$0x3], $0x80, s22, s26, $0xb8;
	[tilespmem:$0x1C400] =	vst v63  }
0x121: {  	_ =	swait.ge [sflag:s7], $0x4000  }
0x122: {  	[sflag:s7] =	ssyncset.done $0x0  }
0x123: {  	[sflag:s7] =	ssyncadd.s32 $0xFFFFC000  }
0x124: {  	[tilespmem:s29], [sflag:$0x2] =	stream.indirect.gather [hbm4b:s4+s26], $0x80, s6, s26, $0xb8;
	[tilespmem:$0x1C400] =	vst v63  }
0x125: {  	_ =	swait.ge [sflag:s30], $0x4000  }
0x126: {  	[sflag:s30] =	ssyncset.done $0x0  }
0x127: {  	[sflag:s30] =	ssyncadd.s32 $0xFFFFC000  }
0x128: {  	[spmem:s1] =	stream.indirect.scatter.add.f32 [tilespmem:s29], [sflag:$0x4], $0x80, s8, s26, $0xb8;
	[tilespmem:$0x1C400] =	vst v63  }
0x129: {  	_ =	swait.ge [sflag:s0], $0x4000  }
0x12a: {  	[sflag:s0] =	ssyncset.done $0x0  }
0x12b: {  	[sflag:s0] =	ssyncadd.s32 $0xFFFFC000  }
0x12c: {  	_ =	swait.ge [sflag:s7], $0x4000  }
0x12d: {  	[sflag:s7] =	ssyncset.done $0x0  }
0x12e: {  	[sflag:s7] =	ssyncadd.s32 $0xFFFFC000  }
0x12f: {  	[bflag:$0x0] =	sbarrier.arrive $0xFFFF  }
0x130: {  	s12 =	rddreg [dreg:$0x9]  }
0x131: {  	[tilespmem:s23], [sflag:$0x5] =	stream.linear.gather [spmem:s12], $0x2800, $0x38;
	[tilespmem:$0x1C400] =	vst v63  }
0x132: {  	_ =	swait.ge [sflag:s24], $0x2800  }
0x133: {  	[sflag:s24] =	ssyncset.done $0x0  }
0x134: {  	s10 =	rddreg [dreg:$0x11];
	[sflag:s24] =	ssyncadd.s32 $0xFFFFD800  }
0x135: {  	[hbm4b:s10+s2] =	stream.linear.scatter [tilespmem:s23], [sflag:$0x5], $0x2800, $0x38;
	[tilespmem:$0x1C400] =	vst v63  }
0x136: {  	_ =	swait.ge [sflag:s24], $0x2800  }
0x137: {  	[sflag:s24] =	ssyncset.done $0x0  }
0x138: {  	s14 =	rddreg [dreg:$0xb];
	[sflag:s24] =	ssyncadd.s32 $0xFFFFD800  }
0x139: {  	[tilespmem:s23], [sflag:$0x5] =	stream.linear.gather [spmem:s14], $0x2800, $0x38;
	[tilespmem:$0x1C400] =	vst v63  }
0x13a: {  	_ =	swait.ge [sflag:s24], $0x2800  }
0x13b: {  	[sflag:s24] =	ssyncset.done $0x0  }
0x13c: {  	s15 =	rddreg [dreg:$0x12];
	[sflag:s24] =	ssyncadd.s32 $0xFFFFD800  }
0x13d: {  	[hbm4b:s15+s2] =	stream.linear.scatter [tilespmem:s23], [sflag:$0x5], $0x2800, $0x38;
	[tilespmem:$0x1C400] =	vst v63  }
0x13e: {  	_ =	swait.ge [sflag:s24], $0x2800  }
0x13f: {  	[sflag:s24] =	ssyncset.done $0x0  }
0x140: {  	s15 =	rddreg [dreg:$0xc];
	[sflag:s24] =	ssyncadd.s32 $0xFFFFD800  }
0x141: {  	[tilespmem:s23], [sflag:$0x5] =	stream.linear.gather [spmem:s15], $0x2800, $0x38;
	[tilespmem:$0x1C400] =	vst v63  }
0x142: {  	_ =	swait.ge [sflag:s24], $0x2800  }
0x143: {  	[sflag:s24] =	ssyncset.done $0x0  }
0x144: {  	s11 =	rddreg [dreg:$0x13];
	[sflag:s24] =	ssyncadd.s32 $0xFFFFD800  }
0x145: {  	[hbm4b:s11+s2] =	stream.linear.scatter [tilespmem:s23], [sflag:$0x5], $0x2800, $0x38;
	[tilespmem:$0x1C400] =	vst v63  }
0x146: {  	_ =	swait.ge [sflag:s24], $0x2800  }
0x147: {  	[sflag:s24] =	ssyncset.done $0x0  }
0x148: {  	s13 =	rddreg [dreg:$0xd];
	[sflag:s24] =	ssyncadd.s32 $0xFFFFD800  }
0x149: {  	[tilespmem:s23], [sflag:$0x5] =	stream.linear.gather [spmem:s13], $0x2800, $0x38;
	[tilespmem:$0x1C400] =	vst v63  }
0x14a: {  	_ =	swait.ge [sflag:s24], $0x2800  }
0x14b: {  	[sflag:s24] =	ssyncset.done $0x0  }
0x14c: {  	s14 =	rddreg [dreg:$0x14];
	[sflag:s24] =	ssyncadd.s32 $0xFFFFD800  }
0x14d: {  	[hbm4b:s14+s2] =	stream.linear.scatter [tilespmem:s23], [sflag:$0x5], $0x2800, $0x38;
	[tilespmem:$0x1C400] =	vst v63  }
0x14e: {  	_ =	swait.ge [sflag:s24], $0x2800  }
0x14f: {  	[sflag:s24] =	ssyncset.done $0x0  }
0x150: {  	s11 =	rddreg [dreg:$0xe];
	[sflag:s24] =	ssyncadd.s32 $0xFFFFD800  }
0x151: {  	[tilespmem:s23], [sflag:$0x5] =	stream.linear.gather [spmem:s11], $0x2800, $0x38;
	[tilespmem:$0x1C400] =	vst v63  }
0x152: {  	_ =	swait.ge [sflag:s24], $0x2800  }
0x153: {  	[sflag:s24] =	ssyncset.done $0x0  }
0x154: {  	s13 =	rddreg [dreg:$0x15];
	[sflag:s24] =	ssyncadd.s32 $0xFFFFD800  }
0x155: {  	[hbm4b:s13+s2] =	stream.linear.scatter [tilespmem:s23], [sflag:$0x5], $0x2800, $0x38;
	[tilespmem:$0x1C400] =	vst v63  }
0x156: {  	_ =	swait.ge [sflag:s24], $0x2800  }
0x157: {  	[sflag:s24] =	ssyncset.done $0x0  }
0x158: {  	s10 =	rddreg [dreg:$0xf];
	[sflag:s24] =	ssyncadd.s32 $0xFFFFD800  }
0x159: {  	[tilespmem:s23], [sflag:$0x5] =	stream.linear.gather [spmem:s10], $0x2800, $0x38;
	[tilespmem:$0x1C400] =	vst v63  }
0x15a: {  	_ =	swait.ge [sflag:s24], $0x2800  }
0x15b: {  	[sflag:s24] =	ssyncset.done $0x0  }
0x15c: {  	s14 =	rddreg [dreg:$0x16];
	[sflag:s24] =	ssyncadd.s32 $0xFFFFD800  }
0x15d: {  	[hbm4b:s14+s2] =	stream.linear.scatter [tilespmem:s23], [sflag:$0x5], $0x2800, $0x38;
	[tilespmem:$0x1C400] =	vst v63  }
0x15e: {  	_ =	swait.ge [sflag:s24], $0x2800  }
0x15f: {  	[sflag:s24] =	ssyncset.done $0x0  }
0x160: {  	s14 =	rddreg [dreg:$0x10];
	[sflag:s24] =	ssyncadd.s32 $0xFFFFD800  }
0x161: {  	[tilespmem:s23], [sflag:$0x5] =	stream.linear.gather [spmem:s14], $0x2800, $0x38;
	[tilespmem:$0x1C400] =	vst v63  }
0x162: {  	_ =	swait.ge [sflag:s24], $0x2800  }
0x163: {  	[sflag:s24] =	ssyncset.done $0x0  }
0x164: {  	s13 =	rddreg [dreg:$0x17];
	[sflag:s24] =	ssyncadd.s32 $0xFFFFD800  }
0x165: {  	[hbm4b:s13+s2] =	stream.linear.scatter [tilespmem:s23], [sflag:$0x5], $0x2800, $0x38;
	[tilespmem:$0x1C400] =	vst v63  }
0x166: {  	_ =	swait.ge [sflag:s24], $0x2800  }
0x167: {  	[sflag:s24] =	ssyncset.done $0x0  }
0x168: {  	s13 =	rddreg [dreg:$0x7];
	[sflag:s24] =	ssyncadd.s32 $0xFFFFD800  }
0x169: {  	[tilespmem:s23], [sflag:$0x5] =	stream.linear.gather [spmem:s13], $0x2400, $0x38;
	[tilespmem:$0x1C400] =	vst v63  }
0x16a: {  	_ =	swait.ge [sflag:s24], $0x2400  }
0x16b: {  	[sflag:s24] =	ssyncset.done $0x0  }
0x16c: {  	s13 =	rddreg [dreg:$0x8];
	[sflag:s24] =	ssyncadd.s32 $0xFFFFDC00  }
0x16d: {  	[hbm4b:s13+s2] =	stream.linear.scatter [tilespmem:s23], [sflag:$0x5], $0x2400, $0x38;
	[tilespmem:$0x1C400] =	vst v63  }
0x16e: {  	_ =	swait.ge [sflag:s24], $0x2400  }
0x16f: {  	s11 =	rddreg [dreg:$0x18]  }
0x170: {  	s13 =	sadd.s32 $0x1, s11;
	s11 =	rddreg [dreg:$0xa]  }
0x171: {  	p0 =	sne.s32 s13, s11  }
.Ltmp1:
0x172: {  	_ = 	snop;
	(pc) =	sbr.rel @p0 .LBB2_1-.Ltmp1, $3  }
0x173: {  	_ =	sdelay $0x1  }
0x174: {  	[sflag:s24] =	ssyncset.done $0x0;
	[dreg:$0x18] =	wrdreg s13  }
0x175: {  	[sflag:s24] =	ssyncadd.s32 $0xFFFFDC00;
	s13 =	rddreg [dreg:$0xb]  }
0x176: {  	_ =	sfence.sel $0x180000  }
0x177: {  	[bflag:$0x0] =	sbarrier.arrive $0xFFFF  }
0x178: {  	_ =	strace $0x90000047  }
0x179: {  	s0 =	stileid.u32;
	[bflag:$0x2] =	sbarrier.arrive $0xFFFF  }
0x17a: {  	p0 =	sne.s32 s0, $0x0;
	s0 =	rddreg [dreg:$0x3]  }
0x17b: {  	s0 =	sadd.s32 @!p0 $0x100000, s0  }
0x17c: {  	[sflag:s0] =	ssyncadd.tile.s32 @!p0 $0x1;
	_ =	shalt  }
.Lfunc_end2:
_tile_overlayer_lowered:
.L_overlay_start_2:
0x17d: {  	(tag) =	ssettag $0x2  }
0x17e: {  	s0 =	rddreg [dreg:$0x0];
	s2 =	stileid.u32  }
0x17f: {  	s1 =	rddreg [dreg:$0x1];
	p0 =	sne.s32 s2, $0x0  }
0x180: {  	s3 =	rddreg [dreg:$0x2];
	[bflag:$0x3] =	sbarrier.arrive $0xFFFF;
	s2 =	simm.s32 @!p0 $0x1C05  }
0x181: {  	[timem:s3], [sflag:s2] =	dma.local @!p0 [hbm:s0], s1  }
0x182: {  	s0 =	simm.s32 @!p0 $0x5  }
0x183: {  	_ =	swait.ge @!p0 [sflag:s0], s1  }
0x184: {  	s1 =	ssub.s32 @!p0 $0x0, s1;
	[sflag:s0] =	ssyncset.done @!p0 $0x0  }
0x185: {  	[sflag:s0] =	ssyncadd.s32 @!p0 s1  }
0x186: {  	[bflag:$0x3] =	sbarrier.arrive $0xFFFF  }
0x187: {  	_ =	shalt  }

</sc_bundles>
